<compile_context>
chip_gen: v7x
topology: tpu7x:2x2x1
jax: 0.10.2.dev20260603
libtpu: 0.0.44.dev20260713+nightly
codegen_flags: <defaults>
</compile_context>

<pallas_src>
import functools

import jax
import jax.numpy as jnp
from jax import lax
from jax.experimental import pallas as pl
from jax.experimental.pallas import tpu as pltpu
from jax.experimental.pallas import tpu_sc as plsc

_N = 10000
_NP = 10240
_E = 320000
_D = 128
_H = _D // 2
_L = 32
_EB = 64
_NBLK = 314
_EPT = _EB * _NBLK
_EPAD = _EPT * 16
_R = 1024
_WN = _NP // 32
_HB = 32


def _k1_body(z_ref, wiou_ref, wf_ref, uf_ref, biou_ref, bf_ref,
             xiou_ref, a_ref, b_ref):
    z = z_ref[...]
    xiou = jnp.dot(z, wiou_ref[...], preferred_element_type=jnp.float32) + biou_ref[...]
    xf = jnp.dot(z, wf_ref[...], preferred_element_type=jnp.float32) + bf_ref[...]
    i = xiou[:, :_D]
    o = xiou[:, _D:2 * _D]
    u = xiou[:, 2 * _D:]
    c1 = jax.nn.sigmoid(i) * jnp.tanh(u)
    h1 = jax.nn.sigmoid(o) * jnp.tanh(c1)
    huf = jnp.dot(h1, uf_ref[...], preferred_element_type=jnp.float32)
    rid = pl.program_id(0) * _R + lax.broadcasted_iota(jnp.int32, (_R, 1), 0)
    m = rid < _N
    h1 = jnp.where(m, h1, 0.0)
    c1 = jnp.where(m, c1, 0.0)
    huf = jnp.where(m, huf, 0.0)
    xiou_ref[...] = xiou
    a_ref[0] = jnp.concatenate([h1[:, :_H], c1[:, :_H]], axis=1)
    a_ref[1] = jnp.concatenate([h1[:, _H:], c1[:, _H:]], axis=1)
    b_ref[0] = jnp.concatenate([huf[:, :_H], xf[:, :_H]], axis=1)
    b_ref[1] = jnp.concatenate([huf[:, _H:], xf[:, _H:]], axis=1)


_k1 = pl.pallas_call(
    _k1_body,
    grid=(_NP // _R,),
    in_specs=[
        pl.BlockSpec((_R, _D), lambda i: (i, 0)),
        pl.BlockSpec((_D, 3 * _D), lambda i: (0, 0)),
        pl.BlockSpec((_D, _D), lambda i: (0, 0)),
        pl.BlockSpec((_D, _D), lambda i: (0, 0)),
        pl.BlockSpec((1, 3 * _D), lambda i: (0, 0)),
        pl.BlockSpec((1, _D), lambda i: (0, 0)),
    ],
    out_specs=[
        pl.BlockSpec((_R, 3 * _D), lambda i: (i, 0)),
        pl.BlockSpec((2, _R, _D), lambda i: (0, i, 0)),
        pl.BlockSpec((2, _R, _D), lambda i: (0, i, 0)),
    ],
    out_shape=[
        jax.ShapeDtypeStruct((_NP, 3 * _D), jnp.float32),
        jax.ShapeDtypeStruct((2, _NP, _D), jnp.float32),
        jax.ShapeDtypeStruct((2, _NP, _D), jnp.float32),
    ],
)


def _k2_body(xiou_ref, sums_ref, uiou_ref, wmu_ref, wlv_ref,
             bmu_ref, blv_ref, out_ref):
    hs = jnp.concatenate([sums_ref[0, :, :_H], sums_ref[1, :, :_H]], axis=1)
    cs = jnp.concatenate([sums_ref[0, :, _H:], sums_ref[1, :, _H:]], axis=1)
    iou = xiou_ref[...] + jnp.dot(hs, uiou_ref[...],
                                  preferred_element_type=jnp.float32)
    i = iou[:, :_D]
    o = iou[:, _D:2 * _D]
    u = iou[:, 2 * _D:]
    c2 = jax.nn.sigmoid(i) * jnp.tanh(u) + cs
    h2 = jax.nn.sigmoid(o) * jnp.tanh(c2)
    mu = jnp.dot(h2, wmu_ref[...], preferred_element_type=jnp.float32) + bmu_ref[...]
    lv = jnp.dot(h2, wlv_ref[...], preferred_element_type=jnp.float32) + blv_ref[...]
    out_ref[...] = jnp.concatenate([mu, lv], axis=-1)


_k2 = pl.pallas_call(
    _k2_body,
    grid=(_NP // _R,),
    in_specs=[
        pl.BlockSpec((_R, 3 * _D), lambda i: (i, 0)),
        pl.BlockSpec((2, _R, _D), lambda i: (0, i, 0)),
        pl.BlockSpec((_D, 3 * _D), lambda i: (0, 0)),
        pl.BlockSpec((_D, _L), lambda i: (0, 0)),
        pl.BlockSpec((_D, _L), lambda i: (0, 0)),
        pl.BlockSpec((1, _L), lambda i: (0, 0)),
        pl.BlockSpec((1, _L), lambda i: (0, 0)),
    ],
    out_specs=pl.BlockSpec((_R, 2 * _L), lambda i: (i, 0)),
    out_shape=jax.ShapeDtypeStruct((_NP, 2 * _L), jnp.float32),
)


_mesh = plsc.VectorSubcoreMesh(core_axis_name="c", subcore_axis_name="s")


@functools.partial(
    pl.kernel,
    out_type=jax.ShapeDtypeStruct((2, _NP, _D), jnp.float32),
    mesh=_mesh,
    scratch_types=[
        pltpu.VMEM((3, _EB), jnp.int32),
        pltpu.VMEM((_EB, _D), jnp.float32),
        pltpu.VMEM((_EB, _D), jnp.float32),
        pltpu.VMEM((_EB, _D), jnp.float32),
        pltpu.VMEM_SHARED((_NP, _D), jnp.float32),
        pltpu.SemaphoreType.DMA,
    ],
)
def _edge_kernel(a_hbm, b_hbm, idx_hbm,
                 out_hbm,
                 ibuf, ab, bsb, bdb, acc, sem):
    cid = lax.axis_index("c")
    sid = lax.axis_index("s")
    zeros16 = jnp.zeros((16,), jnp.float32)

    def zrow(r, carry):
        for c in range(_D // 16):
            ab[r, pl.ds(c * 16, 16)] = zeros16
        return carry

    lax.fori_loop(0, _EB, zrow, 0)
    for k in range(640 // _EB):
        pltpu.sync_copy(ab, acc.at[pl.ds(sid * 640 + k * _EB, _EB)])
    plsc.subcore_barrier()

    def blk(b, carry):
        blkid = sid * _NBLK + b
        pltpu.sync_copy(idx_hbm.at[cid, blkid], ibuf)
        cp1 = pltpu.async_copy(a_hbm.at[ibuf.at[0]], ab, sem)
        cp2 = pltpu.async_copy(b_hbm.at[ibuf.at[0]], bsb, sem)
        cp3 = pltpu.async_copy(b_hbm.at[ibuf.at[1]], bdb, sem)
        cp1.wait()
        cp2.wait()
        cp3.wait()

        def crow(r, inner):
            for c in range(_H // 16):
                sl = pl.ds(c * 16, 16)
                sl2 = pl.ds(_H + c * 16, 16)
                t = bdb[r, sl2] + bsb[r, sl]
                f = 1.0 / (1.0 + jnp.exp(-t))
                ab[r, sl2] = f * ab[r, sl2]
            return inner

        lax.fori_loop(0, _EB, crow, 0)
        pltpu.sync_copy(ab, acc.at[ibuf.at[2]], add=True)
        return carry

    lax.fori_loop(0, _NBLK, blk, 0)
    plsc.subcore_barrier()
    r0 = sid * 640
    pltpu.sync_copy(acc.at[pl.ds(r0, 640)], out_hbm.at[cid, pl.ds(r0, 640)])


@functools.partial(
    pl.kernel,
    out_type=jax.ShapeDtypeStruct((_NP, 2 * _L), jnp.float32),
    mesh=_mesh,
    scratch_types=[
        pltpu.VMEM((_HB,), jnp.int32),
        pltpu.VMEM((_HB, 2 * _L * _L), jnp.float32),
        pltpu.VMEM((_HB, 2 * _L), jnp.float32),
        pltpu.VMEM((_HB, 2 * _L), jnp.float32),
        pltpu.SemaphoreType.DMA,
    ],
)
def _head_kernel(opid_hbm, mupre_hbm, table_hbm, out_hbm,
                 idxb, wbuf, mub, outv, sem):
    cid = lax.axis_index("c")
    sid = lax.axis_index("s")
    wid = sid * 2 + cid
    nb = wid * _WN

    def blk(b, carry):
        nb2 = nb + b * _HB
        pltpu.sync_copy(opid_hbm.at[pl.ds(nb2, _HB)], idxb)
        cpw = pltpu.async_copy(table_hbm.at[idxb], wbuf, sem)
        pltpu.sync_copy(mupre_hbm.at[pl.ds(nb2, _HB)], mub)
        cpw.wait()

        def node(n, inner):
            mu0 = jnp.zeros((16,), jnp.float32)
            mu1 = jnp.zeros((16,), jnp.float32)
            lv0 = jnp.zeros((16,), jnp.float32)
            lv1 = jnp.zeros((16,), jnp.float32)
            for lc in range(_L // 16):
                mvec = mub[n, pl.ds(lc * 16, 16)]
                lvec = mub[n, pl.ds(_L + lc * 16, 16)]
                for t in range(16):
                    l = lc * 16 + t
                    mval = mvec[t]
                    lval = lvec[t]
                    base = l * 2 * _L
                    mu0 = mu0 + mval * wbuf[n, pl.ds(base, 16)]
                    mu1 = mu1 + mval * wbuf[n, pl.ds(base + 16, 16)]
                    lv0 = lv0 + lval * wbuf[n, pl.ds(base + 32, 16)]
                    lv1 = lv1 + lval * wbuf[n, pl.ds(base + 48, 16)]
            outv[n, pl.ds(0, 16)] = mu0
            outv[n, pl.ds(16, 16)] = mu1
            outv[n, pl.ds(32, 16)] = lv0
            outv[n, pl.ds(48, 16)] = lv1
            return inner

        lax.fori_loop(0, _HB, node, 0)
        pltpu.sync_copy(outv, out_hbm.at[pl.ds(nb2, _HB)])
        return carry

    lax.fori_loop(0, _WN // _HB, blk, 0)


@jax.jit
def kernel(z_latency, edge_index, operation_id, W_iou, U_iou, b_iou,
           W_f, U_f, b_f, W_mu, b_mu, W_lv, b_lv, op_table):
    z_pad = jnp.pad(z_latency, ((0, _NP - _N), (0, 0)))
    xiou, a_st, b_st = _k1(
        z_pad, W_iou, W_f, U_f,
        b_iou.reshape(1, 3 * _D), b_f.reshape(1, _D))

    src = edge_index[0]
    dst = edge_index[1]
    pad_e = _EPAD - _E
    src_p = jnp.concatenate([src, jnp.full((pad_e,), _N, jnp.int32)])
    dst_p = jnp.concatenate([dst, jnp.zeros((pad_e,), jnp.int32)])
    src2 = jnp.stack([src_p, src_p + _NP]).reshape(2, 16 * _NBLK, _EB)
    dst2 = jnp.stack([dst_p, dst_p + _NP]).reshape(2, 16 * _NBLK, _EB)
    dstr = jnp.broadcast_to(dst_p.reshape(1, 16 * _NBLK, _EB),
                            (2, 16 * _NBLK, _EB))
    idx_packed = jnp.stack([src2, dst2, dstr], axis=2)

    sums = _edge_kernel(
        a_st.reshape(2 * _NP, _D), b_st.reshape(2 * _NP, _D), idx_packed)

    mupre = _k2(xiou, sums, U_iou, W_mu, W_lv,
                b_mu.reshape(1, _L), b_lv.reshape(1, _L))

    opid_p = jnp.pad(operation_id, (0, _NP - _N))
    head = _head_kernel(opid_p, mupre, op_table)
    return head[:_N, :_L], head[:_N, _L:]

# --- scband reference (transcript-rebuilt; emitter-appended) ---
"""Pipeline reference for scband-tree-lstmlatency-decoder-15393162789542 (READ-ONLY COPY).

The authoritative reference and input builder live on the scoring server;
editing this copy changes nothing except your own understanding.
"""

import jax, jax.numpy as jnp
import numpy as np

N = 10000
E = 320000
D = 128
L = 32
OP = 10001
T_STEPS = 2


def setup_inputs(seed: int = 0) -> dict:
    key = jax.random.key(seed)
    ks = jax.random.split(key, 16)
    s = 1.0 / np.sqrt(D)
    inp = {}
    inp["z_latency"] = jax.random.normal(ks[0], (N, D), dtype=jnp.float32)
    inp["edge_index"] = jax.random.randint(ks[1], (2, E), 0, N, dtype=jnp.int32)
    inp["operation_id"] = jax.random.randint(ks[2], (N,), 0, OP, dtype=jnp.int32)
    inp["W_iou"] = jax.random.uniform(ks[3], (D, 3 * D), minval=-s, maxval=s, dtype=jnp.float32)
    inp["U_iou"] = jax.random.uniform(ks[4], (D, 3 * D), minval=-s, maxval=s, dtype=jnp.float32)
    inp["b_iou"] = jnp.zeros((3 * D,), dtype=jnp.float32)
    inp["W_f"] = jax.random.uniform(ks[5], (D, D), minval=-s, maxval=s, dtype=jnp.float32)
    inp["U_f"] = jax.random.uniform(ks[6], (D, D), minval=-s, maxval=s, dtype=jnp.float32)
    inp["b_f"] = jnp.zeros((D,), dtype=jnp.float32)
    inp["W_mu"] = jax.random.uniform(ks[7], (D, L), minval=-s, maxval=s, dtype=jnp.float32)
    inp["b_mu"] = jnp.zeros((L,), dtype=jnp.float32)
    inp["W_lv"] = jax.random.uniform(ks[8], (D, L), minval=-s, maxval=s, dtype=jnp.float32)
    inp["b_lv"] = jnp.zeros((L,), dtype=jnp.float32)
    inp["op_table"] = jax.random.normal(ks[9], (OP, 2 * L * L), dtype=jnp.float32) * 0.02
    return inp


def _tree_lstm(z, edge_index, W_iou, U_iou, b_iou, W_f, U_f, b_f):
    # Child-sum TreeLSTM (Tai et al.), unrolled as T_STEPS rounds of
    # edge-wise gather / segment-sum message passing over src->dst edges.
    src = edge_index[0]
    dst = edge_index[1]
    h = jnp.zeros((N, D), dtype=z.dtype)
    c = jnp.zeros((N, D), dtype=z.dtype)
    x_f = z @ W_f
    x_iou = z @ W_iou
    for _ in range(T_STEPS):
        h_src = jnp.take(h, src, axis=0)
        c_src = jnp.take(c, src, axis=0)
        f = jax.nn.sigmoid(jnp.take(x_f, dst, axis=0) + h_src @ U_f + b_f)
        fc = f * c_src
        h_sum = jax.ops.segment_sum(h_src, dst, num_segments=N)
        c_sum = jax.ops.segment_sum(fc, dst, num_segments=N)
        iou = x_iou + h_sum @ U_iou + b_iou
        i, o, u = jnp.split(iou, 3, axis=-1)
        i = jax.nn.sigmoid(i)
        o = jax.nn.sigmoid(o)
        u = jnp.tanh(u)
        c = i * u + c_sum
        h = o * jnp.tanh(c)
    return h


def reference(z_latency, edge_index, operation_id, W_iou, U_iou, b_iou, W_f, U_f, b_f, W_mu, b_mu, W_lv, b_lv, op_table):
    y = _tree_lstm(z_latency, edge_index, W_iou, U_iou, b_iou, W_f, U_f, b_f)
    mu = y @ W_mu + b_mu
    logvar = y @ W_lv + b_lv
    w = jnp.take(op_table, operation_id, axis=0).reshape(N, L, 2 * L)
    w_mu = w[:, :, :L]
    w_lv = w[:, :, L:]
    mu = jnp.einsum('nl,nlk->nk', mu, w_mu)
    logvar = jnp.einsum('nl,nlk->nk', logvar, w_lv)
    return (mu, logvar)

if __name__ == "__main__":
    import jax
    _d = setup_inputs()
    print(jax.jit(kernel)(*tuple(_d.values())))

</pallas_src>

<mosaic_0001>
#map = affine_map<(d0, d1) -> (0)>
#map1 = affine_map<(d0, d1) -> (0, 0)>
module attributes {stable_mosaic.version = 14 : i64} {
  func.func @_head_kernel(%arg0: i32, %arg1: i32, %arg2: memref<10240xi32, #tpu.memory_space<hbm>>, %arg3: memref<10240x64xf32, #tpu.memory_space<hbm>>, %arg4: memref<10001x2048xf32, #tpu.memory_space<hbm>>, %arg5: memref<10240x64xf32, #tpu.memory_space<hbm>>, %arg6: memref<32xi32, #tpu.memory_space<vmem>>, %arg7: memref<32x2048xf32, #tpu.memory_space<vmem>>, %arg8: memref<32x64xf32, #tpu.memory_space<vmem>>, %arg9: memref<32x64xf32, #tpu.memory_space<vmem>>, %arg10: memref<!tpu.dma_semaphore, #tpu.memory_space<semaphore_mem>>) attributes {dimension_semantics = [#tpu.dimension_semantics<core_parallel>, #tpu.dimension_semantics<subcore_parallel>], iteration_bounds = array<i64: 2, 16>, scalar_prefetch = 0 : i64, scratch_operands = 5 : i64, tpu.core_type = #tpu.core_type<sc_vector_subcore>, window_params = [{transform_indices = #map}, {transform_indices = #map1}, {transform_indices = #map1}, {transform_indices = #map1}]} {
    %mul3A = arith.constant 2 : i32
    %mul3A_0 = arith.muli %arg1, %mul3A : i32
    %add3A = arith.addi %mul3A_0, %arg0 : i32
    %mul3A_1 = arith.constant 320 : i32
    %mul3A_2 = arith.muli %add3A, %mul3A_1 : i32
    %scan3A = arith.constant 0 : i32
    %scan3A_3 = arith.constant 0 : i32
    %scan3A_4 = arith.constant 10 : i32
    %scan3A_5 = arith.addi %scan3A_3, %scan3A_4 : i32
    %scan3A_6 = arith.constant 1 : i32
    scf.for %scan3A_8 = %scan3A_3 to %scan3A_5 step %scan3A_6  : i32 {
      %mul3A_9 = arith.constant 32 : i32
      %mul3A_10 = arith.muli %scan3A_8, %mul3A_9 : i32
      %add3A_11 = arith.addi %mul3A_2, %mul3A_10 : i32
      "tpu.region"() ({
        %run_scoped3A = tpu.sem_alloc : memref<!tpu.dma_semaphore, #tpu.memory_space<semaphore_mem>>
        %dma_start3A_22 = tpu.memref_slice %arg2[%add3A_11] : memref<10240xi32, #tpu.memory_space<hbm>> -> memref<32xi32, #tpu.memory_space<hbm>>
        %dma_start3A_23 = tpu.memref_slice %arg2[%add3A_11] : memref<10240xi32, #tpu.memory_space<hbm>> -> memref<32xi32, #tpu.memory_space<hbm>>
        tpu.enqueue_dma source(%dma_start3A_23 : memref<32xi32, #tpu.memory_space<hbm>>) target(%arg6 : memref<32xi32, #tpu.memory_space<vmem>>) target_semaphore(%run_scoped3A : memref<!tpu.dma_semaphore, #tpu.memory_space<semaphore_mem>>)
        %dma_wait3A_24 = tpu.memref_slice %arg2[%add3A_11] : memref<10240xi32, #tpu.memory_space<hbm>> -> memref<32xi32, #tpu.memory_space<hbm>>
        %dma_wait3A_25 = tpu.memref_slice %arg2[%add3A_11] : memref<10240xi32, #tpu.memory_space<hbm>> -> memref<32xi32, #tpu.memory_space<hbm>>
        tpu.wait_dma2 semaphore(%run_scoped3A : memref<!tpu.dma_semaphore, #tpu.memory_space<semaphore_mem>>) src(%dma_wait3A_25 : memref<32xi32, #tpu.memory_space<hbm>>) dst(%arg6 : memref<32xi32, #tpu.memory_space<vmem>>)
        tpu.yield
      }) : () -> ()
      %dma_start3A = arith.constant 0 : i32
      %dma_start3A_12 = arith.constant 0 : i32
      %dma_start3A_13 = tpu.memref_slice %arg4[%dma_start3A, %dma_start3A_12] : memref<10001x2048xf32, #tpu.memory_space<hbm>> -> memref<10001x2048xf32, #tpu.memory_space<hbm>>
      tpu.enqueue_indirect_dma source(%dma_start3A_13 : memref<10001x2048xf32, #tpu.memory_space<hbm>>) target(%arg7 : memref<32x2048xf32, #tpu.memory_space<vmem>>) offsets(%arg6 : memref<32xi32, #tpu.memory_space<vmem>>) semaphore(%arg10 : memref<!tpu.dma_semaphore, #tpu.memory_space<semaphore_mem>>)
      "tpu.region"() ({
        %run_scoped3A = tpu.sem_alloc : memref<!tpu.dma_semaphore, #tpu.memory_space<semaphore_mem>>
        %dma_start3A_22 = arith.constant 0 : i32
        %dma_start3A_23 = tpu.memref_slice %arg3[%add3A_11, %dma_start3A_22] : memref<10240x64xf32, #tpu.memory_space<hbm>> -> memref<32x64xf32, #tpu.memory_space<hbm>>
        %dma_start3A_24 = arith.constant 0 : i32
        %dma_start3A_25 = tpu.memref_slice %arg3[%add3A_11, %dma_start3A_24] : memref<10240x64xf32, #tpu.memory_space<hbm>> -> memref<32x64xf32, #tpu.memory_space<hbm>>
        tpu.enqueue_dma source(%dma_start3A_25 : memref<32x64xf32, #tpu.memory_space<hbm>>) target(%arg8 : memref<32x64xf32, #tpu.memory_space<vmem>>) target_semaphore(%run_scoped3A : memref<!tpu.dma_semaphore, #tpu.memory_space<semaphore_mem>>)
        %dma_wait3A_26 = arith.constant 0 : i32
        %dma_wait3A_27 = tpu.memref_slice %arg3[%add3A_11, %dma_wait3A_26] : memref<10240x64xf32, #tpu.memory_space<hbm>> -> memref<32x64xf32, #tpu.memory_space<hbm>>
        %dma_wait3A_28 = arith.constant 0 : i32
        %dma_wait3A_29 = tpu.memref_slice %arg3[%add3A_11, %dma_wait3A_28] : memref<10240x64xf32, #tpu.memory_space<hbm>> -> memref<32x64xf32, #tpu.memory_space<hbm>>
        tpu.wait_dma2 semaphore(%run_scoped3A : memref<!tpu.dma_semaphore, #tpu.memory_space<semaphore_mem>>) src(%dma_wait3A_29 : memref<32x64xf32, #tpu.memory_space<hbm>>) dst(%arg8 : memref<32x64xf32, #tpu.memory_space<vmem>>)
        tpu.yield
      }) : () -> ()
      %dma_wait3A = arith.constant 0 : i32
      %dma_wait3A_14 = arith.constant 0 : i32
      %dma_wait3A_15 = tpu.memref_slice %arg4[%dma_wait3A, %dma_wait3A_14] : memref<10001x2048xf32, #tpu.memory_space<hbm>> -> memref<10001x2048xf32, #tpu.memory_space<hbm>>
      tpu.wait_indirect_dma semaphore(%arg10 : memref<!tpu.dma_semaphore, #tpu.memory_space<semaphore_mem>>) src(%dma_wait3A_15 : memref<10001x2048xf32, #tpu.memory_space<hbm>>) dst(%arg7 : memref<32x2048xf32, #tpu.memory_space<vmem>>)
      %scan3A_16 = arith.constant 0 : i32
      %scan3A_17 = arith.constant 0 : i32
      %scan3A_18 = arith.constant 32 : i32
      %scan3A_19 = arith.addi %scan3A_17, %scan3A_18 : i32
      %scan3A_20 = arith.constant 1 : i32
      scf.for %scan3A_22 = %scan3A_17 to %scan3A_19 step %scan3A_20  : i32 {
        %broadcast_in_dim3A = arith.constant 0.000000e+00 : f32
        %broadcast_in_dim3A_23 = vector.broadcast %broadcast_in_dim3A : f32 to vector<16xf32>
        %broadcast_in_dim3A_24 = arith.constant 0.000000e+00 : f32
        %broadcast_in_dim3A_25 = vector.broadcast %broadcast_in_dim3A_24 : f32 to vector<16xf32>
        %broadcast_in_dim3A_26 = arith.constant 0.000000e+00 : f32
        %broadcast_in_dim3A_27 = vector.broadcast %broadcast_in_dim3A_26 : f32 to vector<16xf32>
        %broadcast_in_dim3A_28 = arith.constant 0.000000e+00 : f32
        %broadcast_in_dim3A_29 = vector.broadcast %broadcast_in_dim3A_28 : f32 to vector<16xf32>
        %get3A = arith.index_cast %scan3A_22 : i32 to index
        %get3A_30 = arith.constant 0 : index
        %get3A_31 = tpu.vector_load %arg8[%get3A, %get3A_30] {strides = array<i32>} : memref<32x64xf32, #tpu.memory_space<vmem>>, vector<1x16xf32>,
        %get3A_32 = vector.shape_cast %get3A_31 : vector<1x16xf32> to vector<16xf32>
        %get3A_33 = arith.index_cast %scan3A_22 : i32 to index
        %get3A_34 = arith.constant 32 : index
        %get3A_35 = tpu.vector_load %arg8[%get3A_33, %get3A_34] {strides = array<i32>} : memref<32x64xf32, #tpu.memory_space<vmem>>, vector<1x16xf32>,
        %get3A_36 = vector.shape_cast %get3A_35 : vector<1x16xf32> to vector<16xf32>
        %slice3A = vector.extract_strided_slice %get3A_32 {offsets = [0], sizes = [1], strides = [1]} : vector<16xf32> to vector<1xf32>
        %squeeze3A = vector.extract %slice3A[0] : f32 from vector<1xf32>
        %slice3A_37 = vector.extract_strided_slice %get3A_36 {offsets = [0], sizes = [1], strides = [1]} : vector<16xf32> to vector<1xf32>
        %squeeze3A_38 = vector.extract %slice3A_37[0] : f32 from vector<1xf32>
        %get3A_39 = arith.index_cast %scan3A_22 : i32 to index
        %get3A_40 = arith.constant 0 : index
        %get3A_41 = tpu.vector_load %arg7[%get3A_39, %get3A_40] {strides = array<i32>} : memref<32x2048xf32, #tpu.memory_space<vmem>>, vector<1x16xf32>,
        %get3A_42 = vector.shape_cast %get3A_41 : vector<1x16xf32> to vector<16xf32>
        %mul3A_43 = vector.broadcast %squeeze3A : f32 to vector<16xf32>
        %mul3A_44 = arith.mulf %mul3A_43, %get3A_42 : vector<16xf32>
        %add3A_45 = arith.addf %broadcast_in_dim3A_23, %mul3A_44 : vector<16xf32>
        %get3A_46 = arith.index_cast %scan3A_22 : i32 to index
        %get3A_47 = arith.constant 16 : index
        %get3A_48 = tpu.vector_load %arg7[%get3A_46, %get3A_47] {strides = array<i32>} : memref<32x2048xf32, #tpu.memory_space<vmem>>, vector<1x16xf32>,
        %get3A_49 = vector.shape_cast %get3A_48 : vector<1x16xf32> to vector<16xf32>
        %mul3A_50 = vector.broadcast %squeeze3A : f32 to vector<16xf32>
        %mul3A_51 = arith.mulf %mul3A_50, %get3A_49 : vector<16xf32>
        %add3A_52 = arith.addf %broadcast_in_dim3A_25, %mul3A_51 : vector<16xf32>
        %get3A_53 = arith.index_cast %scan3A_22 : i32 to index
        %get3A_54 = arith.constant 32 : index
        %get3A_55 = tpu.vector_load %arg7[%get3A_53, %get3A_54] {strides = array<i32>} : memref<32x2048xf32, #tpu.memory_space<vmem>>, vector<1x16xf32>,
        %get3A_56 = vector.shape_cast %get3A_55 : vector<1x16xf32> to vector<16xf32>
        %mul3A_57 = vector.broadcast %squeeze3A_38 : f32 to vector<16xf32>
        %mul3A_58 = arith.mulf %mul3A_57, %get3A_56 : vector<16xf32>
        %add3A_59 = arith.addf %broadcast_in_dim3A_27, %mul3A_58 : vector<16xf32>
        %get3A_60 = arith.index_cast %scan3A_22 : i32 to index
        %get3A_61 = arith.constant 48 : index
        %get3A_62 = tpu.vector_load %arg7[%get3A_60, %get3A_61] {strides = array<i32>} : memref<32x2048xf32, #tpu.memory_space<vmem>>, vector<1x16xf32>,
        %get3A_63 = vector.shape_cast %get3A_62 : vector<1x16xf32> to vector<16xf32>
        %mul3A_64 = vector.broadcast %squeeze3A_38 : f32 to vector<16xf32>
        %mul3A_65 = arith.mulf %mul3A_64, %get3A_63 : vector<16xf32>
        %add3A_66 = arith.addf %broadcast_in_dim3A_29, %mul3A_65 : vector<16xf32>
        %slice3A_67 = vector.extract_strided_slice %get3A_32 {offsets = [1], sizes = [1], strides = [1]} : vector<16xf32> to vector<1xf32>
        %squeeze3A_68 = vector.extract %slice3A_67[0] : f32 from vector<1xf32>
        %slice3A_69 = vector.extract_strided_slice %get3A_36 {offsets = [1], sizes = [1], strides = [1]} : vector<16xf32> to vector<1xf32>
        %squeeze3A_70 = vector.extract %slice3A_69[0] : f32 from vector<1xf32>
        %get3A_71 = arith.index_cast %scan3A_22 : i32 to index
        %get3A_72 = arith.constant 64 : index
        %get3A_73 = tpu.vector_load %arg7[%get3A_71, %get3A_72] {strides = array<i32>} : memref<32x2048xf32, #tpu.memory_space<vmem>>, vector<1x16xf32>,
        %get3A_74 = vector.shape_cast %get3A_73 : vector<1x16xf32> to vector<16xf32>
        %mul3A_75 = vector.broadcast %squeeze3A_68 : f32 to vector<16xf32>
        %mul3A_76 = arith.mulf %mul3A_75, %get3A_74 : vector<16xf32>
        %add3A_77 = arith.addf %add3A_45, %mul3A_76 : vector<16xf32>
        %get3A_78 = arith.index_cast %scan3A_22 : i32 to index
        %get3A_79 = arith.constant 80 : index
        %get3A_80 = tpu.vector_load %arg7[%get3A_78, %get3A_79] {strides = array<i32>} : memref<32x2048xf32, #tpu.memory_space<vmem>>, vector<1x16xf32>,
        %get3A_81 = vector.shape_cast %get3A_80 : vector<1x16xf32> to vector<16xf32>
        %mul3A_82 = vector.broadcast %squeeze3A_68 : f32 to vector<16xf32>
        %mul3A_83 = arith.mulf %mul3A_82, %get3A_81 : vector<16xf32>
        %add3A_84 = arith.addf %add3A_52, %mul3A_83 : vector<16xf32>
        %get3A_85 = arith.index_cast %scan3A_22 : i32 to index
        %get3A_86 = arith.constant 96 : index
        %get3A_87 = tpu.vector_load %arg7[%get3A_85, %get3A_86] {strides = array<i32>} : memref<32x2048xf32, #tpu.memory_space<vmem>>, vector<1x16xf32>,
        %get3A_88 = vector.shape_cast %get3A_87 : vector<1x16xf32> to vector<16xf32>
        %mul3A_89 = vector.broadcast %squeeze3A_70 : f32 to vector<16xf32>
        %mul3A_90 = arith.mulf %mul3A_89, %get3A_88 : vector<16xf32>
        %add3A_91 = arith.addf %add3A_59, %mul3A_90 : vector<16xf32>
        %get3A_92 = arith.index_cast %scan3A_22 : i32 to index
        %get3A_93 = arith.constant 112 : index
        %get3A_94 = tpu.vector_load %arg7[%get3A_92, %get3A_93] {strides = array<i32>} : memref<32x2048xf32, #tpu.memory_space<vmem>>, vector<1x16xf32>,
        %get3A_95 = vector.shape_cast %get3A_94 : vector<1x16xf32> to vector<16xf32>
        %mul3A_96 = vector.broadcast %squeeze3A_70 : f32 to vector<16xf32>
        %mul3A_97 = arith.mulf %mul3A_96, %get3A_95 : vector<16xf32>
        %add3A_98 = arith.addf %add3A_66, %mul3A_97 : vector<16xf32>
        %slice3A_99 = vector.extract_strided_slice %get3A_32 {offsets = [2], sizes = [1], strides = [1]} : vector<16xf32> to vector<1xf32>
        %squeeze3A_100 = vector.extract %slice3A_99[0] : f32 from vector<1xf32>
        %slice3A_101 = vector.extract_strided_slice %get3A_36 {offsets = [2], sizes = [1], strides = [1]} : vector<16xf32> to vector<1xf32>
        %squeeze3A_102 = vector.extract %slice3A_101[0] : f32 from vector<1xf32>
        %get3A_103 = arith.index_cast %scan3A_22 : i32 to index
        %get3A_104 = arith.constant 128 : index
        %get3A_105 = tpu.vector_load %arg7[%get3A_103, %get3A_104] {strides = array<i32>} : memref<32x2048xf32, #tpu.memory_space<vmem>>, vector<1x16xf32>,
        %get3A_106 = vector.shape_cast %get3A_105 : vector<1x16xf32> to vector<16xf32>
        %mul3A_107 = vector.broadcast %squeeze3A_100 : f32 to vector<16xf32>
        %mul3A_108 = arith.mulf %mul3A_107, %get3A_106 : vector<16xf32>
        %add3A_109 = arith.addf %add3A_77, %mul3A_108 : vector<16xf32>
        %get3A_110 = arith.index_cast %scan3A_22 : i32 to index
        %get3A_111 = arith.constant 144 : index
        %get3A_112 = tpu.vector_load %arg7[%get3A_110, %get3A_111] {strides = array<i32>} : memref<32x2048xf32, #tpu.memory_space<vmem>>, vector<1x16xf32>,
        %get3A_113 = vector.shape_cast %get3A_112 : vector<1x16xf32> to vector<16xf32>
        %mul3A_114 = vector.broadcast %squeeze3A_100 : f32 to vector<16xf32>
        %mul3A_115 = arith.mulf %mul3A_114, %get3A_113 : vector<16xf32>
        %add3A_116 = arith.addf %add3A_84, %mul3A_115 : vector<16xf32>
        %get3A_117 = arith.index_cast %scan3A_22 : i32 to index
        %get3A_118 = arith.constant 160 : index
        %get3A_119 = tpu.vector_load %arg7[%get3A_117, %get3A_118] {strides = array<i32>} : memref<32x2048xf32, #tpu.memory_space<vmem>>, vector<1x16xf32>,
        %get3A_120 = vector.shape_cast %get3A_119 : vector<1x16xf32> to vector<16xf32>
        %mul3A_121 = vector.broadcast %squeeze3A_102 : f32 to vector<16xf32>
        %mul3A_122 = arith.mulf %mul3A_121, %get3A_120 : vector<16xf32>
        %add3A_123 = arith.addf %add3A_91, %mul3A_122 : vector<16xf32>
        %get3A_124 = arith.index_cast %scan3A_22 : i32 to index
        %get3A_125 = arith.constant 176 : index
        %get3A_126 = tpu.vector_load %arg7[%get3A_124, %get3A_125] {strides = array<i32>} : memref<32x2048xf32, #tpu.memory_space<vmem>>, vector<1x16xf32>,
        %get3A_127 = vector.shape_cast %get3A_126 : vector<1x16xf32> to vector<16xf32>
        %mul3A_128 = vector.broadcast %squeeze3A_102 : f32 to vector<16xf32>
        %mul3A_129 = arith.mulf %mul3A_128, %get3A_127 : vector<16xf32>
        %add3A_130 = arith.addf %add3A_98, %mul3A_129 : vector<16xf32>
        %slice3A_131 = vector.extract_strided_slice %get3A_32 {offsets = [3], sizes = [1], strides = [1]} : vector<16xf32> to vector<1xf32>
        %squeeze3A_132 = vector.extract %slice3A_131[0] : f32 from vector<1xf32>
        %slice3A_133 = vector.extract_strided_slice %get3A_36 {offsets = [3], sizes = [1], strides = [1]} : vector<16xf32> to vector<1xf32>
        %squeeze3A_134 = vector.extract %slice3A_133[0] : f32 from vector<1xf32>
        %get3A_135 = arith.index_cast %scan3A_22 : i32 to index
        %get3A_136 = arith.constant 192 : index
        %get3A_137 = tpu.vector_load %arg7[%get3A_135, %get3A_136] {strides = array<i32>} : memref<32x2048xf32, #tpu.memory_space<vmem>>, vector<1x16xf32>,
        %get3A_138 = vector.shape_cast %get3A_137 : vector<1x16xf32> to vector<16xf32>
        %mul3A_139 = vector.broadcast %squeeze3A_132 : f32 to vector<16xf32>
        %mul3A_140 = arith.mulf %mul3A_139, %get3A_138 : vector<16xf32>
        %add3A_141 = arith.addf %add3A_109, %mul3A_140 : vector<16xf32>
        %get3A_142 = arith.index_cast %scan3A_22 : i32 to index
        %get3A_143 = arith.constant 208 : index
        %get3A_144 = tpu.vector_load %arg7[%get3A_142, %get3A_143] {strides = array<i32>} : memref<32x2048xf32, #tpu.memory_space<vmem>>, vector<1x16xf32>,
        %get3A_145 = vector.shape_cast %get3A_144 : vector<1x16xf32> to vector<16xf32>
        %mul3A_146 = vector.broadcast %squeeze3A_132 : f32 to vector<16xf32>
        %mul3A_147 = arith.mulf %mul3A_146, %get3A_145 : vector<16xf32>
        %add3A_148 = arith.addf %add3A_116, %mul3A_147 : vector<16xf32>
        %get3A_149 = arith.index_cast %scan3A_22 : i32 to index
        %get3A_150 = arith.constant 224 : index
        %get3A_151 = tpu.vector_load %arg7[%get3A_149, %get3A_150] {strides = array<i32>} : memref<32x2048xf32, #tpu.memory_space<vmem>>, vector<1x16xf32>,
        %get3A_152 = vector.shape_cast %get3A_151 : vector<1x16xf32> to vector<16xf32>
        %mul3A_153 = vector.broadcast %squeeze3A_134 : f32 to vector<16xf32>
        %mul3A_154 = arith.mulf %mul3A_153, %get3A_152 : vector<16xf32>
        %add3A_155 = arith.addf %add3A_123, %mul3A_154 : vector<16xf32>
        %get3A_156 = arith.index_cast %scan3A_22 : i32 to index
        %get3A_157 = arith.constant 240 : index
        %get3A_158 = tpu.vector_load %arg7[%get3A_156, %get3A_157] {strides = array<i32>} : memref<32x2048xf32, #tpu.memory_space<vmem>>, vector<1x16xf32>,
        %get3A_159 = vector.shape_cast %get3A_158 : vector<1x16xf32> to vector<16xf32>
        %mul3A_160 = vector.broadcast %squeeze3A_134 : f32 to vector<16xf32>
        %mul3A_161 = arith.mulf %mul3A_160, %get3A_159 : vector<16xf32>
        %add3A_162 = arith.addf %add3A_130, %mul3A_161 : vector<16xf32>
        %slice3A_163 = vector.extract_strided_slice %get3A_32 {offsets = [4], sizes = [1], strides = [1]} : vector<16xf32> to vector<1xf32>
        %squeeze3A_164 = vector.extract %slice3A_163[0] : f32 from vector<1xf32>
        %slice3A_165 = vector.extract_strided_slice %get3A_36 {offsets = [4], sizes = [1], strides = [1]} : vector<16xf32> to vector<1xf32>
        %squeeze3A_166 = vector.extract %slice3A_165[0] : f32 from vector<1xf32>
        %get3A_167 = arith.index_cast %scan3A_22 : i32 to index
        %get3A_168 = arith.constant 256 : index
        %get3A_169 = tpu.vector_load %arg7[%get3A_167, %get3A_168] {strides = array<i32>} : memref<32x2048xf32, #tpu.memory_space<vmem>>, vector<1x16xf32>,
        %get3A_170 = vector.shape_cast %get3A_169 : vector<1x16xf32> to vector<16xf32>
        %mul3A_171 = vector.broadcast %squeeze3A_164 : f32 to vector<16xf32>
        %mul3A_172 = arith.mulf %mul3A_171, %get3A_170 : vector<16xf32>
        %add3A_173 = arith.addf %add3A_141, %mul3A_172 : vector<16xf32>
        %get3A_174 = arith.index_cast %scan3A_22 : i32 to index
        %get3A_175 = arith.constant 272 : index
        %get3A_176 = tpu.vector_load %arg7[%get3A_174, %get3A_175] {strides = array<i32>} : memref<32x2048xf32, #tpu.memory_space<vmem>>, vector<1x16xf32>,
        %get3A_177 = vector.shape_cast %get3A_176 : vector<1x16xf32> to vector<16xf32>
        %mul3A_178 = vector.broadcast %squeeze3A_164 : f32 to vector<16xf32>
        %mul3A_179 = arith.mulf %mul3A_178, %get3A_177 : vector<16xf32>
        %add3A_180 = arith.addf %add3A_148, %mul3A_179 : vector<16xf32>
        %get3A_181 = arith.index_cast %scan3A_22 : i32 to index
        %get3A_182 = arith.constant 288 : index
        %get3A_183 = tpu.vector_load %arg7[%get3A_181, %get3A_182] {strides = array<i32>} : memref<32x2048xf32, #tpu.memory_space<vmem>>, vector<1x16xf32>,
        %get3A_184 = vector.shape_cast %get3A_183 : vector<1x16xf32> to vector<16xf32>
        %mul3A_185 = vector.broadcast %squeeze3A_166 : f32 to vector<16xf32>
        %mul3A_186 = arith.mulf %mul3A_185, %get3A_184 : vector<16xf32>
        %add3A_187 = arith.addf %add3A_155, %mul3A_186 : vector<16xf32>
        %get3A_188 = arith.index_cast %scan3A_22 : i32 to index
        %get3A_189 = arith.constant 304 : index
        %get3A_190 = tpu.vector_load %arg7[%get3A_188, %get3A_189] {strides = array<i32>} : memref<32x2048xf32, #tpu.memory_space<vmem>>, vector<1x16xf32>,
        %get3A_191 = vector.shape_cast %get3A_190 : vector<1x16xf32> to vector<16xf32>
        %mul3A_192 = vector.broadcast %squeeze3A_166 : f32 to vector<16xf32>
        %mul3A_193 = arith.mulf %mul3A_192, %get3A_191 : vector<16xf32>
        %add3A_194 = arith.addf %add3A_162, %mul3A_193 : vector<16xf32>
        %slice3A_195 = vector.extract_strided_slice %get3A_32 {offsets = [5], sizes = [1], strides = [1]} : vector<16xf32> to vector<1xf32>
        %squeeze3A_196 = vector.extract %slice3A_195[0] : f32 from vector<1xf32>
        %slice3A_197 = vector.extract_strided_slice %get3A_36 {offsets = [5], sizes = [1], strides = [1]} : vector<16xf32> to vector<1xf32>
        %squeeze3A_198 = vector.extract %slice3A_197[0] : f32 from vector<1xf32>
        %get3A_199 = arith.index_cast %scan3A_22 : i32 to index
        %get3A_200 = arith.constant 320 : index
        %get3A_201 = tpu.vector_load %arg7[%get3A_199, %get3A_200] {strides = array<i32>} : memref<32x2048xf32, #tpu.memory_space<vmem>>, vector<1x16xf32>,
        %get3A_202 = vector.shape_cast %get3A_201 : vector<1x16xf32> to vector<16xf32>
        %mul3A_203 = vector.broadcast %squeeze3A_196 : f32 to vector<16xf32>
        %mul3A_204 = arith.mulf %mul3A_203, %get3A_202 : vector<16xf32>
        %add3A_205 = arith.addf %add3A_173, %mul3A_204 : vector<16xf32>
        %get3A_206 = arith.index_cast %scan3A_22 : i32 to index
        %get3A_207 = arith.constant 336 : index
        %get3A_208 = tpu.vector_load %arg7[%get3A_206, %get3A_207] {strides = array<i32>} : memref<32x2048xf32, #tpu.memory_space<vmem>>, vector<1x16xf32>,
        %get3A_209 = vector.shape_cast %get3A_208 : vector<1x16xf32> to vector<16xf32>
        %mul3A_210 = vector.broadcast %squeeze3A_196 : f32 to vector<16xf32>
        %mul3A_211 = arith.mulf %mul3A_210, %get3A_209 : vector<16xf32>
        %add3A_212 = arith.addf %add3A_180, %mul3A_211 : vector<16xf32>
        %get3A_213 = arith.index_cast %scan3A_22 : i32 to index
        %get3A_214 = arith.constant 352 : index
        %get3A_215 = tpu.vector_load %arg7[%get3A_213, %get3A_214] {strides = array<i32>} : memref<32x2048xf32, #tpu.memory_space<vmem>>, vector<1x16xf32>,
        %get3A_216 = vector.shape_cast %get3A_215 : vector<1x16xf32> to vector<16xf32>
        %mul3A_217 = vector.broadcast %squeeze3A_198 : f32 to vector<16xf32>
        %mul3A_218 = arith.mulf %mul3A_217, %get3A_216 : vector<16xf32>
        %add3A_219 = arith.addf %add3A_187, %mul3A_218 : vector<16xf32>
        %get3A_220 = arith.index_cast %scan3A_22 : i32 to index
        %get3A_221 = arith.constant 368 : index
        %get3A_222 = tpu.vector_load %arg7[%get3A_220, %get3A_221] {strides = array<i32>} : memref<32x2048xf32, #tpu.memory_space<vmem>>, vector<1x16xf32>,
        %get3A_223 = vector.shape_cast %get3A_222 : vector<1x16xf32> to vector<16xf32>
        %mul3A_224 = vector.broadcast %squeeze3A_198 : f32 to vector<16xf32>
        %mul3A_225 = arith.mulf %mul3A_224, %get3A_223 : vector<16xf32>
        %add3A_226 = arith.addf %add3A_194, %mul3A_225 : vector<16xf32>
        %slice3A_227 = vector.extract_strided_slice %get3A_32 {offsets = [6], sizes = [1], strides = [1]} : vector<16xf32> to vector<1xf32>
        %squeeze3A_228 = vector.extract %slice3A_227[0] : f32 from vector<1xf32>
        %slice3A_229 = vector.extract_strided_slice %get3A_36 {offsets = [6], sizes = [1], strides = [1]} : vector<16xf32> to vector<1xf32>
        %squeeze3A_230 = vector.extract %slice3A_229[0] : f32 from vector<1xf32>
        %get3A_231 = arith.index_cast %scan3A_22 : i32 to index
        %get3A_232 = arith.constant 384 : index
        %get3A_233 = tpu.vector_load %arg7[%get3A_231, %get3A_232] {strides = array<i32>} : memref<32x2048xf32, #tpu.memory_space<vmem>>, vector<1x16xf32>,
        %get3A_234 = vector.shape_cast %get3A_233 : vector<1x16xf32> to vector<16xf32>
        %mul3A_235 = vector.broadcast %squeeze3A_228 : f32 to vector<16xf32>
        %mul3A_236 = arith.mulf %mul3A_235, %get3A_234 : vector<16xf32>
        %add3A_237 = arith.addf %add3A_205, %mul3A_236 : vector<16xf32>
        %get3A_238 = arith.index_cast %scan3A_22 : i32 to index
        %get3A_239 = arith.constant 400 : index
        %get3A_240 = tpu.vector_load %arg7[%get3A_238, %get3A_239] {strides = array<i32>} : memref<32x2048xf32, #tpu.memory_space<vmem>>, vector<1x16xf32>,
        %get3A_241 = vector.shape_cast %get3A_240 : vector<1x16xf32> to vector<16xf32>
        %mul3A_242 = vector.broadcast %squeeze3A_228 : f32 to vector<16xf32>
        %mul3A_243 = arith.mulf %mul3A_242, %get3A_241 : vector<16xf32>
        %add3A_244 = arith.addf %add3A_212, %mul3A_243 : vector<16xf32>
        %get3A_245 = arith.index_cast %scan3A_22 : i32 to index
        %get3A_246 = arith.constant 416 : index
        %get3A_247 = tpu.vector_load %arg7[%get3A_245, %get3A_246] {strides = array<i32>} : memref<32x2048xf32, #tpu.memory_space<vmem>>, vector<1x16xf32>,
        %get3A_248 = vector.shape_cast %get3A_247 : vector<1x16xf32> to vector<16xf32>
        %mul3A_249 = vector.broadcast %squeeze3A_230 : f32 to vector<16xf32>
        %mul3A_250 = arith.mulf %mul3A_249, %get3A_248 : vector<16xf32>
        %add3A_251 = arith.addf %add3A_219, %mul3A_250 : vector<16xf32>
        %get3A_252 = arith.index_cast %scan3A_22 : i32 to index
        %get3A_253 = arith.constant 432 : index
        %get3A_254 = tpu.vector_load %arg7[%get3A_252, %get3A_253] {strides = array<i32>} : memref<32x2048xf32, #tpu.memory_space<vmem>>, vector<1x16xf32>,
        %get3A_255 = vector.shape_cast %get3A_254 : vector<1x16xf32> to vector<16xf32>
        %mul3A_256 = vector.broadcast %squeeze3A_230 : f32 to vector<16xf32>
        %mul3A_257 = arith.mulf %mul3A_256, %get3A_255 : vector<16xf32>
        %add3A_258 = arith.addf %add3A_226, %mul3A_257 : vector<16xf32>
        %slice3A_259 = vector.extract_strided_slice %get3A_32 {offsets = [7], sizes = [1], strides = [1]} : vector<16xf32> to vector<1xf32>
        %squeeze3A_260 = vector.extract %slice3A_259[0] : f32 from vector<1xf32>
        %slice3A_261 = vector.extract_strided_slice %get3A_36 {offsets = [7], sizes = [1], strides = [1]} : vector<16xf32> to vector<1xf32>
        %squeeze3A_262 = vector.extract %slice3A_261[0] : f32 from vector<1xf32>
        %get3A_263 = arith.index_cast %scan3A_22 : i32 to index
        %get3A_264 = arith.constant 448 : index
        %get3A_265 = tpu.vector_load %arg7[%get3A_263, %get3A_264] {strides = array<i32>} : memref<32x2048xf32, #tpu.memory_space<vmem>>, vector<1x16xf32>,
        %get3A_266 = vector.shape_cast %get3A_265 : vector<1x16xf32> to vector<16xf32>
        %mul3A_267 = vector.broadcast %squeeze3A_260 : f32 to vector<16xf32>
        %mul3A_268 = arith.mulf %mul3A_267, %get3A_266 : vector<16xf32>
        %add3A_269 = arith.addf %add3A_237, %mul3A_268 : vector<16xf32>
        %get3A_270 = arith.index_cast %scan3A_22 : i32 to index
        %get3A_271 = arith.constant 464 : index
        %get3A_272 = tpu.vector_load %arg7[%get3A_270, %get3A_271] {strides = array<i32>} : memref<32x2048xf32, #tpu.memory_space<vmem>>, vector<1x16xf32>,
        %get3A_273 = vector.shape_cast %get3A_272 : vector<1x16xf32> to vector<16xf32>
        %mul3A_274 = vector.broadcast %squeeze3A_260 : f32 to vector<16xf32>
        %mul3A_275 = arith.mulf %mul3A_274, %get3A_273 : vector<16xf32>
        %add3A_276 = arith.addf %add3A_244, %mul3A_275 : vector<16xf32>
        %get3A_277 = arith.index_cast %scan3A_22 : i32 to index
        %get3A_278 = arith.constant 480 : index
        %get3A_279 = tpu.vector_load %arg7[%get3A_277, %get3A_278] {strides = array<i32>} : memref<32x2048xf32, #tpu.memory_space<vmem>>, vector<1x16xf32>,
        %get3A_280 = vector.shape_cast %get3A_279 : vector<1x16xf32> to vector<16xf32>
        %mul3A_281 = vector.broadcast %squeeze3A_262 : f32 to vector<16xf32>
        %mul3A_282 = arith.mulf %mul3A_281, %get3A_280 : vector<16xf32>
        %add3A_283 = arith.addf %add3A_251, %mul3A_282 : vector<16xf32>
        %get3A_284 = arith.index_cast %scan3A_22 : i32 to index
        %get3A_285 = arith.constant 496 : index
        %get3A_286 = tpu.vector_load %arg7[%get3A_284, %get3A_285] {strides = array<i32>} : memref<32x2048xf32, #tpu.memory_space<vmem>>, vector<1x16xf32>,
        %get3A_287 = vector.shape_cast %get3A_286 : vector<1x16xf32> to vector<16xf32>
        %mul3A_288 = vector.broadcast %squeeze3A_262 : f32 to vector<16xf32>
        %mul3A_289 = arith.mulf %mul3A_288, %get3A_287 : vector<16xf32>
        %add3A_290 = arith.addf %add3A_258, %mul3A_289 : vector<16xf32>
        %slice3A_291 = vector.extract_strided_slice %get3A_32 {offsets = [8], sizes = [1], strides = [1]} : vector<16xf32> to vector<1xf32>
        %squeeze3A_292 = vector.extract %slice3A_291[0] : f32 from vector<1xf32>
        %slice3A_293 = vector.extract_strided_slice %get3A_36 {offsets = [8], sizes = [1], strides = [1]} : vector<16xf32> to vector<1xf32>
        %squeeze3A_294 = vector.extract %slice3A_293[0] : f32 from vector<1xf32>
        %get3A_295 = arith.index_cast %scan3A_22 : i32 to index
        %get3A_296 = arith.constant 512 : index
        %get3A_297 = tpu.vector_load %arg7[%get3A_295, %get3A_296] {strides = array<i32>} : memref<32x2048xf32, #tpu.memory_space<vmem>>, vector<1x16xf32>,
        %get3A_298 = vector.shape_cast %get3A_297 : vector<1x16xf32> to vector<16xf32>
        %mul3A_299 = vector.broadcast %squeeze3A_292 : f32 to vector<16xf32>
        %mul3A_300 = arith.mulf %mul3A_299, %get3A_298 : vector<16xf32>
        %add3A_301 = arith.addf %add3A_269, %mul3A_300 : vector<16xf32>
        %get3A_302 = arith.index_cast %scan3A_22 : i32 to index
        %get3A_303 = arith.constant 528 : index
        %get3A_304 = tpu.vector_load %arg7[%get3A_302, %get3A_303] {strides = array<i32>} : memref<32x2048xf32, #tpu.memory_space<vmem>>, vector<1x16xf32>,
        %get3A_305 = vector.shape_cast %get3A_304 : vector<1x16xf32> to vector<16xf32>
        %mul3A_306 = vector.broadcast %squeeze3A_292 : f32 to vector<16xf32>
        %mul3A_307 = arith.mulf %mul3A_306, %get3A_305 : vector<16xf32>
        %add3A_308 = arith.addf %add3A_276, %mul3A_307 : vector<16xf32>
        %get3A_309 = arith.index_cast %scan3A_22 : i32 to index
        %get3A_310 = arith.constant 544 : index
        %get3A_311 = tpu.vector_load %arg7[%get3A_309, %get3A_310] {strides = array<i32>} : memref<32x2048xf32, #tpu.memory_space<vmem>>, vector<1x16xf32>,
        %get3A_312 = vector.shape_cast %get3A_311 : vector<1x16xf32> to vector<16xf32>
        %mul3A_313 = vector.broadcast %squeeze3A_294 : f32 to vector<16xf32>
        %mul3A_314 = arith.mulf %mul3A_313, %get3A_312 : vector<16xf32>
        %add3A_315 = arith.addf %add3A_283, %mul3A_314 : vector<16xf32>
        %get3A_316 = arith.index_cast %scan3A_22 : i32 to index
        %get3A_317 = arith.constant 560 : index
        %get3A_318 = tpu.vector_load %arg7[%get3A_316, %get3A_317] {strides = array<i32>} : memref<32x2048xf32, #tpu.memory_space<vmem>>, vector<1x16xf32>,
        %get3A_319 = vector.shape_cast %get3A_318 : vector<1x16xf32> to vector<16xf32>
        %mul3A_320 = vector.broadcast %squeeze3A_294 : f32 to vector<16xf32>
        %mul3A_321 = arith.mulf %mul3A_320, %get3A_319 : vector<16xf32>
        %add3A_322 = arith.addf %add3A_290, %mul3A_321 : vector<16xf32>
        %slice3A_323 = vector.extract_strided_slice %get3A_32 {offsets = [9], sizes = [1], strides = [1]} : vector<16xf32> to vector<1xf32>
        %squeeze3A_324 = vector.extract %slice3A_323[0] : f32 from vector<1xf32>
        %slice3A_325 = vector.extract_strided_slice %get3A_36 {offsets = [9], sizes = [1], strides = [1]} : vector<16xf32> to vector<1xf32>
        %squeeze3A_326 = vector.extract %slice3A_325[0] : f32 from vector<1xf32>
        %get3A_327 = arith.index_cast %scan3A_22 : i32 to index
        %get3A_328 = arith.constant 576 : index
        %get3A_329 = tpu.vector_load %arg7[%get3A_327, %get3A_328] {strides = array<i32>} : memref<32x2048xf32, #tpu.memory_space<vmem>>, vector<1x16xf32>,
        %get3A_330 = vector.shape_cast %get3A_329 : vector<1x16xf32> to vector<16xf32>
        %mul3A_331 = vector.broadcast %squeeze3A_324 : f32 to vector<16xf32>
        %mul3A_332 = arith.mulf %mul3A_331, %get3A_330 : vector<16xf32>
        %add3A_333 = arith.addf %add3A_301, %mul3A_332 : vector<16xf32>
        %get3A_334 = arith.index_cast %scan3A_22 : i32 to index
        %get3A_335 = arith.constant 592 : index
        %get3A_336 = tpu.vector_load %arg7[%get3A_334, %get3A_335] {strides = array<i32>} : memref<32x2048xf32, #tpu.memory_space<vmem>>, vector<1x16xf32>,
        %get3A_337 = vector.shape_cast %get3A_336 : vector<1x16xf32> to vector<16xf32>
        %mul3A_338 = vector.broadcast %squeeze3A_324 : f32 to vector<16xf32>
        %mul3A_339 = arith.mulf %mul3A_338, %get3A_337 : vector<16xf32>
        %add3A_340 = arith.addf %add3A_308, %mul3A_339 : vector<16xf32>
        %get3A_341 = arith.index_cast %scan3A_22 : i32 to index
        %get3A_342 = arith.constant 608 : index
        %get3A_343 = tpu.vector_load %arg7[%get3A_341, %get3A_342] {strides = array<i32>} : memref<32x2048xf32, #tpu.memory_space<vmem>>, vector<1x16xf32>,
        %get3A_344 = vector.shape_cast %get3A_343 : vector<1x16xf32> to vector<16xf32>
        %mul3A_345 = vector.broadcast %squeeze3A_326 : f32 to vector<16xf32>
        %mul3A_346 = arith.mulf %mul3A_345, %get3A_344 : vector<16xf32>
        %add3A_347 = arith.addf %add3A_315, %mul3A_346 : vector<16xf32>
        %get3A_348 = arith.index_cast %scan3A_22 : i32 to index
        %get3A_349 = arith.constant 624 : index
        %get3A_350 = tpu.vector_load %arg7[%get3A_348, %get3A_349] {strides = array<i32>} : memref<32x2048xf32, #tpu.memory_space<vmem>>, vector<1x16xf32>,
        %get3A_351 = vector.shape_cast %get3A_350 : vector<1x16xf32> to vector<16xf32>
        %mul3A_352 = vector.broadcast %squeeze3A_326 : f32 to vector<16xf32>
        %mul3A_353 = arith.mulf %mul3A_352, %get3A_351 : vector<16xf32>
        %add3A_354 = arith.addf %add3A_322, %mul3A_353 : vector<16xf32>
        %slice3A_355 = vector.extract_strided_slice %get3A_32 {offsets = [10], sizes = [1], strides = [1]} : vector<16xf32> to vector<1xf32>
        %squeeze3A_356 = vector.extract %slice3A_355[0] : f32 from vector<1xf32>
        %slice3A_357 = vector.extract_strided_slice %get3A_36 {offsets = [10], sizes = [1], strides = [1]} : vector<16xf32> to vector<1xf32>
        %squeeze3A_358 = vector.extract %slice3A_357[0] : f32 from vector<1xf32>
        %get3A_359 = arith.index_cast %scan3A_22 : i32 to index
        %get3A_360 = arith.constant 640 : index
        %get3A_361 = tpu.vector_load %arg7[%get3A_359, %get3A_360] {strides = array<i32>} : memref<32x2048xf32, #tpu.memory_space<vmem>>, vector<1x16xf32>,
        %get3A_362 = vector.shape_cast %get3A_361 : vector<1x16xf32> to vector<16xf32>
        %mul3A_363 = vector.broadcast %squeeze3A_356 : f32 to vector<16xf32>
        %mul3A_364 = arith.mulf %mul3A_363, %get3A_362 : vector<16xf32>
        %add3A_365 = arith.addf %add3A_333, %mul3A_364 : vector<16xf32>
        %get3A_366 = arith.index_cast %scan3A_22 : i32 to index
        %get3A_367 = arith.constant 656 : index
        %get3A_368 = tpu.vector_load %arg7[%get3A_366, %get3A_367] {strides = array<i32>} : memref<32x2048xf32, #tpu.memory_space<vmem>>, vector<1x16xf32>,
        %get3A_369 = vector.shape_cast %get3A_368 : vector<1x16xf32> to vector<16xf32>
        %mul3A_370 = vector.broadcast %squeeze3A_356 : f32 to vector<16xf32>
        %mul3A_371 = arith.mulf %mul3A_370, %get3A_369 : vector<16xf32>
        %add3A_372 = arith.addf %add3A_340, %mul3A_371 : vector<16xf32>
        %get3A_373 = arith.index_cast %scan3A_22 : i32 to index
        %get3A_374 = arith.constant 672 : index
        %get3A_375 = tpu.vector_load %arg7[%get3A_373, %get3A_374] {strides = array<i32>} : memref<32x2048xf32, #tpu.memory_space<vmem>>, vector<1x16xf32>,
        %get3A_376 = vector.shape_cast %get3A_375 : vector<1x16xf32> to vector<16xf32>
        %mul3A_377 = vector.broadcast %squeeze3A_358 : f32 to vector<16xf32>
        %mul3A_378 = arith.mulf %mul3A_377, %get3A_376 : vector<16xf32>
        %add3A_379 = arith.addf %add3A_347, %mul3A_378 : vector<16xf32>
        %get3A_380 = arith.index_cast %scan3A_22 : i32 to index
        %get3A_381 = arith.constant 688 : index
        %get3A_382 = tpu.vector_load %arg7[%get3A_380, %get3A_381] {strides = array<i32>} : memref<32x2048xf32, #tpu.memory_space<vmem>>, vector<1x16xf32>,
        %get3A_383 = vector.shape_cast %get3A_382 : vector<1x16xf32> to vector<16xf32>
        %mul3A_384 = vector.broadcast %squeeze3A_358 : f32 to vector<16xf32>
        %mul3A_385 = arith.mulf %mul3A_384, %get3A_383 : vector<16xf32>
        %add3A_386 = arith.addf %add3A_354, %mul3A_385 : vector<16xf32>
        %slice3A_387 = vector.extract_strided_slice %get3A_32 {offsets = [11], sizes = [1], strides = [1]} : vector<16xf32> to vector<1xf32>
        %squeeze3A_388 = vector.extract %slice3A_387[0] : f32 from vector<1xf32>
        %slice3A_389 = vector.extract_strided_slice %get3A_36 {offsets = [11], sizes = [1], strides = [1]} : vector<16xf32> to vector<1xf32>
        %squeeze3A_390 = vector.extract %slice3A_389[0] : f32 from vector<1xf32>
        %get3A_391 = arith.index_cast %scan3A_22 : i32 to index
        %get3A_392 = arith.constant 704 : index
        %get3A_393 = tpu.vector_load %arg7[%get3A_391, %get3A_392] {strides = array<i32>} : memref<32x2048xf32, #tpu.memory_space<vmem>>, vector<1x16xf32>,
        %get3A_394 = vector.shape_cast %get3A_393 : vector<1x16xf32> to vector<16xf32>
        %mul3A_395 = vector.broadcast %squeeze3A_388 : f32 to vector<16xf32>
        %mul3A_396 = arith.mulf %mul3A_395, %get3A_394 : vector<16xf32>
        %add3A_397 = arith.addf %add3A_365, %mul3A_396 : vector<16xf32>
        %get3A_398 = arith.index_cast %scan3A_22 : i32 to index
        %get3A_399 = arith.constant 720 : index
        %get3A_400 = tpu.vector_load %arg7[%get3A_398, %get3A_399] {strides = array<i32>} : memref<32x2048xf32, #tpu.memory_space<vmem>>, vector<1x16xf32>,
        %get3A_401 = vector.shape_cast %get3A_400 : vector<1x16xf32> to vector<16xf32>
        %mul3A_402 = vector.broadcast %squeeze3A_388 : f32 to vector<16xf32>
        %mul3A_403 = arith.mulf %mul3A_402, %get3A_401 : vector<16xf32>
        %add3A_404 = arith.addf %add3A_372, %mul3A_403 : vector<16xf32>
        %get3A_405 = arith.index_cast %scan3A_22 : i32 to index
        %get3A_406 = arith.constant 736 : index
        %get3A_407 = tpu.vector_load %arg7[%get3A_405, %get3A_406] {strides = array<i32>} : memref<32x2048xf32, #tpu.memory_space<vmem>>, vector<1x16xf32>,
        %get3A_408 = vector.shape_cast %get3A_407 : vector<1x16xf32> to vector<16xf32>
        %mul3A_409 = vector.broadcast %squeeze3A_390 : f32 to vector<16xf32>
        %mul3A_410 = arith.mulf %mul3A_409, %get3A_408 : vector<16xf32>
        %add3A_411 = arith.addf %add3A_379, %mul3A_410 : vector<16xf32>
        %get3A_412 = arith.index_cast %scan3A_22 : i32 to index
        %get3A_413 = arith.constant 752 : index
        %get3A_414 = tpu.vector_load %arg7[%get3A_412, %get3A_413] {strides = array<i32>} : memref<32x2048xf32, #tpu.memory_space<vmem>>, vector<1x16xf32>,
        %get3A_415 = vector.shape_cast %get3A_414 : vector<1x16xf32> to vector<16xf32>
        %mul3A_416 = vector.broadcast %squeeze3A_390 : f32 to vector<16xf32>
        %mul3A_417 = arith.mulf %mul3A_416, %get3A_415 : vector<16xf32>
        %add3A_418 = arith.addf %add3A_386, %mul3A_417 : vector<16xf32>
        %slice3A_419 = vector.extract_strided_slice %get3A_32 {offsets = [12], sizes = [1], strides = [1]} : vector<16xf32> to vector<1xf32>
        %squeeze3A_420 = vector.extract %slice3A_419[0] : f32 from vector<1xf32>
        %slice3A_421 = vector.extract_strided_slice %get3A_36 {offsets = [12], sizes = [1], strides = [1]} : vector<16xf32> to vector<1xf32>
        %squeeze3A_422 = vector.extract %slice3A_421[0] : f32 from vector<1xf32>
        %get3A_423 = arith.index_cast %scan3A_22 : i32 to index
        %get3A_424 = arith.constant 768 : index
        %get3A_425 = tpu.vector_load %arg7[%get3A_423, %get3A_424] {strides = array<i32>} : memref<32x2048xf32, #tpu.memory_space<vmem>>, vector<1x16xf32>,
        %get3A_426 = vector.shape_cast %get3A_425 : vector<1x16xf32> to vector<16xf32>
        %mul3A_427 = vector.broadcast %squeeze3A_420 : f32 to vector<16xf32>
        %mul3A_428 = arith.mulf %mul3A_427, %get3A_426 : vector<16xf32>
        %add3A_429 = arith.addf %add3A_397, %mul3A_428 : vector<16xf32>
        %get3A_430 = arith.index_cast %scan3A_22 : i32 to index
        %get3A_431 = arith.constant 784 : index
        %get3A_432 = tpu.vector_load %arg7[%get3A_430, %get3A_431] {strides = array<i32>} : memref<32x2048xf32, #tpu.memory_space<vmem>>, vector<1x16xf32>,
        %get3A_433 = vector.shape_cast %get3A_432 : vector<1x16xf32> to vector<16xf32>
        %mul3A_434 = vector.broadcast %squeeze3A_420 : f32 to vector<16xf32>
        %mul3A_435 = arith.mulf %mul3A_434, %get3A_433 : vector<16xf32>
        %add3A_436 = arith.addf %add3A_404, %mul3A_435 : vector<16xf32>
        %get3A_437 = arith.index_cast %scan3A_22 : i32 to index
        %get3A_438 = arith.constant 800 : index
        %get3A_439 = tpu.vector_load %arg7[%get3A_437, %get3A_438] {strides = array<i32>} : memref<32x2048xf32, #tpu.memory_space<vmem>>, vector<1x16xf32>,
        %get3A_440 = vector.shape_cast %get3A_439 : vector<1x16xf32> to vector<16xf32>
        %mul3A_441 = vector.broadcast %squeeze3A_422 : f32 to vector<16xf32>
        %mul3A_442 = arith.mulf %mul3A_441, %get3A_440 : vector<16xf32>
        %add3A_443 = arith.addf %add3A_411, %mul3A_442 : vector<16xf32>
        %get3A_444 = arith.index_cast %scan3A_22 : i32 to index
        %get3A_445 = arith.constant 816 : index
        %get3A_446 = tpu.vector_load %arg7[%get3A_444, %get3A_445] {strides = array<i32>} : memref<32x2048xf32, #tpu.memory_space<vmem>>, vector<1x16xf32>,
        %get3A_447 = vector.shape_cast %get3A_446 : vector<1x16xf32> to vector<16xf32>
        %mul3A_448 = vector.broadcast %squeeze3A_422 : f32 to vector<16xf32>
        %mul3A_449 = arith.mulf %mul3A_448, %get3A_447 : vector<16xf32>
        %add3A_450 = arith.addf %add3A_418, %mul3A_449 : vector<16xf32>
        %slice3A_451 = vector.extract_strided_slice %get3A_32 {offsets = [13], sizes = [1], strides = [1]} : vector<16xf32> to vector<1xf32>
        %squeeze3A_452 = vector.extract %slice3A_451[0] : f32 from vector<1xf32>
        %slice3A_453 = vector.extract_strided_slice %get3A_36 {offsets = [13], sizes = [1], strides = [1]} : vector<16xf32> to vector<1xf32>
        %squeeze3A_454 = vector.extract %slice3A_453[0] : f32 from vector<1xf32>
        %get3A_455 = arith.index_cast %scan3A_22 : i32 to index
        %get3A_456 = arith.constant 832 : index
        %get3A_457 = tpu.vector_load %arg7[%get3A_455, %get3A_456] {strides = array<i32>} : memref<32x2048xf32, #tpu.memory_space<vmem>>, vector<1x16xf32>,
        %get3A_458 = vector.shape_cast %get3A_457 : vector<1x16xf32> to vector<16xf32>
        %mul3A_459 = vector.broadcast %squeeze3A_452 : f32 to vector<16xf32>
        %mul3A_460 = arith.mulf %mul3A_459, %get3A_458 : vector<16xf32>
        %add3A_461 = arith.addf %add3A_429, %mul3A_460 : vector<16xf32>
        %get3A_462 = arith.index_cast %scan3A_22 : i32 to index
        %get3A_463 = arith.constant 848 : index
        %get3A_464 = tpu.vector_load %arg7[%get3A_462, %get3A_463] {strides = array<i32>} : memref<32x2048xf32, #tpu.memory_space<vmem>>, vector<1x16xf32>,
        %get3A_465 = vector.shape_cast %get3A_464 : vector<1x16xf32> to vector<16xf32>
        %mul3A_466 = vector.broadcast %squeeze3A_452 : f32 to vector<16xf32>
        %mul3A_467 = arith.mulf %mul3A_466, %get3A_465 : vector<16xf32>
        %add3A_468 = arith.addf %add3A_436, %mul3A_467 : vector<16xf32>
        %get3A_469 = arith.index_cast %scan3A_22 : i32 to index
        %get3A_470 = arith.constant 864 : index
        %get3A_471 = tpu.vector_load %arg7[%get3A_469, %get3A_470] {strides = array<i32>} : memref<32x2048xf32, #tpu.memory_space<vmem>>, vector<1x16xf32>,
        %get3A_472 = vector.shape_cast %get3A_471 : vector<1x16xf32> to vector<16xf32>
        %mul3A_473 = vector.broadcast %squeeze3A_454 : f32 to vector<16xf32>
        %mul3A_474 = arith.mulf %mul3A_473, %get3A_472 : vector<16xf32>
        %add3A_475 = arith.addf %add3A_443, %mul3A_474 : vector<16xf32>
        %get3A_476 = arith.index_cast %scan3A_22 : i32 to index
        %get3A_477 = arith.constant 880 : index
        %get3A_478 = tpu.vector_load %arg7[%get3A_476, %get3A_477] {strides = array<i32>} : memref<32x2048xf32, #tpu.memory_space<vmem>>, vector<1x16xf32>,
        %get3A_479 = vector.shape_cast %get3A_478 : vector<1x16xf32> to vector<16xf32>
        %mul3A_480 = vector.broadcast %squeeze3A_454 : f32 to vector<16xf32>
        %mul3A_481 = arith.mulf %mul3A_480, %get3A_479 : vector<16xf32>
        %add3A_482 = arith.addf %add3A_450, %mul3A_481 : vector<16xf32>
        %slice3A_483 = vector.extract_strided_slice %get3A_32 {offsets = [14], sizes = [1], strides = [1]} : vector<16xf32> to vector<1xf32>
        %squeeze3A_484 = vector.extract %slice3A_483[0] : f32 from vector<1xf32>
        %slice3A_485 = vector.extract_strided_slice %get3A_36 {offsets = [14], sizes = [1], strides = [1]} : vector<16xf32> to vector<1xf32>
        %squeeze3A_486 = vector.extract %slice3A_485[0] : f32 from vector<1xf32>
        %get3A_487 = arith.index_cast %scan3A_22 : i32 to index
        %get3A_488 = arith.constant 896 : index
        %get3A_489 = tpu.vector_load %arg7[%get3A_487, %get3A_488] {strides = array<i32>} : memref<32x2048xf32, #tpu.memory_space<vmem>>, vector<1x16xf32>,
        %get3A_490 = vector.shape_cast %get3A_489 : vector<1x16xf32> to vector<16xf32>
        %mul3A_491 = vector.broadcast %squeeze3A_484 : f32 to vector<16xf32>
        %mul3A_492 = arith.mulf %mul3A_491, %get3A_490 : vector<16xf32>
        %add3A_493 = arith.addf %add3A_461, %mul3A_492 : vector<16xf32>
        %get3A_494 = arith.index_cast %scan3A_22 : i32 to index
        %get3A_495 = arith.constant 912 : index
        %get3A_496 = tpu.vector_load %arg7[%get3A_494, %get3A_495] {strides = array<i32>} : memref<32x2048xf32, #tpu.memory_space<vmem>>, vector<1x16xf32>,
        %get3A_497 = vector.shape_cast %get3A_496 : vector<1x16xf32> to vector<16xf32>
        %mul3A_498 = vector.broadcast %squeeze3A_484 : f32 to vector<16xf32>
        %mul3A_499 = arith.mulf %mul3A_498, %get3A_497 : vector<16xf32>
        %add3A_500 = arith.addf %add3A_468, %mul3A_499 : vector<16xf32>
        %get3A_501 = arith.index_cast %scan3A_22 : i32 to index
        %get3A_502 = arith.constant 928 : index
        %get3A_503 = tpu.vector_load %arg7[%get3A_501, %get3A_502] {strides = array<i32>} : memref<32x2048xf32, #tpu.memory_space<vmem>>, vector<1x16xf32>,
        %get3A_504 = vector.shape_cast %get3A_503 : vector<1x16xf32> to vector<16xf32>
        %mul3A_505 = vector.broadcast %squeeze3A_486 : f32 to vector<16xf32>
        %mul3A_506 = arith.mulf %mul3A_505, %get3A_504 : vector<16xf32>
        %add3A_507 = arith.addf %add3A_475, %mul3A_506 : vector<16xf32>
        %get3A_508 = arith.index_cast %scan3A_22 : i32 to index
        %get3A_509 = arith.constant 944 : index
        %get3A_510 = tpu.vector_load %arg7[%get3A_508, %get3A_509] {strides = array<i32>} : memref<32x2048xf32, #tpu.memory_space<vmem>>, vector<1x16xf32>,
        %get3A_511 = vector.shape_cast %get3A_510 : vector<1x16xf32> to vector<16xf32>
        %mul3A_512 = vector.broadcast %squeeze3A_486 : f32 to vector<16xf32>
        %mul3A_513 = arith.mulf %mul3A_512, %get3A_511 : vector<16xf32>
        %add3A_514 = arith.addf %add3A_482, %mul3A_513 : vector<16xf32>
        %slice3A_515 = vector.extract_strided_slice %get3A_32 {offsets = [15], sizes = [1], strides = [1]} : vector<16xf32> to vector<1xf32>
        %squeeze3A_516 = vector.extract %slice3A_515[0] : f32 from vector<1xf32>
        %slice3A_517 = vector.extract_strided_slice %get3A_36 {offsets = [15], sizes = [1], strides = [1]} : vector<16xf32> to vector<1xf32>
        %squeeze3A_518 = vector.extract %slice3A_517[0] : f32 from vector<1xf32>
        %get3A_519 = arith.index_cast %scan3A_22 : i32 to index
        %get3A_520 = arith.constant 960 : index
        %get3A_521 = tpu.vector_load %arg7[%get3A_519, %get3A_520] {strides = array<i32>} : memref<32x2048xf32, #tpu.memory_space<vmem>>, vector<1x16xf32>,
        %get3A_522 = vector.shape_cast %get3A_521 : vector<1x16xf32> to vector<16xf32>
        %mul3A_523 = vector.broadcast %squeeze3A_516 : f32 to vector<16xf32>
        %mul3A_524 = arith.mulf %mul3A_523, %get3A_522 : vector<16xf32>
        %add3A_525 = arith.addf %add3A_493, %mul3A_524 : vector<16xf32>
        %get3A_526 = arith.index_cast %scan3A_22 : i32 to index
        %get3A_527 = arith.constant 976 : index
        %get3A_528 = tpu.vector_load %arg7[%get3A_526, %get3A_527] {strides = array<i32>} : memref<32x2048xf32, #tpu.memory_space<vmem>>, vector<1x16xf32>,
        %get3A_529 = vector.shape_cast %get3A_528 : vector<1x16xf32> to vector<16xf32>
        %mul3A_530 = vector.broadcast %squeeze3A_516 : f32 to vector<16xf32>
        %mul3A_531 = arith.mulf %mul3A_530, %get3A_529 : vector<16xf32>
        %add3A_532 = arith.addf %add3A_500, %mul3A_531 : vector<16xf32>
        %get3A_533 = arith.index_cast %scan3A_22 : i32 to index
        %get3A_534 = arith.constant 992 : index
        %get3A_535 = tpu.vector_load %arg7[%get3A_533, %get3A_534] {strides = array<i32>} : memref<32x2048xf32, #tpu.memory_space<vmem>>, vector<1x16xf32>,
        %get3A_536 = vector.shape_cast %get3A_535 : vector<1x16xf32> to vector<16xf32>
        %mul3A_537 = vector.broadcast %squeeze3A_518 : f32 to vector<16xf32>
        %mul3A_538 = arith.mulf %mul3A_537, %get3A_536 : vector<16xf32>
        %add3A_539 = arith.addf %add3A_507, %mul3A_538 : vector<16xf32>
        %get3A_540 = arith.index_cast %scan3A_22 : i32 to index
        %get3A_541 = arith.constant 1008 : index
        %get3A_542 = tpu.vector_load %arg7[%get3A_540, %get3A_541] {strides = array<i32>} : memref<32x2048xf32, #tpu.memory_space<vmem>>, vector<1x16xf32>,
        %get3A_543 = vector.shape_cast %get3A_542 : vector<1x16xf32> to vector<16xf32>
        %mul3A_544 = vector.broadcast %squeeze3A_518 : f32 to vector<16xf32>
        %mul3A_545 = arith.mulf %mul3A_544, %get3A_543 : vector<16xf32>
        %add3A_546 = arith.addf %add3A_514, %mul3A_545 : vector<16xf32>
        %get3A_547 = arith.index_cast %scan3A_22 : i32 to index
        %get3A_548 = arith.constant 16 : index
        %get3A_549 = tpu.vector_load %arg8[%get3A_547, %get3A_548] {strides = array<i32>} : memref<32x64xf32, #tpu.memory_space<vmem>>, vector<1x16xf32>,
        %get3A_550 = vector.shape_cast %get3A_549 : vector<1x16xf32> to vector<16xf32>
        %get3A_551 = arith.index_cast %scan3A_22 : i32 to index
        %get3A_552 = arith.constant 48 : index
        %get3A_553 = tpu.vector_load %arg8[%get3A_551, %get3A_552] {strides = array<i32>} : memref<32x64xf32, #tpu.memory_space<vmem>>, vector<1x16xf32>,
        %get3A_554 = vector.shape_cast %get3A_553 : vector<1x16xf32> to vector<16xf32>
        %slice3A_555 = vector.extract_strided_slice %get3A_550 {offsets = [0], sizes = [1], strides = [1]} : vector<16xf32> to vector<1xf32>
        %squeeze3A_556 = vector.extract %slice3A_555[0] : f32 from vector<1xf32>
        %slice3A_557 = vector.extract_strided_slice %get3A_554 {offsets = [0], sizes = [1], strides = [1]} : vector<16xf32> to vector<1xf32>
        %squeeze3A_558 = vector.extract %slice3A_557[0] : f32 from vector<1xf32>
        %get3A_559 = arith.index_cast %scan3A_22 : i32 to index
        %get3A_560 = arith.constant 1024 : index
        %get3A_561 = tpu.vector_load %arg7[%get3A_559, %get3A_560] {strides = array<i32>} : memref<32x2048xf32, #tpu.memory_space<vmem>>, vector<1x16xf32>,
        %get3A_562 = vector.shape_cast %get3A_561 : vector<1x16xf32> to vector<16xf32>
        %mul3A_563 = vector.broadcast %squeeze3A_556 : f32 to vector<16xf32>
        %mul3A_564 = arith.mulf %mul3A_563, %get3A_562 : vector<16xf32>
        %add3A_565 = arith.addf %add3A_525, %mul3A_564 : vector<16xf32>
        %get3A_566 = arith.index_cast %scan3A_22 : i32 to index
        %get3A_567 = arith.constant 1040 : index
        %get3A_568 = tpu.vector_load %arg7[%get3A_566, %get3A_567] {strides = array<i32>} : memref<32x2048xf32, #tpu.memory_space<vmem>>, vector<1x16xf32>,
        %get3A_569 = vector.shape_cast %get3A_568 : vector<1x16xf32> to vector<16xf32>
        %mul3A_570 = vector.broadcast %squeeze3A_556 : f32 to vector<16xf32>
        %mul3A_571 = arith.mulf %mul3A_570, %get3A_569 : vector<16xf32>
        %add3A_572 = arith.addf %add3A_532, %mul3A_571 : vector<16xf32>
        %get3A_573 = arith.index_cast %scan3A_22 : i32 to index
        %get3A_574 = arith.constant 1056 : index
        %get3A_575 = tpu.vector_load %arg7[%get3A_573, %get3A_574] {strides = array<i32>} : memref<32x2048xf32, #tpu.memory_space<vmem>>, vector<1x16xf32>,
        %get3A_576 = vector.shape_cast %get3A_575 : vector<1x16xf32> to vector<16xf32>
        %mul3A_577 = vector.broadcast %squeeze3A_558 : f32 to vector<16xf32>
        %mul3A_578 = arith.mulf %mul3A_577, %get3A_576 : vector<16xf32>
        %add3A_579 = arith.addf %add3A_539, %mul3A_578 : vector<16xf32>
        %get3A_580 = arith.index_cast %scan3A_22 : i32 to index
        %get3A_581 = arith.constant 1072 : index
        %get3A_582 = tpu.vector_load %arg7[%get3A_580, %get3A_581] {strides = array<i32>} : memref<32x2048xf32, #tpu.memory_space<vmem>>, vector<1x16xf32>,
        %get3A_583 = vector.shape_cast %get3A_582 : vector<1x16xf32> to vector<16xf32>
        %mul3A_584 = vector.broadcast %squeeze3A_558 : f32 to vector<16xf32>
        %mul3A_585 = arith.mulf %mul3A_584, %get3A_583 : vector<16xf32>
        %add3A_586 = arith.addf %add3A_546, %mul3A_585 : vector<16xf32>
        %slice3A_587 = vector.extract_strided_slice %get3A_550 {offsets = [1], sizes = [1], strides = [1]} : vector<16xf32> to vector<1xf32>
        %squeeze3A_588 = vector.extract %slice3A_587[0] : f32 from vector<1xf32>
        %slice3A_589 = vector.extract_strided_slice %get3A_554 {offsets = [1], sizes = [1], strides = [1]} : vector<16xf32> to vector<1xf32>
        %squeeze3A_590 = vector.extract %slice3A_589[0] : f32 from vector<1xf32>
        %get3A_591 = arith.index_cast %scan3A_22 : i32 to index
        %get3A_592 = arith.constant 1088 : index
        %get3A_593 = tpu.vector_load %arg7[%get3A_591, %get3A_592] {strides = array<i32>} : memref<32x2048xf32, #tpu.memory_space<vmem>>, vector<1x16xf32>,
        %get3A_594 = vector.shape_cast %get3A_593 : vector<1x16xf32> to vector<16xf32>
        %mul3A_595 = vector.broadcast %squeeze3A_588 : f32 to vector<16xf32>
        %mul3A_596 = arith.mulf %mul3A_595, %get3A_594 : vector<16xf32>
        %add3A_597 = arith.addf %add3A_565, %mul3A_596 : vector<16xf32>
        %get3A_598 = arith.index_cast %scan3A_22 : i32 to index
        %get3A_599 = arith.constant 1104 : index
        %get3A_600 = tpu.vector_load %arg7[%get3A_598, %get3A_599] {strides = array<i32>} : memref<32x2048xf32, #tpu.memory_space<vmem>>, vector<1x16xf32>,
        %get3A_601 = vector.shape_cast %get3A_600 : vector<1x16xf32> to vector<16xf32>
        %mul3A_602 = vector.broadcast %squeeze3A_588 : f32 to vector<16xf32>
        %mul3A_603 = arith.mulf %mul3A_602, %get3A_601 : vector<16xf32>
        %add3A_604 = arith.addf %add3A_572, %mul3A_603 : vector<16xf32>
        %get3A_605 = arith.index_cast %scan3A_22 : i32 to index
        %get3A_606 = arith.constant 1120 : index
        %get3A_607 = tpu.vector_load %arg7[%get3A_605, %get3A_606] {strides = array<i32>} : memref<32x2048xf32, #tpu.memory_space<vmem>>, vector<1x16xf32>,
        %get3A_608 = vector.shape_cast %get3A_607 : vector<1x16xf32> to vector<16xf32>
        %mul3A_609 = vector.broadcast %squeeze3A_590 : f32 to vector<16xf32>
        %mul3A_610 = arith.mulf %mul3A_609, %get3A_608 : vector<16xf32>
        %add3A_611 = arith.addf %add3A_579, %mul3A_610 : vector<16xf32>
        %get3A_612 = arith.index_cast %scan3A_22 : i32 to index
        %get3A_613 = arith.constant 1136 : index
        %get3A_614 = tpu.vector_load %arg7[%get3A_612, %get3A_613] {strides = array<i32>} : memref<32x2048xf32, #tpu.memory_space<vmem>>, vector<1x16xf32>,
        %get3A_615 = vector.shape_cast %get3A_614 : vector<1x16xf32> to vector<16xf32>
        %mul3A_616 = vector.broadcast %squeeze3A_590 : f32 to vector<16xf32>
        %mul3A_617 = arith.mulf %mul3A_616, %get3A_615 : vector<16xf32>
        %add3A_618 = arith.addf %add3A_586, %mul3A_617 : vector<16xf32>
        %slice3A_619 = vector.extract_strided_slice %get3A_550 {offsets = [2], sizes = [1], strides = [1]} : vector<16xf32> to vector<1xf32>
        %squeeze3A_620 = vector.extract %slice3A_619[0] : f32 from vector<1xf32>
        %slice3A_621 = vector.extract_strided_slice %get3A_554 {offsets = [2], sizes = [1], strides = [1]} : vector<16xf32> to vector<1xf32>
        %squeeze3A_622 = vector.extract %slice3A_621[0] : f32 from vector<1xf32>
        %get3A_623 = arith.index_cast %scan3A_22 : i32 to index
        %get3A_624 = arith.constant 1152 : index
        %get3A_625 = tpu.vector_load %arg7[%get3A_623, %get3A_624] {strides = array<i32>} : memref<32x2048xf32, #tpu.memory_space<vmem>>, vector<1x16xf32>,
        %get3A_626 = vector.shape_cast %get3A_625 : vector<1x16xf32> to vector<16xf32>
        %mul3A_627 = vector.broadcast %squeeze3A_620 : f32 to vector<16xf32>
        %mul3A_628 = arith.mulf %mul3A_627, %get3A_626 : vector<16xf32>
        %add3A_629 = arith.addf %add3A_597, %mul3A_628 : vector<16xf32>
        %get3A_630 = arith.index_cast %scan3A_22 : i32 to index
        %get3A_631 = arith.constant 1168 : index
        %get3A_632 = tpu.vector_load %arg7[%get3A_630, %get3A_631] {strides = array<i32>} : memref<32x2048xf32, #tpu.memory_space<vmem>>, vector<1x16xf32>,
        %get3A_633 = vector.shape_cast %get3A_632 : vector<1x16xf32> to vector<16xf32>
        %mul3A_634 = vector.broadcast %squeeze3A_620 : f32 to vector<16xf32>
        %mul3A_635 = arith.mulf %mul3A_634, %get3A_633 : vector<16xf32>
        %add3A_636 = arith.addf %add3A_604, %mul3A_635 : vector<16xf32>
        %get3A_637 = arith.index_cast %scan3A_22 : i32 to index
        %get3A_638 = arith.constant 1184 : index
        %get3A_639 = tpu.vector_load %arg7[%get3A_637, %get3A_638] {strides = array<i32>} : memref<32x2048xf32, #tpu.memory_space<vmem>>, vector<1x16xf32>,
        %get3A_640 = vector.shape_cast %get3A_639 : vector<1x16xf32> to vector<16xf32>
        %mul3A_641 = vector.broadcast %squeeze3A_622 : f32 to vector<16xf32>
        %mul3A_642 = arith.mulf %mul3A_641, %get3A_640 : vector<16xf32>
        %add3A_643 = arith.addf %add3A_611, %mul3A_642 : vector<16xf32>
        %get3A_644 = arith.index_cast %scan3A_22 : i32 to index
        %get3A_645 = arith.constant 1200 : index
        %get3A_646 = tpu.vector_load %arg7[%get3A_644, %get3A_645] {strides = array<i32>} : memref<32x2048xf32, #tpu.memory_space<vmem>>, vector<1x16xf32>,
        %get3A_647 = vector.shape_cast %get3A_646 : vector<1x16xf32> to vector<16xf32>
        %mul3A_648 = vector.broadcast %squeeze3A_622 : f32 to vector<16xf32>
        %mul3A_649 = arith.mulf %mul3A_648, %get3A_647 : vector<16xf32>
        %add3A_650 = arith.addf %add3A_618, %mul3A_649 : vector<16xf32>
        %slice3A_651 = vector.extract_strided_slice %get3A_550 {offsets = [3], sizes = [1], strides = [1]} : vector<16xf32> to vector<1xf32>
        %squeeze3A_652 = vector.extract %slice3A_651[0] : f32 from vector<1xf32>
        %slice3A_653 = vector.extract_strided_slice %get3A_554 {offsets = [3], sizes = [1], strides = [1]} : vector<16xf32> to vector<1xf32>
        %squeeze3A_654 = vector.extract %slice3A_653[0] : f32 from vector<1xf32>
        %get3A_655 = arith.index_cast %scan3A_22 : i32 to index
        %get3A_656 = arith.constant 1216 : index
        %get3A_657 = tpu.vector_load %arg7[%get3A_655, %get3A_656] {strides = array<i32>} : memref<32x2048xf32, #tpu.memory_space<vmem>>, vector<1x16xf32>,
        %get3A_658 = vector.shape_cast %get3A_657 : vector<1x16xf32> to vector<16xf32>
        %mul3A_659 = vector.broadcast %squeeze3A_652 : f32 to vector<16xf32>
        %mul3A_660 = arith.mulf %mul3A_659, %get3A_658 : vector<16xf32>
        %add3A_661 = arith.addf %add3A_629, %mul3A_660 : vector<16xf32>
        %get3A_662 = arith.index_cast %scan3A_22 : i32 to index
        %get3A_663 = arith.constant 1232 : index
        %get3A_664 = tpu.vector_load %arg7[%get3A_662, %get3A_663] {strides = array<i32>} : memref<32x2048xf32, #tpu.memory_space<vmem>>, vector<1x16xf32>,
        %get3A_665 = vector.shape_cast %get3A_664 : vector<1x16xf32> to vector<16xf32>
        %mul3A_666 = vector.broadcast %squeeze3A_652 : f32 to vector<16xf32>
        %mul3A_667 = arith.mulf %mul3A_666, %get3A_665 : vector<16xf32>
        %add3A_668 = arith.addf %add3A_636, %mul3A_667 : vector<16xf32>
        %get3A_669 = arith.index_cast %scan3A_22 : i32 to index
        %get3A_670 = arith.constant 1248 : index
        %get3A_671 = tpu.vector_load %arg7[%get3A_669, %get3A_670] {strides = array<i32>} : memref<32x2048xf32, #tpu.memory_space<vmem>>, vector<1x16xf32>,
        %get3A_672 = vector.shape_cast %get3A_671 : vector<1x16xf32> to vector<16xf32>
        %mul3A_673 = vector.broadcast %squeeze3A_654 : f32 to vector<16xf32>
        %mul3A_674 = arith.mulf %mul3A_673, %get3A_672 : vector<16xf32>
        %add3A_675 = arith.addf %add3A_643, %mul3A_674 : vector<16xf32>
        %get3A_676 = arith.index_cast %scan3A_22 : i32 to index
        %get3A_677 = arith.constant 1264 : index
        %get3A_678 = tpu.vector_load %arg7[%get3A_676, %get3A_677] {strides = array<i32>} : memref<32x2048xf32, #tpu.memory_space<vmem>>, vector<1x16xf32>,
        %get3A_679 = vector.shape_cast %get3A_678 : vector<1x16xf32> to vector<16xf32>
        %mul3A_680 = vector.broadcast %squeeze3A_654 : f32 to vector<16xf32>
        %mul3A_681 = arith.mulf %mul3A_680, %get3A_679 : vector<16xf32>
        %add3A_682 = arith.addf %add3A_650, %mul3A_681 : vector<16xf32>
        %slice3A_683 = vector.extract_strided_slice %get3A_550 {offsets = [4], sizes = [1], strides = [1]} : vector<16xf32> to vector<1xf32>
        %squeeze3A_684 = vector.extract %slice3A_683[0] : f32 from vector<1xf32>
        %slice3A_685 = vector.extract_strided_slice %get3A_554 {offsets = [4], sizes = [1], strides = [1]} : vector<16xf32> to vector<1xf32>
        %squeeze3A_686 = vector.extract %slice3A_685[0] : f32 from vector<1xf32>
        %get3A_687 = arith.index_cast %scan3A_22 : i32 to index
        %get3A_688 = arith.constant 1280 : index
        %get3A_689 = tpu.vector_load %arg7[%get3A_687, %get3A_688] {strides = array<i32>} : memref<32x2048xf32, #tpu.memory_space<vmem>>, vector<1x16xf32>,
        %get3A_690 = vector.shape_cast %get3A_689 : vector<1x16xf32> to vector<16xf32>
        %mul3A_691 = vector.broadcast %squeeze3A_684 : f32 to vector<16xf32>
        %mul3A_692 = arith.mulf %mul3A_691, %get3A_690 : vector<16xf32>
        %add3A_693 = arith.addf %add3A_661, %mul3A_692 : vector<16xf32>
        %get3A_694 = arith.index_cast %scan3A_22 : i32 to index
        %get3A_695 = arith.constant 1296 : index
        %get3A_696 = tpu.vector_load %arg7[%get3A_694, %get3A_695] {strides = array<i32>} : memref<32x2048xf32, #tpu.memory_space<vmem>>, vector<1x16xf32>,
        %get3A_697 = vector.shape_cast %get3A_696 : vector<1x16xf32> to vector<16xf32>
        %mul3A_698 = vector.broadcast %squeeze3A_684 : f32 to vector<16xf32>
        %mul3A_699 = arith.mulf %mul3A_698, %get3A_697 : vector<16xf32>
        %add3A_700 = arith.addf %add3A_668, %mul3A_699 : vector<16xf32>
        %get3A_701 = arith.index_cast %scan3A_22 : i32 to index
        %get3A_702 = arith.constant 1312 : index
        %get3A_703 = tpu.vector_load %arg7[%get3A_701, %get3A_702] {strides = array<i32>} : memref<32x2048xf32, #tpu.memory_space<vmem>>, vector<1x16xf32>,
        %get3A_704 = vector.shape_cast %get3A_703 : vector<1x16xf32> to vector<16xf32>
        %mul3A_705 = vector.broadcast %squeeze3A_686 : f32 to vector<16xf32>
        %mul3A_706 = arith.mulf %mul3A_705, %get3A_704 : vector<16xf32>
        %add3A_707 = arith.addf %add3A_675, %mul3A_706 : vector<16xf32>
        %get3A_708 = arith.index_cast %scan3A_22 : i32 to index
        %get3A_709 = arith.constant 1328 : index
        %get3A_710 = tpu.vector_load %arg7[%get3A_708, %get3A_709] {strides = array<i32>} : memref<32x2048xf32, #tpu.memory_space<vmem>>, vector<1x16xf32>,
        %get3A_711 = vector.shape_cast %get3A_710 : vector<1x16xf32> to vector<16xf32>
        %mul3A_712 = vector.broadcast %squeeze3A_686 : f32 to vector<16xf32>
        %mul3A_713 = arith.mulf %mul3A_712, %get3A_711 : vector<16xf32>
        %add3A_714 = arith.addf %add3A_682, %mul3A_713 : vector<16xf32>
        %slice3A_715 = vector.extract_strided_slice %get3A_550 {offsets = [5], sizes = [1], strides = [1]} : vector<16xf32> to vector<1xf32>
        %squeeze3A_716 = vector.extract %slice3A_715[0] : f32 from vector<1xf32>
        %slice3A_717 = vector.extract_strided_slice %get3A_554 {offsets = [5], sizes = [1], strides = [1]} : vector<16xf32> to vector<1xf32>
        %squeeze3A_718 = vector.extract %slice3A_717[0] : f32 from vector<1xf32>
        %get3A_719 = arith.index_cast %scan3A_22 : i32 to index
        %get3A_720 = arith.constant 1344 : index
        %get3A_721 = tpu.vector_load %arg7[%get3A_719, %get3A_720] {strides = array<i32>} : memref<32x2048xf32, #tpu.memory_space<vmem>>, vector<1x16xf32>,
        %get3A_722 = vector.shape_cast %get3A_721 : vector<1x16xf32> to vector<16xf32>
        %mul3A_723 = vector.broadcast %squeeze3A_716 : f32 to vector<16xf32>
        %mul3A_724 = arith.mulf %mul3A_723, %get3A_722 : vector<16xf32>
        %add3A_725 = arith.addf %add3A_693, %mul3A_724 : vector<16xf32>
        %get3A_726 = arith.index_cast %scan3A_22 : i32 to index
        %get3A_727 = arith.constant 1360 : index
        %get3A_728 = tpu.vector_load %arg7[%get3A_726, %get3A_727] {strides = array<i32>} : memref<32x2048xf32, #tpu.memory_space<vmem>>, vector<1x16xf32>,
        %get3A_729 = vector.shape_cast %get3A_728 : vector<1x16xf32> to vector<16xf32>
        %mul3A_730 = vector.broadcast %squeeze3A_716 : f32 to vector<16xf32>
        %mul3A_731 = arith.mulf %mul3A_730, %get3A_729 : vector<16xf32>
        %add3A_732 = arith.addf %add3A_700, %mul3A_731 : vector<16xf32>
        %get3A_733 = arith.index_cast %scan3A_22 : i32 to index
        %get3A_734 = arith.constant 1376 : index
        %get3A_735 = tpu.vector_load %arg7[%get3A_733, %get3A_734] {strides = array<i32>} : memref<32x2048xf32, #tpu.memory_space<vmem>>, vector<1x16xf32>,
        %get3A_736 = vector.shape_cast %get3A_735 : vector<1x16xf32> to vector<16xf32>
        %mul3A_737 = vector.broadcast %squeeze3A_718 : f32 to vector<16xf32>
        %mul3A_738 = arith.mulf %mul3A_737, %get3A_736 : vector<16xf32>
        %add3A_739 = arith.addf %add3A_707, %mul3A_738 : vector<16xf32>
        %get3A_740 = arith.index_cast %scan3A_22 : i32 to index
        %get3A_741 = arith.constant 1392 : index
        %get3A_742 = tpu.vector_load %arg7[%get3A_740, %get3A_741] {strides = array<i32>} : memref<32x2048xf32, #tpu.memory_space<vmem>>, vector<1x16xf32>,
        %get3A_743 = vector.shape_cast %get3A_742 : vector<1x16xf32> to vector<16xf32>
        %mul3A_744 = vector.broadcast %squeeze3A_718 : f32 to vector<16xf32>
        %mul3A_745 = arith.mulf %mul3A_744, %get3A_743 : vector<16xf32>
        %add3A_746 = arith.addf %add3A_714, %mul3A_745 : vector<16xf32>
        %slice3A_747 = vector.extract_strided_slice %get3A_550 {offsets = [6], sizes = [1], strides = [1]} : vector<16xf32> to vector<1xf32>
        %squeeze3A_748 = vector.extract %slice3A_747[0] : f32 from vector<1xf32>
        %slice3A_749 = vector.extract_strided_slice %get3A_554 {offsets = [6], sizes = [1], strides = [1]} : vector<16xf32> to vector<1xf32>
        %squeeze3A_750 = vector.extract %slice3A_749[0] : f32 from vector<1xf32>
        %get3A_751 = arith.index_cast %scan3A_22 : i32 to index
        %get3A_752 = arith.constant 1408 : index
        %get3A_753 = tpu.vector_load %arg7[%get3A_751, %get3A_752] {strides = array<i32>} : memref<32x2048xf32, #tpu.memory_space<vmem>>, vector<1x16xf32>,
        %get3A_754 = vector.shape_cast %get3A_753 : vector<1x16xf32> to vector<16xf32>
        %mul3A_755 = vector.broadcast %squeeze3A_748 : f32 to vector<16xf32>
        %mul3A_756 = arith.mulf %mul3A_755, %get3A_754 : vector<16xf32>
        %add3A_757 = arith.addf %add3A_725, %mul3A_756 : vector<16xf32>
        %get3A_758 = arith.index_cast %scan3A_22 : i32 to index
        %get3A_759 = arith.constant 1424 : index
        %get3A_760 = tpu.vector_load %arg7[%get3A_758, %get3A_759] {strides = array<i32>} : memref<32x2048xf32, #tpu.memory_space<vmem>>, vector<1x16xf32>,
        %get3A_761 = vector.shape_cast %get3A_760 : vector<1x16xf32> to vector<16xf32>
        %mul3A_762 = vector.broadcast %squeeze3A_748 : f32 to vector<16xf32>
        %mul3A_763 = arith.mulf %mul3A_762, %get3A_761 : vector<16xf32>
        %add3A_764 = arith.addf %add3A_732, %mul3A_763 : vector<16xf32>
        %get3A_765 = arith.index_cast %scan3A_22 : i32 to index
        %get3A_766 = arith.constant 1440 : index
        %get3A_767 = tpu.vector_load %arg7[%get3A_765, %get3A_766] {strides = array<i32>} : memref<32x2048xf32, #tpu.memory_space<vmem>>, vector<1x16xf32>,
        %get3A_768 = vector.shape_cast %get3A_767 : vector<1x16xf32> to vector<16xf32>
        %mul3A_769 = vector.broadcast %squeeze3A_750 : f32 to vector<16xf32>
        %mul3A_770 = arith.mulf %mul3A_769, %get3A_768 : vector<16xf32>
        %add3A_771 = arith.addf %add3A_739, %mul3A_770 : vector<16xf32>
        %get3A_772 = arith.index_cast %scan3A_22 : i32 to index
        %get3A_773 = arith.constant 1456 : index
        %get3A_774 = tpu.vector_load %arg7[%get3A_772, %get3A_773] {strides = array<i32>} : memref<32x2048xf32, #tpu.memory_space<vmem>>, vector<1x16xf32>,
        %get3A_775 = vector.shape_cast %get3A_774 : vector<1x16xf32> to vector<16xf32>
        %mul3A_776 = vector.broadcast %squeeze3A_750 : f32 to vector<16xf32>
        %mul3A_777 = arith.mulf %mul3A_776, %get3A_775 : vector<16xf32>
        %add3A_778 = arith.addf %add3A_746, %mul3A_777 : vector<16xf32>
        %slice3A_779 = vector.extract_strided_slice %get3A_550 {offsets = [7], sizes = [1], strides = [1]} : vector<16xf32> to vector<1xf32>
        %squeeze3A_780 = vector.extract %slice3A_779[0] : f32 from vector<1xf32>
        %slice3A_781 = vector.extract_strided_slice %get3A_554 {offsets = [7], sizes = [1], strides = [1]} : vector<16xf32> to vector<1xf32>
        %squeeze3A_782 = vector.extract %slice3A_781[0] : f32 from vector<1xf32>
        %get3A_783 = arith.index_cast %scan3A_22 : i32 to index
        %get3A_784 = arith.constant 1472 : index
        %get3A_785 = tpu.vector_load %arg7[%get3A_783, %get3A_784] {strides = array<i32>} : memref<32x2048xf32, #tpu.memory_space<vmem>>, vector<1x16xf32>,
        %get3A_786 = vector.shape_cast %get3A_785 : vector<1x16xf32> to vector<16xf32>
        %mul3A_787 = vector.broadcast %squeeze3A_780 : f32 to vector<16xf32>
        %mul3A_788 = arith.mulf %mul3A_787, %get3A_786 : vector<16xf32>
        %add3A_789 = arith.addf %add3A_757, %mul3A_788 : vector<16xf32>
        %get3A_790 = arith.index_cast %scan3A_22 : i32 to index
        %get3A_791 = arith.constant 1488 : index
        %get3A_792 = tpu.vector_load %arg7[%get3A_790, %get3A_791] {strides = array<i32>} : memref<32x2048xf32, #tpu.memory_space<vmem>>, vector<1x16xf32>,
        %get3A_793 = vector.shape_cast %get3A_792 : vector<1x16xf32> to vector<16xf32>
        %mul3A_794 = vector.broadcast %squeeze3A_780 : f32 to vector<16xf32>
        %mul3A_795 = arith.mulf %mul3A_794, %get3A_793 : vector<16xf32>
        %add3A_796 = arith.addf %add3A_764, %mul3A_795 : vector<16xf32>
        %get3A_797 = arith.index_cast %scan3A_22 : i32 to index
        %get3A_798 = arith.constant 1504 : index
        %get3A_799 = tpu.vector_load %arg7[%get3A_797, %get3A_798] {strides = array<i32>} : memref<32x2048xf32, #tpu.memory_space<vmem>>, vector<1x16xf32>,
        %get3A_800 = vector.shape_cast %get3A_799 : vector<1x16xf32> to vector<16xf32>
        %mul3A_801 = vector.broadcast %squeeze3A_782 : f32 to vector<16xf32>
        %mul3A_802 = arith.mulf %mul3A_801, %get3A_800 : vector<16xf32>
        %add3A_803 = arith.addf %add3A_771, %mul3A_802 : vector<16xf32>
        %get3A_804 = arith.index_cast %scan3A_22 : i32 to index
        %get3A_805 = arith.constant 1520 : index
        %get3A_806 = tpu.vector_load %arg7[%get3A_804, %get3A_805] {strides = array<i32>} : memref<32x2048xf32, #tpu.memory_space<vmem>>, vector<1x16xf32>,
        %get3A_807 = vector.shape_cast %get3A_806 : vector<1x16xf32> to vector<16xf32>
        %mul3A_808 = vector.broadcast %squeeze3A_782 : f32 to vector<16xf32>
        %mul3A_809 = arith.mulf %mul3A_808, %get3A_807 : vector<16xf32>
        %add3A_810 = arith.addf %add3A_778, %mul3A_809 : vector<16xf32>
        %slice3A_811 = vector.extract_strided_slice %get3A_550 {offsets = [8], sizes = [1], strides = [1]} : vector<16xf32> to vector<1xf32>
        %squeeze3A_812 = vector.extract %slice3A_811[0] : f32 from vector<1xf32>
        %slice3A_813 = vector.extract_strided_slice %get3A_554 {offsets = [8], sizes = [1], strides = [1]} : vector<16xf32> to vector<1xf32>
        %squeeze3A_814 = vector.extract %slice3A_813[0] : f32 from vector<1xf32>
        %get3A_815 = arith.index_cast %scan3A_22 : i32 to index
        %get3A_816 = arith.constant 1536 : index
        %get3A_817 = tpu.vector_load %arg7[%get3A_815, %get3A_816] {strides = array<i32>} : memref<32x2048xf32, #tpu.memory_space<vmem>>, vector<1x16xf32>,
        %get3A_818 = vector.shape_cast %get3A_817 : vector<1x16xf32> to vector<16xf32>
        %mul3A_819 = vector.broadcast %squeeze3A_812 : f32 to vector<16xf32>
        %mul3A_820 = arith.mulf %mul3A_819, %get3A_818 : vector<16xf32>
        %add3A_821 = arith.addf %add3A_789, %mul3A_820 : vector<16xf32>
        %get3A_822 = arith.index_cast %scan3A_22 : i32 to index
        %get3A_823 = arith.constant 1552 : index
        %get3A_824 = tpu.vector_load %arg7[%get3A_822, %get3A_823] {strides = array<i32>} : memref<32x2048xf32, #tpu.memory_space<vmem>>, vector<1x16xf32>,
        %get3A_825 = vector.shape_cast %get3A_824 : vector<1x16xf32> to vector<16xf32>
        %mul3A_826 = vector.broadcast %squeeze3A_812 : f32 to vector<16xf32>
        %mul3A_827 = arith.mulf %mul3A_826, %get3A_825 : vector<16xf32>
        %add3A_828 = arith.addf %add3A_796, %mul3A_827 : vector<16xf32>
        %get3A_829 = arith.index_cast %scan3A_22 : i32 to index
        %get3A_830 = arith.constant 1568 : index
        %get3A_831 = tpu.vector_load %arg7[%get3A_829, %get3A_830] {strides = array<i32>} : memref<32x2048xf32, #tpu.memory_space<vmem>>, vector<1x16xf32>,
        %get3A_832 = vector.shape_cast %get3A_831 : vector<1x16xf32> to vector<16xf32>
        %mul3A_833 = vector.broadcast %squeeze3A_814 : f32 to vector<16xf32>
        %mul3A_834 = arith.mulf %mul3A_833, %get3A_832 : vector<16xf32>
        %add3A_835 = arith.addf %add3A_803, %mul3A_834 : vector<16xf32>
        %get3A_836 = arith.index_cast %scan3A_22 : i32 to index
        %get3A_837 = arith.constant 1584 : index
        %get3A_838 = tpu.vector_load %arg7[%get3A_836, %get3A_837] {strides = array<i32>} : memref<32x2048xf32, #tpu.memory_space<vmem>>, vector<1x16xf32>,
        %get3A_839 = vector.shape_cast %get3A_838 : vector<1x16xf32> to vector<16xf32>
        %mul3A_840 = vector.broadcast %squeeze3A_814 : f32 to vector<16xf32>
        %mul3A_841 = arith.mulf %mul3A_840, %get3A_839 : vector<16xf32>
        %add3A_842 = arith.addf %add3A_810, %mul3A_841 : vector<16xf32>
        %slice3A_843 = vector.extract_strided_slice %get3A_550 {offsets = [9], sizes = [1], strides = [1]} : vector<16xf32> to vector<1xf32>
        %squeeze3A_844 = vector.extract %slice3A_843[0] : f32 from vector<1xf32>
        %slice3A_845 = vector.extract_strided_slice %get3A_554 {offsets = [9], sizes = [1], strides = [1]} : vector<16xf32> to vector<1xf32>
        %squeeze3A_846 = vector.extract %slice3A_845[0] : f32 from vector<1xf32>
        %get3A_847 = arith.index_cast %scan3A_22 : i32 to index
        %get3A_848 = arith.constant 1600 : index
        %get3A_849 = tpu.vector_load %arg7[%get3A_847, %get3A_848] {strides = array<i32>} : memref<32x2048xf32, #tpu.memory_space<vmem>>, vector<1x16xf32>,
        %get3A_850 = vector.shape_cast %get3A_849 : vector<1x16xf32> to vector<16xf32>
        %mul3A_851 = vector.broadcast %squeeze3A_844 : f32 to vector<16xf32>
        %mul3A_852 = arith.mulf %mul3A_851, %get3A_850 : vector<16xf32>
        %add3A_853 = arith.addf %add3A_821, %mul3A_852 : vector<16xf32>
        %get3A_854 = arith.index_cast %scan3A_22 : i32 to index
        %get3A_855 = arith.constant 1616 : index
        %get3A_856 = tpu.vector_load %arg7[%get3A_854, %get3A_855] {strides = array<i32>} : memref<32x2048xf32, #tpu.memory_space<vmem>>, vector<1x16xf32>,
        %get3A_857 = vector.shape_cast %get3A_856 : vector<1x16xf32> to vector<16xf32>
        %mul3A_858 = vector.broadcast %squeeze3A_844 : f32 to vector<16xf32>
        %mul3A_859 = arith.mulf %mul3A_858, %get3A_857 : vector<16xf32>
        %add3A_860 = arith.addf %add3A_828, %mul3A_859 : vector<16xf32>
        %get3A_861 = arith.index_cast %scan3A_22 : i32 to index
        %get3A_862 = arith.constant 1632 : index
        %get3A_863 = tpu.vector_load %arg7[%get3A_861, %get3A_862] {strides = array<i32>} : memref<32x2048xf32, #tpu.memory_space<vmem>>, vector<1x16xf32>,
        %get3A_864 = vector.shape_cast %get3A_863 : vector<1x16xf32> to vector<16xf32>
        %mul3A_865 = vector.broadcast %squeeze3A_846 : f32 to vector<16xf32>
        %mul3A_866 = arith.mulf %mul3A_865, %get3A_864 : vector<16xf32>
        %add3A_867 = arith.addf %add3A_835, %mul3A_866 : vector<16xf32>
        %get3A_868 = arith.index_cast %scan3A_22 : i32 to index
        %get3A_869 = arith.constant 1648 : index
        %get3A_870 = tpu.vector_load %arg7[%get3A_868, %get3A_869] {strides = array<i32>} : memref<32x2048xf32, #tpu.memory_space<vmem>>, vector<1x16xf32>,
        %get3A_871 = vector.shape_cast %get3A_870 : vector<1x16xf32> to vector<16xf32>
        %mul3A_872 = vector.broadcast %squeeze3A_846 : f32 to vector<16xf32>
        %mul3A_873 = arith.mulf %mul3A_872, %get3A_871 : vector<16xf32>
        %add3A_874 = arith.addf %add3A_842, %mul3A_873 : vector<16xf32>
        %slice3A_875 = vector.extract_strided_slice %get3A_550 {offsets = [10], sizes = [1], strides = [1]} : vector<16xf32> to vector<1xf32>
        %squeeze3A_876 = vector.extract %slice3A_875[0] : f32 from vector<1xf32>
        %slice3A_877 = vector.extract_strided_slice %get3A_554 {offsets = [10], sizes = [1], strides = [1]} : vector<16xf32> to vector<1xf32>
        %squeeze3A_878 = vector.extract %slice3A_877[0] : f32 from vector<1xf32>
        %get3A_879 = arith.index_cast %scan3A_22 : i32 to index
        %get3A_880 = arith.constant 1664 : index
        %get3A_881 = tpu.vector_load %arg7[%get3A_879, %get3A_880] {strides = array<i32>} : memref<32x2048xf32, #tpu.memory_space<vmem>>, vector<1x16xf32>,
        %get3A_882 = vector.shape_cast %get3A_881 : vector<1x16xf32> to vector<16xf32>
        %mul3A_883 = vector.broadcast %squeeze3A_876 : f32 to vector<16xf32>
        %mul3A_884 = arith.mulf %mul3A_883, %get3A_882 : vector<16xf32>
        %add3A_885 = arith.addf %add3A_853, %mul3A_884 : vector<16xf32>
        %get3A_886 = arith.index_cast %scan3A_22 : i32 to index
        %get3A_887 = arith.constant 1680 : index
        %get3A_888 = tpu.vector_load %arg7[%get3A_886, %get3A_887] {strides = array<i32>} : memref<32x2048xf32, #tpu.memory_space<vmem>>, vector<1x16xf32>,
        %get3A_889 = vector.shape_cast %get3A_888 : vector<1x16xf32> to vector<16xf32>
        %mul3A_890 = vector.broadcast %squeeze3A_876 : f32 to vector<16xf32>
        %mul3A_891 = arith.mulf %mul3A_890, %get3A_889 : vector<16xf32>
        %add3A_892 = arith.addf %add3A_860, %mul3A_891 : vector<16xf32>
        %get3A_893 = arith.index_cast %scan3A_22 : i32 to index
        %get3A_894 = arith.constant 1696 : index
        %get3A_895 = tpu.vector_load %arg7[%get3A_893, %get3A_894] {strides = array<i32>} : memref<32x2048xf32, #tpu.memory_space<vmem>>, vector<1x16xf32>,
        %get3A_896 = vector.shape_cast %get3A_895 : vector<1x16xf32> to vector<16xf32>
        %mul3A_897 = vector.broadcast %squeeze3A_878 : f32 to vector<16xf32>
        %mul3A_898 = arith.mulf %mul3A_897, %get3A_896 : vector<16xf32>
        %add3A_899 = arith.addf %add3A_867, %mul3A_898 : vector<16xf32>
        %get3A_900 = arith.index_cast %scan3A_22 : i32 to index
        %get3A_901 = arith.constant 1712 : index
        %get3A_902 = tpu.vector_load %arg7[%get3A_900, %get3A_901] {strides = array<i32>} : memref<32x2048xf32, #tpu.memory_space<vmem>>, vector<1x16xf32>,
        %get3A_903 = vector.shape_cast %get3A_902 : vector<1x16xf32> to vector<16xf32>
        %mul3A_904 = vector.broadcast %squeeze3A_878 : f32 to vector<16xf32>
        %mul3A_905 = arith.mulf %mul3A_904, %get3A_903 : vector<16xf32>
        %add3A_906 = arith.addf %add3A_874, %mul3A_905 : vector<16xf32>
        %slice3A_907 = vector.extract_strided_slice %get3A_550 {offsets = [11], sizes = [1], strides = [1]} : vector<16xf32> to vector<1xf32>
        %squeeze3A_908 = vector.extract %slice3A_907[0] : f32 from vector<1xf32>
        %slice3A_909 = vector.extract_strided_slice %get3A_554 {offsets = [11], sizes = [1], strides = [1]} : vector<16xf32> to vector<1xf32>
        %squeeze3A_910 = vector.extract %slice3A_909[0] : f32 from vector<1xf32>
        %get3A_911 = arith.index_cast %scan3A_22 : i32 to index
        %get3A_912 = arith.constant 1728 : index
        %get3A_913 = tpu.vector_load %arg7[%get3A_911, %get3A_912] {strides = array<i32>} : memref<32x2048xf32, #tpu.memory_space<vmem>>, vector<1x16xf32>,
        %get3A_914 = vector.shape_cast %get3A_913 : vector<1x16xf32> to vector<16xf32>
        %mul3A_915 = vector.broadcast %squeeze3A_908 : f32 to vector<16xf32>
        %mul3A_916 = arith.mulf %mul3A_915, %get3A_914 : vector<16xf32>
        %add3A_917 = arith.addf %add3A_885, %mul3A_916 : vector<16xf32>
        %get3A_918 = arith.index_cast %scan3A_22 : i32 to index
        %get3A_919 = arith.constant 1744 : index
        %get3A_920 = tpu.vector_load %arg7[%get3A_918, %get3A_919] {strides = array<i32>} : memref<32x2048xf32, #tpu.memory_space<vmem>>, vector<1x16xf32>,
        %get3A_921 = vector.shape_cast %get3A_920 : vector<1x16xf32> to vector<16xf32>
        %mul3A_922 = vector.broadcast %squeeze3A_908 : f32 to vector<16xf32>
        %mul3A_923 = arith.mulf %mul3A_922, %get3A_921 : vector<16xf32>
        %add3A_924 = arith.addf %add3A_892, %mul3A_923 : vector<16xf32>
        %get3A_925 = arith.index_cast %scan3A_22 : i32 to index
        %get3A_926 = arith.constant 1760 : index
        %get3A_927 = tpu.vector_load %arg7[%get3A_925, %get3A_926] {strides = array<i32>} : memref<32x2048xf32, #tpu.memory_space<vmem>>, vector<1x16xf32>,
        %get3A_928 = vector.shape_cast %get3A_927 : vector<1x16xf32> to vector<16xf32>
        %mul3A_929 = vector.broadcast %squeeze3A_910 : f32 to vector<16xf32>
        %mul3A_930 = arith.mulf %mul3A_929, %get3A_928 : vector<16xf32>
        %add3A_931 = arith.addf %add3A_899, %mul3A_930 : vector<16xf32>
        %get3A_932 = arith.index_cast %scan3A_22 : i32 to index
        %get3A_933 = arith.constant 1776 : index
        %get3A_934 = tpu.vector_load %arg7[%get3A_932, %get3A_933] {strides = array<i32>} : memref<32x2048xf32, #tpu.memory_space<vmem>>, vector<1x16xf32>,
        %get3A_935 = vector.shape_cast %get3A_934 : vector<1x16xf32> to vector<16xf32>
        %mul3A_936 = vector.broadcast %squeeze3A_910 : f32 to vector<16xf32>
        %mul3A_937 = arith.mulf %mul3A_936, %get3A_935 : vector<16xf32>
        %add3A_938 = arith.addf %add3A_906, %mul3A_937 : vector<16xf32>
        %slice3A_939 = vector.extract_strided_slice %get3A_550 {offsets = [12], sizes = [1], strides = [1]} : vector<16xf32> to vector<1xf32>
        %squeeze3A_940 = vector.extract %slice3A_939[0] : f32 from vector<1xf32>
        %slice3A_941 = vector.extract_strided_slice %get3A_554 {offsets = [12], sizes = [1], strides = [1]} : vector<16xf32> to vector<1xf32>
        %squeeze3A_942 = vector.extract %slice3A_941[0] : f32 from vector<1xf32>
        %get3A_943 = arith.index_cast %scan3A_22 : i32 to index
        %get3A_944 = arith.constant 1792 : index
        %get3A_945 = tpu.vector_load %arg7[%get3A_943, %get3A_944] {strides = array<i32>} : memref<32x2048xf32, #tpu.memory_space<vmem>>, vector<1x16xf32>,
        %get3A_946 = vector.shape_cast %get3A_945 : vector<1x16xf32> to vector<16xf32>
        %mul3A_947 = vector.broadcast %squeeze3A_940 : f32 to vector<16xf32>
        %mul3A_948 = arith.mulf %mul3A_947, %get3A_946 : vector<16xf32>
        %add3A_949 = arith.addf %add3A_917, %mul3A_948 : vector<16xf32>
        %get3A_950 = arith.index_cast %scan3A_22 : i32 to index
        %get3A_951 = arith.constant 1808 : index
        %get3A_952 = tpu.vector_load %arg7[%get3A_950, %get3A_951] {strides = array<i32>} : memref<32x2048xf32, #tpu.memory_space<vmem>>, vector<1x16xf32>,
        %get3A_953 = vector.shape_cast %get3A_952 : vector<1x16xf32> to vector<16xf32>
        %mul3A_954 = vector.broadcast %squeeze3A_940 : f32 to vector<16xf32>
        %mul3A_955 = arith.mulf %mul3A_954, %get3A_953 : vector<16xf32>
        %add3A_956 = arith.addf %add3A_924, %mul3A_955 : vector<16xf32>
        %get3A_957 = arith.index_cast %scan3A_22 : i32 to index
        %get3A_958 = arith.constant 1824 : index
        %get3A_959 = tpu.vector_load %arg7[%get3A_957, %get3A_958] {strides = array<i32>} : memref<32x2048xf32, #tpu.memory_space<vmem>>, vector<1x16xf32>,
        %get3A_960 = vector.shape_cast %get3A_959 : vector<1x16xf32> to vector<16xf32>
        %mul3A_961 = vector.broadcast %squeeze3A_942 : f32 to vector<16xf32>
        %mul3A_962 = arith.mulf %mul3A_961, %get3A_960 : vector<16xf32>
        %add3A_963 = arith.addf %add3A_931, %mul3A_962 : vector<16xf32>
        %get3A_964 = arith.index_cast %scan3A_22 : i32 to index
        %get3A_965 = arith.constant 1840 : index
        %get3A_966 = tpu.vector_load %arg7[%get3A_964, %get3A_965] {strides = array<i32>} : memref<32x2048xf32, #tpu.memory_space<vmem>>, vector<1x16xf32>,
        %get3A_967 = vector.shape_cast %get3A_966 : vector<1x16xf32> to vector<16xf32>
        %mul3A_968 = vector.broadcast %squeeze3A_942 : f32 to vector<16xf32>
        %mul3A_969 = arith.mulf %mul3A_968, %get3A_967 : vector<16xf32>
        %add3A_970 = arith.addf %add3A_938, %mul3A_969 : vector<16xf32>
        %slice3A_971 = vector.extract_strided_slice %get3A_550 {offsets = [13], sizes = [1], strides = [1]} : vector<16xf32> to vector<1xf32>
        %squeeze3A_972 = vector.extract %slice3A_971[0] : f32 from vector<1xf32>
        %slice3A_973 = vector.extract_strided_slice %get3A_554 {offsets = [13], sizes = [1], strides = [1]} : vector<16xf32> to vector<1xf32>
        %squeeze3A_974 = vector.extract %slice3A_973[0] : f32 from vector<1xf32>
        %get3A_975 = arith.index_cast %scan3A_22 : i32 to index
        %get3A_976 = arith.constant 1856 : index
        %get3A_977 = tpu.vector_load %arg7[%get3A_975, %get3A_976] {strides = array<i32>} : memref<32x2048xf32, #tpu.memory_space<vmem>>, vector<1x16xf32>,
        %get3A_978 = vector.shape_cast %get3A_977 : vector<1x16xf32> to vector<16xf32>
        %mul3A_979 = vector.broadcast %squeeze3A_972 : f32 to vector<16xf32>
        %mul3A_980 = arith.mulf %mul3A_979, %get3A_978 : vector<16xf32>
        %add3A_981 = arith.addf %add3A_949, %mul3A_980 : vector<16xf32>
        %get3A_982 = arith.index_cast %scan3A_22 : i32 to index
        %get3A_983 = arith.constant 1872 : index
        %get3A_984 = tpu.vector_load %arg7[%get3A_982, %get3A_983] {strides = array<i32>} : memref<32x2048xf32, #tpu.memory_space<vmem>>, vector<1x16xf32>,
        %get3A_985 = vector.shape_cast %get3A_984 : vector<1x16xf32> to vector<16xf32>
        %mul3A_986 = vector.broadcast %squeeze3A_972 : f32 to vector<16xf32>
        %mul3A_987 = arith.mulf %mul3A_986, %get3A_985 : vector<16xf32>
        %add3A_988 = arith.addf %add3A_956, %mul3A_987 : vector<16xf32>
        %get3A_989 = arith.index_cast %scan3A_22 : i32 to index
        %get3A_990 = arith.constant 1888 : index
        %get3A_991 = tpu.vector_load %arg7[%get3A_989, %get3A_990] {strides = array<i32>} : memref<32x2048xf32, #tpu.memory_space<vmem>>, vector<1x16xf32>,
        %get3A_992 = vector.shape_cast %get3A_991 : vector<1x16xf32> to vector<16xf32>
        %mul3A_993 = vector.broadcast %squeeze3A_974 : f32 to vector<16xf32>
        %mul3A_994 = arith.mulf %mul3A_993, %get3A_992 : vector<16xf32>
        %add3A_995 = arith.addf %add3A_963, %mul3A_994 : vector<16xf32>
        %get3A_996 = arith.index_cast %scan3A_22 : i32 to index
        %get3A_997 = arith.constant 1904 : index
        %get3A_998 = tpu.vector_load %arg7[%get3A_996, %get3A_997] {strides = array<i32>} : memref<32x2048xf32, #tpu.memory_space<vmem>>, vector<1x16xf32>,
        %get3A_999 = vector.shape_cast %get3A_998 : vector<1x16xf32> to vector<16xf32>
        %mul3A_1000 = vector.broadcast %squeeze3A_974 : f32 to vector<16xf32>
        %mul3A_1001 = arith.mulf %mul3A_1000, %get3A_999 : vector<16xf32>
        %add3A_1002 = arith.addf %add3A_970, %mul3A_1001 : vector<16xf32>
        %slice3A_1003 = vector.extract_strided_slice %get3A_550 {offsets = [14], sizes = [1], strides = [1]} : vector<16xf32> to vector<1xf32>
        %squeeze3A_1004 = vector.extract %slice3A_1003[0] : f32 from vector<1xf32>
        %slice3A_1005 = vector.extract_strided_slice %get3A_554 {offsets = [14], sizes = [1], strides = [1]} : vector<16xf32> to vector<1xf32>
        %squeeze3A_1006 = vector.extract %slice3A_1005[0] : f32 from vector<1xf32>
        %get3A_1007 = arith.index_cast %scan3A_22 : i32 to index
        %get3A_1008 = arith.constant 1920 : index
        %get3A_1009 = tpu.vector_load %arg7[%get3A_1007, %get3A_1008] {strides = array<i32>} : memref<32x2048xf32, #tpu.memory_space<vmem>>, vector<1x16xf32>,
        %get3A_1010 = vector.shape_cast %get3A_1009 : vector<1x16xf32> to vector<16xf32>
        %mul3A_1011 = vector.broadcast %squeeze3A_1004 : f32 to vector<16xf32>
        %mul3A_1012 = arith.mulf %mul3A_1011, %get3A_1010 : vector<16xf32>
        %add3A_1013 = arith.addf %add3A_981, %mul3A_1012 : vector<16xf32>
        %get3A_1014 = arith.index_cast %scan3A_22 : i32 to index
        %get3A_1015 = arith.constant 1936 : index
        %get3A_1016 = tpu.vector_load %arg7[%get3A_1014, %get3A_1015] {strides = array<i32>} : memref<32x2048xf32, #tpu.memory_space<vmem>>, vector<1x16xf32>,
        %get3A_1017 = vector.shape_cast %get3A_1016 : vector<1x16xf32> to vector<16xf32>
        %mul3A_1018 = vector.broadcast %squeeze3A_1004 : f32 to vector<16xf32>
        %mul3A_1019 = arith.mulf %mul3A_1018, %get3A_1017 : vector<16xf32>
        %add3A_1020 = arith.addf %add3A_988, %mul3A_1019 : vector<16xf32>
        %get3A_1021 = arith.index_cast %scan3A_22 : i32 to index
        %get3A_1022 = arith.constant 1952 : index
        %get3A_1023 = tpu.vector_load %arg7[%get3A_1021, %get3A_1022] {strides = array<i32>} : memref<32x2048xf32, #tpu.memory_space<vmem>>, vector<1x16xf32>,
        %get3A_1024 = vector.shape_cast %get3A_1023 : vector<1x16xf32> to vector<16xf32>
        %mul3A_1025 = vector.broadcast %squeeze3A_1006 : f32 to vector<16xf32>
        %mul3A_1026 = arith.mulf %mul3A_1025, %get3A_1024 : vector<16xf32>
        %add3A_1027 = arith.addf %add3A_995, %mul3A_1026 : vector<16xf32>
        %get3A_1028 = arith.index_cast %scan3A_22 : i32 to index
        %get3A_1029 = arith.constant 1968 : index
        %get3A_1030 = tpu.vector_load %arg7[%get3A_1028, %get3A_1029] {strides = array<i32>} : memref<32x2048xf32, #tpu.memory_space<vmem>>, vector<1x16xf32>,
        %get3A_1031 = vector.shape_cast %get3A_1030 : vector<1x16xf32> to vector<16xf32>
        %mul3A_1032 = vector.broadcast %squeeze3A_1006 : f32 to vector<16xf32>
        %mul3A_1033 = arith.mulf %mul3A_1032, %get3A_1031 : vector<16xf32>
        %add3A_1034 = arith.addf %add3A_1002, %mul3A_1033 : vector<16xf32>
        %slice3A_1035 = vector.extract_strided_slice %get3A_550 {offsets = [15], sizes = [1], strides = [1]} : vector<16xf32> to vector<1xf32>
        %squeeze3A_1036 = vector.extract %slice3A_1035[0] : f32 from vector<1xf32>
        %slice3A_1037 = vector.extract_strided_slice %get3A_554 {offsets = [15], sizes = [1], strides = [1]} : vector<16xf32> to vector<1xf32>
        %squeeze3A_1038 = vector.extract %slice3A_1037[0] : f32 from vector<1xf32>
        %get3A_1039 = arith.index_cast %scan3A_22 : i32 to index
        %get3A_1040 = arith.constant 1984 : index
        %get3A_1041 = tpu.vector_load %arg7[%get3A_1039, %get3A_1040] {strides = array<i32>} : memref<32x2048xf32, #tpu.memory_space<vmem>>, vector<1x16xf32>,
        %get3A_1042 = vector.shape_cast %get3A_1041 : vector<1x16xf32> to vector<16xf32>
        %mul3A_1043 = vector.broadcast %squeeze3A_1036 : f32 to vector<16xf32>
        %mul3A_1044 = arith.mulf %mul3A_1043, %get3A_1042 : vector<16xf32>
        %add3A_1045 = arith.addf %add3A_1013, %mul3A_1044 : vector<16xf32>
        %get3A_1046 = arith.index_cast %scan3A_22 : i32 to index
        %get3A_1047 = arith.constant 2000 : index
        %get3A_1048 = tpu.vector_load %arg7[%get3A_1046, %get3A_1047] {strides = array<i32>} : memref<32x2048xf32, #tpu.memory_space<vmem>>, vector<1x16xf32>,
        %get3A_1049 = vector.shape_cast %get3A_1048 : vector<1x16xf32> to vector<16xf32>
        %mul3A_1050 = vector.broadcast %squeeze3A_1036 : f32 to vector<16xf32>
        %mul3A_1051 = arith.mulf %mul3A_1050, %get3A_1049 : vector<16xf32>
        %add3A_1052 = arith.addf %add3A_1020, %mul3A_1051 : vector<16xf32>
        %get3A_1053 = arith.index_cast %scan3A_22 : i32 to index
        %get3A_1054 = arith.constant 2016 : index
        %get3A_1055 = tpu.vector_load %arg7[%get3A_1053, %get3A_1054] {strides = array<i32>} : memref<32x2048xf32, #tpu.memory_space<vmem>>, vector<1x16xf32>,
        %get3A_1056 = vector.shape_cast %get3A_1055 : vector<1x16xf32> to vector<16xf32>
        %mul3A_1057 = vector.broadcast %squeeze3A_1038 : f32 to vector<16xf32>
        %mul3A_1058 = arith.mulf %mul3A_1057, %get3A_1056 : vector<16xf32>
        %add3A_1059 = arith.addf %add3A_1027, %mul3A_1058 : vector<16xf32>
        %get3A_1060 = arith.index_cast %scan3A_22 : i32 to index
        %get3A_1061 = arith.constant 2032 : index
        %get3A_1062 = tpu.vector_load %arg7[%get3A_1060, %get3A_1061] {strides = array<i32>} : memref<32x2048xf32, #tpu.memory_space<vmem>>, vector<1x16xf32>,
        %get3A_1063 = vector.shape_cast %get3A_1062 : vector<1x16xf32> to vector<16xf32>
        %mul3A_1064 = vector.broadcast %squeeze3A_1038 : f32 to vector<16xf32>
        %mul3A_1065 = arith.mulf %mul3A_1064, %get3A_1063 : vector<16xf32>
        %add3A_1066 = arith.addf %add3A_1034, %mul3A_1065 : vector<16xf32>
        %swap3A = arith.index_cast %scan3A_22 : i32 to index
        %swap3A_1067 = arith.constant 0 : index
        %swap3A_1068 = tpu.vector_load %arg9[%swap3A, %swap3A_1067] {strides = array<i32>} : memref<32x64xf32, #tpu.memory_space<vmem>>, vector<1x16xf32>,
        %swap3A_1069 = vector.shape_cast %swap3A_1068 : vector<1x16xf32> to vector<16xf32>
        %swap3A_1070 = vector.shape_cast %add3A_1045 : vector<16xf32> to vector<1x16xf32>
        tpu.vector_store %arg9[%swap3A, %swap3A_1067], %swap3A_1070 {strides = array<i32>} : memref<32x64xf32, #tpu.memory_space<vmem>>, vector<1x16xf32>,
        %swap3A_1071 = arith.index_cast %scan3A_22 : i32 to index
        %swap3A_1072 = arith.constant 16 : index
        %swap3A_1073 = tpu.vector_load %arg9[%swap3A_1071, %swap3A_1072] {strides = array<i32>} : memref<32x64xf32, #tpu.memory_space<vmem>>, vector<1x16xf32>,
        %swap3A_1074 = vector.shape_cast %swap3A_1073 : vector<1x16xf32> to vector<16xf32>
        %swap3A_1075 = vector.shape_cast %add3A_1052 : vector<16xf32> to vector<1x16xf32>
        tpu.vector_store %arg9[%swap3A_1071, %swap3A_1072], %swap3A_1075 {strides = array<i32>} : memref<32x64xf32, #tpu.memory_space<vmem>>, vector<1x16xf32>,
        %swap3A_1076 = arith.index_cast %scan3A_22 : i32 to index
        %swap3A_1077 = arith.constant 32 : index
        %swap3A_1078 = tpu.vector_load %arg9[%swap3A_1076, %swap3A_1077] {strides = array<i32>} : memref<32x64xf32, #tpu.memory_space<vmem>>, vector<1x16xf32>,
        %swap3A_1079 = vector.shape_cast %swap3A_1078 : vector<1x16xf32> to vector<16xf32>
        %swap3A_1080 = vector.shape_cast %add3A_1059 : vector<16xf32> to vector<1x16xf32>
        tpu.vector_store %arg9[%swap3A_1076, %swap3A_1077], %swap3A_1080 {strides = array<i32>} : memref<32x64xf32, #tpu.memory_space<vmem>>, vector<1x16xf32>,
        %swap3A_1081 = arith.index_cast %scan3A_22 : i32 to index
        %swap3A_1082 = arith.constant 48 : index
        %swap3A_1083 = tpu.vector_load %arg9[%swap3A_1081, %swap3A_1082] {strides = array<i32>} : memref<32x64xf32, #tpu.memory_space<vmem>>, vector<1x16xf32>,
        %swap3A_1084 = vector.shape_cast %swap3A_1083 : vector<1x16xf32> to vector<16xf32>
        %swap3A_1085 = vector.shape_cast %add3A_1066 : vector<16xf32> to vector<1x16xf32>
        tpu.vector_store %arg9[%swap3A_1081, %swap3A_1082], %swap3A_1085 {strides = array<i32>} : memref<32x64xf32, #tpu.memory_space<vmem>>, vector<1x16xf32>,
      }
      %scan3A_21 = arith.constant 32 : i32
      "tpu.region"() ({
        %run_scoped3A = tpu.sem_alloc : memref<!tpu.dma_semaphore, #tpu.memory_space<semaphore_mem>>
        %dma_start3A_22 = arith.constant 0 : i32
        %dma_start3A_23 = tpu.memref_slice %arg5[%add3A_11, %dma_start3A_22] : memref<10240x64xf32, #tpu.memory_space<hbm>> -> memref<32x64xf32, #tpu.memory_space<hbm>>
        %dma_start3A_24 = arith.constant 0 : i32
        %dma_start3A_25 = tpu.memref_slice %arg5[%add3A_11, %dma_start3A_24] : memref<10240x64xf32, #tpu.memory_space<hbm>> -> memref<32x64xf32, #tpu.memory_space<hbm>>
        tpu.enqueue_dma source(%arg9 : memref<32x64xf32, #tpu.memory_space<vmem>>) target(%dma_start3A_25 : memref<32x64xf32, #tpu.memory_space<hbm>>) target_semaphore(%run_scoped3A : memref<!tpu.dma_semaphore, #tpu.memory_space<semaphore_mem>>)
        %dma_wait3A_26 = arith.constant 0 : i32
        %dma_wait3A_27 = tpu.memref_slice %arg5[%add3A_11, %dma_wait3A_26] : memref<10240x64xf32, #tpu.memory_space<hbm>> -> memref<32x64xf32, #tpu.memory_space<hbm>>
        %dma_wait3A_28 = arith.constant 0 : i32
        %dma_wait3A_29 = tpu.memref_slice %arg5[%add3A_11, %dma_wait3A_28] : memref<10240x64xf32, #tpu.memory_space<hbm>> -> memref<32x64xf32, #tpu.memory_space<hbm>>
        tpu.wait_dma2 semaphore(%run_scoped3A : memref<!tpu.dma_semaphore, #tpu.memory_space<semaphore_mem>>) src(%arg9 : memref<32x64xf32, #tpu.memory_space<vmem>>) dst(%dma_wait3A_29 : memref<32x64xf32, #tpu.memory_space<hbm>>)
        tpu.yield
      }) : () -> ()
    }
    %scan3A_7 = arith.constant 10 : i32
    return
  }
}

#map = affine_map<(d0, d1) -> (0, 0)>
#map1 = affine_map<(d0, d1) -> (0, 0, 0, 0)>
#map2 = affine_map<(d0, d1) -> (0, 0, 0)>
module attributes {stable_mosaic.version = 14 : i64} {
  func.func @_edge_kernel(%arg0: i32, %arg1: i32, %arg2: memref<20480x128xf32, #tpu.memory_space<hbm>>, %arg3: memref<20480x128xf32, #tpu.memory_space<hbm>>, %arg4: memref<2x5024x3x64xi32, #tpu.memory_space<hbm>>, %arg5: memref<2x10240x128xf32, #tpu.memory_space<hbm>>, %arg6: memref<3x64xi32, #tpu.memory_space<vmem>>, %arg7: memref<64x128xf32, #tpu.memory_space<vmem>>, %arg8: memref<64x128xf32, #tpu.memory_space<vmem>>, %arg9: memref<64x128xf32, #tpu.memory_space<vmem>>, %arg10: memref<10240x128xf32, #tpu.memory_space<vmem_shared>>, %arg11: memref<!tpu.dma_semaphore, #tpu.memory_space<semaphore_mem>>) attributes {dimension_semantics = [#tpu.dimension_semantics<core_parallel>, #tpu.dimension_semantics<subcore_parallel>], iteration_bounds = array<i64: 2, 16>, scalar_prefetch = 0 : i64, scratch_operands = 6 : i64, tpu.core_type = #tpu.core_type<sc_vector_subcore>, window_params = [{transform_indices = #map}, {transform_indices = #map}, {transform_indices = #map1}, {transform_indices = #map2}]} {
    %broadcast_in_dim3A = arith.constant 0.000000e+00 : f32
    %broadcast_in_dim3A_0 = vector.broadcast %broadcast_in_dim3A : f32 to vector<16xf32>
    %scan3A = arith.constant 0 : i32
    %scan3A_1 = arith.constant 0 : i32
    %scan3A_2 = arith.constant 64 : i32
    %scan3A_3 = arith.addi %scan3A_1, %scan3A_2 : i32
    %scan3A_4 = arith.constant 1 : i32
    scf.for %scan3A_53 = %scan3A_1 to %scan3A_3 step %scan3A_4  : i32 {
      %swap3A = arith.index_cast %scan3A_53 : i32 to index
      %swap3A_54 = arith.constant 0 : index
      %swap3A_55 = tpu.vector_load %arg7[%swap3A, %swap3A_54] {strides = array<i32>} : memref<64x128xf32, #tpu.memory_space<vmem>>, vector<1x16xf32>,
      %swap3A_56 = vector.shape_cast %swap3A_55 : vector<1x16xf32> to vector<16xf32>
      %swap3A_57 = vector.shape_cast %broadcast_in_dim3A_0 : vector<16xf32> to vector<1x16xf32>
      tpu.vector_store %arg7[%swap3A, %swap3A_54], %swap3A_57 {strides = array<i32>} : memref<64x128xf32, #tpu.memory_space<vmem>>, vector<1x16xf32>,
      %swap3A_58 = arith.index_cast %scan3A_53 : i32 to index
      %swap3A_59 = arith.constant 16 : index
      %swap3A_60 = tpu.vector_load %arg7[%swap3A_58, %swap3A_59] {strides = array<i32>} : memref<64x128xf32, #tpu.memory_space<vmem>>, vector<1x16xf32>,
      %swap3A_61 = vector.shape_cast %swap3A_60 : vector<1x16xf32> to vector<16xf32>
      %swap3A_62 = vector.shape_cast %broadcast_in_dim3A_0 : vector<16xf32> to vector<1x16xf32>
      tpu.vector_store %arg7[%swap3A_58, %swap3A_59], %swap3A_62 {strides = array<i32>} : memref<64x128xf32, #tpu.memory_space<vmem>>, vector<1x16xf32>,
      %swap3A_63 = arith.index_cast %scan3A_53 : i32 to index
      %swap3A_64 = arith.constant 32 : index
      %swap3A_65 = tpu.vector_load %arg7[%swap3A_63, %swap3A_64] {strides = array<i32>} : memref<64x128xf32, #tpu.memory_space<vmem>>, vector<1x16xf32>,
      %swap3A_66 = vector.shape_cast %swap3A_65 : vector<1x16xf32> to vector<16xf32>
      %swap3A_67 = vector.shape_cast %broadcast_in_dim3A_0 : vector<16xf32> to vector<1x16xf32>
      tpu.vector_store %arg7[%swap3A_63, %swap3A_64], %swap3A_67 {strides = array<i32>} : memref<64x128xf32, #tpu.memory_space<vmem>>, vector<1x16xf32>,
      %swap3A_68 = arith.index_cast %scan3A_53 : i32 to index
      %swap3A_69 = arith.constant 48 : index
      %swap3A_70 = tpu.vector_load %arg7[%swap3A_68, %swap3A_69] {strides = array<i32>} : memref<64x128xf32, #tpu.memory_space<vmem>>, vector<1x16xf32>,
      %swap3A_71 = vector.shape_cast %swap3A_70 : vector<1x16xf32> to vector<16xf32>
      %swap3A_72 = vector.shape_cast %broadcast_in_dim3A_0 : vector<16xf32> to vector<1x16xf32>
      tpu.vector_store %arg7[%swap3A_68, %swap3A_69], %swap3A_72 {strides = array<i32>} : memref<64x128xf32, #tpu.memory_space<vmem>>, vector<1x16xf32>,
      %swap3A_73 = arith.index_cast %scan3A_53 : i32 to index
      %swap3A_74 = arith.constant 64 : index
      %swap3A_75 = tpu.vector_load %arg7[%swap3A_73, %swap3A_74] {strides = array<i32>} : memref<64x128xf32, #tpu.memory_space<vmem>>, vector<1x16xf32>,
      %swap3A_76 = vector.shape_cast %swap3A_75 : vector<1x16xf32> to vector<16xf32>
      %swap3A_77 = vector.shape_cast %broadcast_in_dim3A_0 : vector<16xf32> to vector<1x16xf32>
      tpu.vector_store %arg7[%swap3A_73, %swap3A_74], %swap3A_77 {strides = array<i32>} : memref<64x128xf32, #tpu.memory_space<vmem>>, vector<1x16xf32>,
      %swap3A_78 = arith.index_cast %scan3A_53 : i32 to index
      %swap3A_79 = arith.constant 80 : index
      %swap3A_80 = tpu.vector_load %arg7[%swap3A_78, %swap3A_79] {strides = array<i32>} : memref<64x128xf32, #tpu.memory_space<vmem>>, vector<1x16xf32>,
      %swap3A_81 = vector.shape_cast %swap3A_80 : vector<1x16xf32> to vector<16xf32>
      %swap3A_82 = vector.shape_cast %broadcast_in_dim3A_0 : vector<16xf32> to vector<1x16xf32>
      tpu.vector_store %arg7[%swap3A_78, %swap3A_79], %swap3A_82 {strides = array<i32>} : memref<64x128xf32, #tpu.memory_space<vmem>>, vector<1x16xf32>,
      %swap3A_83 = arith.index_cast %scan3A_53 : i32 to index
      %swap3A_84 = arith.constant 96 : index
      %swap3A_85 = tpu.vector_load %arg7[%swap3A_83, %swap3A_84] {strides = array<i32>} : memref<64x128xf32, #tpu.memory_space<vmem>>, vector<1x16xf32>,
      %swap3A_86 = vector.shape_cast %swap3A_85 : vector<1x16xf32> to vector<16xf32>
      %swap3A_87 = vector.shape_cast %broadcast_in_dim3A_0 : vector<16xf32> to vector<1x16xf32>
      tpu.vector_store %arg7[%swap3A_83, %swap3A_84], %swap3A_87 {strides = array<i32>} : memref<64x128xf32, #tpu.memory_space<vmem>>, vector<1x16xf32>,
      %swap3A_88 = arith.index_cast %scan3A_53 : i32 to index
      %swap3A_89 = arith.constant 112 : index
      %swap3A_90 = tpu.vector_load %arg7[%swap3A_88, %swap3A_89] {strides = array<i32>} : memref<64x128xf32, #tpu.memory_space<vmem>>, vector<1x16xf32>,
      %swap3A_91 = vector.shape_cast %swap3A_90 : vector<1x16xf32> to vector<16xf32>
      %swap3A_92 = vector.shape_cast %broadcast_in_dim3A_0 : vector<16xf32> to vector<1x16xf32>
      tpu.vector_store %arg7[%swap3A_88, %swap3A_89], %swap3A_92 {strides = array<i32>} : memref<64x128xf32, #tpu.memory_space<vmem>>, vector<1x16xf32>,
    }
    %scan3A_5 = arith.constant 64 : i32
    %mul3A = arith.constant 640 : i32
    %mul3A_6 = arith.muli %arg1, %mul3A : i32
    %add3A = arith.constant 0 : i32
    %add3A_7 = arith.addi %mul3A_6, %add3A : i32
    "tpu.region"() ({
      %run_scoped3A = tpu.sem_alloc : memref<!tpu.dma_semaphore, #tpu.memory_space<semaphore_mem>>
      %dma_start3A = arith.constant 0 : i32
      %dma_start3A_53 = tpu.memref_slice %arg10[%add3A_7, %dma_start3A] : memref<10240x128xf32, #tpu.memory_space<vmem_shared>> -> memref<64x128xf32, #tpu.memory_space<vmem_shared>>
      %dma_start3A_54 = arith.constant 0 : i32
      %dma_start3A_55 = tpu.memref_slice %arg10[%add3A_7, %dma_start3A_54] : memref<10240x128xf32, #tpu.memory_space<vmem_shared>> -> memref<64x128xf32, #tpu.memory_space<vmem_shared>>
      tpu.enqueue_dma source(%arg7 : memref<64x128xf32, #tpu.memory_space<vmem>>) target(%dma_start3A_55 : memref<64x128xf32, #tpu.memory_space<vmem_shared>>) target_semaphore(%run_scoped3A : memref<!tpu.dma_semaphore, #tpu.memory_space<semaphore_mem>>)
      %dma_wait3A = arith.constant 0 : i32
      %dma_wait3A_56 = tpu.memref_slice %arg10[%add3A_7, %dma_wait3A] : memref<10240x128xf32, #tpu.memory_space<vmem_shared>> -> memref<64x128xf32, #tpu.memory_space<vmem_shared>>
      %dma_wait3A_57 = arith.constant 0 : i32
      %dma_wait3A_58 = tpu.memref_slice %arg10[%add3A_7, %dma_wait3A_57] : memref<10240x128xf32, #tpu.memory_space<vmem_shared>> -> memref<64x128xf32, #tpu.memory_space<vmem_shared>>
      tpu.wait_dma2 semaphore(%run_scoped3A : memref<!tpu.dma_semaphore, #tpu.memory_space<semaphore_mem>>) src(%arg7 : memref<64x128xf32, #tpu.memory_space<vmem>>) dst(%dma_wait3A_58 : memref<64x128xf32, #tpu.memory_space<vmem_shared>>)
      tpu.yield
    }) : () -> ()
    %mul3A_8 = arith.constant 640 : i32
    %mul3A_9 = arith.muli %arg1, %mul3A_8 : i32
    %add3A_10 = arith.constant 64 : i32
    %add3A_11 = arith.addi %mul3A_9, %add3A_10 : i32
    "tpu.region"() ({
      %run_scoped3A = tpu.sem_alloc : memref<!tpu.dma_semaphore, #tpu.memory_space<semaphore_mem>>
      %dma_start3A = arith.constant 0 : i32
      %dma_start3A_53 = tpu.memref_slice %arg10[%add3A_11, %dma_start3A] : memref<10240x128xf32, #tpu.memory_space<vmem_shared>> -> memref<64x128xf32, #tpu.memory_space<vmem_shared>>
      %dma_start3A_54 = arith.constant 0 : i32
      %dma_start3A_55 = tpu.memref_slice %arg10[%add3A_11, %dma_start3A_54] : memref<10240x128xf32, #tpu.memory_space<vmem_shared>> -> memref<64x128xf32, #tpu.memory_space<vmem_shared>>
      tpu.enqueue_dma source(%arg7 : memref<64x128xf32, #tpu.memory_space<vmem>>) target(%dma_start3A_55 : memref<64x128xf32, #tpu.memory_space<vmem_shared>>) target_semaphore(%run_scoped3A : memref<!tpu.dma_semaphore, #tpu.memory_space<semaphore_mem>>)
      %dma_wait3A = arith.constant 0 : i32
      %dma_wait3A_56 = tpu.memref_slice %arg10[%add3A_11, %dma_wait3A] : memref<10240x128xf32, #tpu.memory_space<vmem_shared>> -> memref<64x128xf32, #tpu.memory_space<vmem_shared>>
      %dma_wait3A_57 = arith.constant 0 : i32
      %dma_wait3A_58 = tpu.memref_slice %arg10[%add3A_11, %dma_wait3A_57] : memref<10240x128xf32, #tpu.memory_space<vmem_shared>> -> memref<64x128xf32, #tpu.memory_space<vmem_shared>>
      tpu.wait_dma2 semaphore(%run_scoped3A : memref<!tpu.dma_semaphore, #tpu.memory_space<semaphore_mem>>) src(%arg7 : memref<64x128xf32, #tpu.memory_space<vmem>>) dst(%dma_wait3A_58 : memref<64x128xf32, #tpu.memory_space<vmem_shared>>)
      tpu.yield
    }) : () -> ()
    %mul3A_12 = arith.constant 640 : i32
    %mul3A_13 = arith.muli %arg1, %mul3A_12 : i32
    %add3A_14 = arith.constant 128 : i32
    %add3A_15 = arith.addi %mul3A_13, %add3A_14 : i32
    "tpu.region"() ({
      %run_scoped3A = tpu.sem_alloc : memref<!tpu.dma_semaphore, #tpu.memory_space<semaphore_mem>>
      %dma_start3A = arith.constant 0 : i32
      %dma_start3A_53 = tpu.memref_slice %arg10[%add3A_15, %dma_start3A] : memref<10240x128xf32, #tpu.memory_space<vmem_shared>> -> memref<64x128xf32, #tpu.memory_space<vmem_shared>>
      %dma_start3A_54 = arith.constant 0 : i32
      %dma_start3A_55 = tpu.memref_slice %arg10[%add3A_15, %dma_start3A_54] : memref<10240x128xf32, #tpu.memory_space<vmem_shared>> -> memref<64x128xf32, #tpu.memory_space<vmem_shared>>
      tpu.enqueue_dma source(%arg7 : memref<64x128xf32, #tpu.memory_space<vmem>>) target(%dma_start3A_55 : memref<64x128xf32, #tpu.memory_space<vmem_shared>>) target_semaphore(%run_scoped3A : memref<!tpu.dma_semaphore, #tpu.memory_space<semaphore_mem>>)
      %dma_wait3A = arith.constant 0 : i32
      %dma_wait3A_56 = tpu.memref_slice %arg10[%add3A_15, %dma_wait3A] : memref<10240x128xf32, #tpu.memory_space<vmem_shared>> -> memref<64x128xf32, #tpu.memory_space<vmem_shared>>
      %dma_wait3A_57 = arith.constant 0 : i32
      %dma_wait3A_58 = tpu.memref_slice %arg10[%add3A_15, %dma_wait3A_57] : memref<10240x128xf32, #tpu.memory_space<vmem_shared>> -> memref<64x128xf32, #tpu.memory_space<vmem_shared>>
      tpu.wait_dma2 semaphore(%run_scoped3A : memref<!tpu.dma_semaphore, #tpu.memory_space<semaphore_mem>>) src(%arg7 : memref<64x128xf32, #tpu.memory_space<vmem>>) dst(%dma_wait3A_58 : memref<64x128xf32, #tpu.memory_space<vmem_shared>>)
      tpu.yield
    }) : () -> ()
    %mul3A_16 = arith.constant 640 : i32
    %mul3A_17 = arith.muli %arg1, %mul3A_16 : i32
    %add3A_18 = arith.constant 192 : i32
    %add3A_19 = arith.addi %mul3A_17, %add3A_18 : i32
    "tpu.region"() ({
      %run_scoped3A = tpu.sem_alloc : memref<!tpu.dma_semaphore, #tpu.memory_space<semaphore_mem>>
      %dma_start3A = arith.constant 0 : i32
      %dma_start3A_53 = tpu.memref_slice %arg10[%add3A_19, %dma_start3A] : memref<10240x128xf32, #tpu.memory_space<vmem_shared>> -> memref<64x128xf32, #tpu.memory_space<vmem_shared>>
      %dma_start3A_54 = arith.constant 0 : i32
      %dma_start3A_55 = tpu.memref_slice %arg10[%add3A_19, %dma_start3A_54] : memref<10240x128xf32, #tpu.memory_space<vmem_shared>> -> memref<64x128xf32, #tpu.memory_space<vmem_shared>>
      tpu.enqueue_dma source(%arg7 : memref<64x128xf32, #tpu.memory_space<vmem>>) target(%dma_start3A_55 : memref<64x128xf32, #tpu.memory_space<vmem_shared>>) target_semaphore(%run_scoped3A : memref<!tpu.dma_semaphore, #tpu.memory_space<semaphore_mem>>)
      %dma_wait3A = arith.constant 0 : i32
      %dma_wait3A_56 = tpu.memref_slice %arg10[%add3A_19, %dma_wait3A] : memref<10240x128xf32, #tpu.memory_space<vmem_shared>> -> memref<64x128xf32, #tpu.memory_space<vmem_shared>>
      %dma_wait3A_57 = arith.constant 0 : i32
      %dma_wait3A_58 = tpu.memref_slice %arg10[%add3A_19, %dma_wait3A_57] : memref<10240x128xf32, #tpu.memory_space<vmem_shared>> -> memref<64x128xf32, #tpu.memory_space<vmem_shared>>
      tpu.wait_dma2 semaphore(%run_scoped3A : memref<!tpu.dma_semaphore, #tpu.memory_space<semaphore_mem>>) src(%arg7 : memref<64x128xf32, #tpu.memory_space<vmem>>) dst(%dma_wait3A_58 : memref<64x128xf32, #tpu.memory_space<vmem_shared>>)
      tpu.yield
    }) : () -> ()
    %mul3A_20 = arith.constant 640 : i32
    %mul3A_21 = arith.muli %arg1, %mul3A_20 : i32
    %add3A_22 = arith.constant 256 : i32
    %add3A_23 = arith.addi %mul3A_21, %add3A_22 : i32
    "tpu.region"() ({
      %run_scoped3A = tpu.sem_alloc : memref<!tpu.dma_semaphore, #tpu.memory_space<semaphore_mem>>
      %dma_start3A = arith.constant 0 : i32
      %dma_start3A_53 = tpu.memref_slice %arg10[%add3A_23, %dma_start3A] : memref<10240x128xf32, #tpu.memory_space<vmem_shared>> -> memref<64x128xf32, #tpu.memory_space<vmem_shared>>
      %dma_start3A_54 = arith.constant 0 : i32
      %dma_start3A_55 = tpu.memref_slice %arg10[%add3A_23, %dma_start3A_54] : memref<10240x128xf32, #tpu.memory_space<vmem_shared>> -> memref<64x128xf32, #tpu.memory_space<vmem_shared>>
      tpu.enqueue_dma source(%arg7 : memref<64x128xf32, #tpu.memory_space<vmem>>) target(%dma_start3A_55 : memref<64x128xf32, #tpu.memory_space<vmem_shared>>) target_semaphore(%run_scoped3A : memref<!tpu.dma_semaphore, #tpu.memory_space<semaphore_mem>>)
      %dma_wait3A = arith.constant 0 : i32
      %dma_wait3A_56 = tpu.memref_slice %arg10[%add3A_23, %dma_wait3A] : memref<10240x128xf32, #tpu.memory_space<vmem_shared>> -> memref<64x128xf32, #tpu.memory_space<vmem_shared>>
      %dma_wait3A_57 = arith.constant 0 : i32
      %dma_wait3A_58 = tpu.memref_slice %arg10[%add3A_23, %dma_wait3A_57] : memref<10240x128xf32, #tpu.memory_space<vmem_shared>> -> memref<64x128xf32, #tpu.memory_space<vmem_shared>>
      tpu.wait_dma2 semaphore(%run_scoped3A : memref<!tpu.dma_semaphore, #tpu.memory_space<semaphore_mem>>) src(%arg7 : memref<64x128xf32, #tpu.memory_space<vmem>>) dst(%dma_wait3A_58 : memref<64x128xf32, #tpu.memory_space<vmem_shared>>)
      tpu.yield
    }) : () -> ()
    %mul3A_24 = arith.constant 640 : i32
    %mul3A_25 = arith.muli %arg1, %mul3A_24 : i32
    %add3A_26 = arith.constant 320 : i32
    %add3A_27 = arith.addi %mul3A_25, %add3A_26 : i32
    "tpu.region"() ({
      %run_scoped3A = tpu.sem_alloc : memref<!tpu.dma_semaphore, #tpu.memory_space<semaphore_mem>>
      %dma_start3A = arith.constant 0 : i32
      %dma_start3A_53 = tpu.memref_slice %arg10[%add3A_27, %dma_start3A] : memref<10240x128xf32, #tpu.memory_space<vmem_shared>> -> memref<64x128xf32, #tpu.memory_space<vmem_shared>>
      %dma_start3A_54 = arith.constant 0 : i32
      %dma_start3A_55 = tpu.memref_slice %arg10[%add3A_27, %dma_start3A_54] : memref<10240x128xf32, #tpu.memory_space<vmem_shared>> -> memref<64x128xf32, #tpu.memory_space<vmem_shared>>
      tpu.enqueue_dma source(%arg7 : memref<64x128xf32, #tpu.memory_space<vmem>>) target(%dma_start3A_55 : memref<64x128xf32, #tpu.memory_space<vmem_shared>>) target_semaphore(%run_scoped3A : memref<!tpu.dma_semaphore, #tpu.memory_space<semaphore_mem>>)
      %dma_wait3A = arith.constant 0 : i32
      %dma_wait3A_56 = tpu.memref_slice %arg10[%add3A_27, %dma_wait3A] : memref<10240x128xf32, #tpu.memory_space<vmem_shared>> -> memref<64x128xf32, #tpu.memory_space<vmem_shared>>
      %dma_wait3A_57 = arith.constant 0 : i32
      %dma_wait3A_58 = tpu.memref_slice %arg10[%add3A_27, %dma_wait3A_57] : memref<10240x128xf32, #tpu.memory_space<vmem_shared>> -> memref<64x128xf32, #tpu.memory_space<vmem_shared>>
      tpu.wait_dma2 semaphore(%run_scoped3A : memref<!tpu.dma_semaphore, #tpu.memory_space<semaphore_mem>>) src(%arg7 : memref<64x128xf32, #tpu.memory_space<vmem>>) dst(%dma_wait3A_58 : memref<64x128xf32, #tpu.memory_space<vmem_shared>>)
      tpu.yield
    }) : () -> ()
    %mul3A_28 = arith.constant 640 : i32
    %mul3A_29 = arith.muli %arg1, %mul3A_28 : i32
    %add3A_30 = arith.constant 384 : i32
    %add3A_31 = arith.addi %mul3A_29, %add3A_30 : i32
    "tpu.region"() ({
      %run_scoped3A = tpu.sem_alloc : memref<!tpu.dma_semaphore, #tpu.memory_space<semaphore_mem>>
      %dma_start3A = arith.constant 0 : i32
      %dma_start3A_53 = tpu.memref_slice %arg10[%add3A_31, %dma_start3A] : memref<10240x128xf32, #tpu.memory_space<vmem_shared>> -> memref<64x128xf32, #tpu.memory_space<vmem_shared>>
      %dma_start3A_54 = arith.constant 0 : i32
      %dma_start3A_55 = tpu.memref_slice %arg10[%add3A_31, %dma_start3A_54] : memref<10240x128xf32, #tpu.memory_space<vmem_shared>> -> memref<64x128xf32, #tpu.memory_space<vmem_shared>>
      tpu.enqueue_dma source(%arg7 : memref<64x128xf32, #tpu.memory_space<vmem>>) target(%dma_start3A_55 : memref<64x128xf32, #tpu.memory_space<vmem_shared>>) target_semaphore(%run_scoped3A : memref<!tpu.dma_semaphore, #tpu.memory_space<semaphore_mem>>)
      %dma_wait3A = arith.constant 0 : i32
      %dma_wait3A_56 = tpu.memref_slice %arg10[%add3A_31, %dma_wait3A] : memref<10240x128xf32, #tpu.memory_space<vmem_shared>> -> memref<64x128xf32, #tpu.memory_space<vmem_shared>>
      %dma_wait3A_57 = arith.constant 0 : i32
      %dma_wait3A_58 = tpu.memref_slice %arg10[%add3A_31, %dma_wait3A_57] : memref<10240x128xf32, #tpu.memory_space<vmem_shared>> -> memref<64x128xf32, #tpu.memory_space<vmem_shared>>
      tpu.wait_dma2 semaphore(%run_scoped3A : memref<!tpu.dma_semaphore, #tpu.memory_space<semaphore_mem>>) src(%arg7 : memref<64x128xf32, #tpu.memory_space<vmem>>) dst(%dma_wait3A_58 : memref<64x128xf32, #tpu.memory_space<vmem_shared>>)
      tpu.yield
    }) : () -> ()
    %mul3A_32 = arith.constant 640 : i32
    %mul3A_33 = arith.muli %arg1, %mul3A_32 : i32
    %add3A_34 = arith.constant 448 : i32
    %add3A_35 = arith.addi %mul3A_33, %add3A_34 : i32
    "tpu.region"() ({
      %run_scoped3A = tpu.sem_alloc : memref<!tpu.dma_semaphore, #tpu.memory_space<semaphore_mem>>
      %dma_start3A = arith.constant 0 : i32
      %dma_start3A_53 = tpu.memref_slice %arg10[%add3A_35, %dma_start3A] : memref<10240x128xf32, #tpu.memory_space<vmem_shared>> -> memref<64x128xf32, #tpu.memory_space<vmem_shared>>
      %dma_start3A_54 = arith.constant 0 : i32
      %dma_start3A_55 = tpu.memref_slice %arg10[%add3A_35, %dma_start3A_54] : memref<10240x128xf32, #tpu.memory_space<vmem_shared>> -> memref<64x128xf32, #tpu.memory_space<vmem_shared>>
      tpu.enqueue_dma source(%arg7 : memref<64x128xf32, #tpu.memory_space<vmem>>) target(%dma_start3A_55 : memref<64x128xf32, #tpu.memory_space<vmem_shared>>) target_semaphore(%run_scoped3A : memref<!tpu.dma_semaphore, #tpu.memory_space<semaphore_mem>>)
      %dma_wait3A = arith.constant 0 : i32
      %dma_wait3A_56 = tpu.memref_slice %arg10[%add3A_35, %dma_wait3A] : memref<10240x128xf32, #tpu.memory_space<vmem_shared>> -> memref<64x128xf32, #tpu.memory_space<vmem_shared>>
      %dma_wait3A_57 = arith.constant 0 : i32
      %dma_wait3A_58 = tpu.memref_slice %arg10[%add3A_35, %dma_wait3A_57] : memref<10240x128xf32, #tpu.memory_space<vmem_shared>> -> memref<64x128xf32, #tpu.memory_space<vmem_shared>>
      tpu.wait_dma2 semaphore(%run_scoped3A : memref<!tpu.dma_semaphore, #tpu.memory_space<semaphore_mem>>) src(%arg7 : memref<64x128xf32, #tpu.memory_space<vmem>>) dst(%dma_wait3A_58 : memref<64x128xf32, #tpu.memory_space<vmem_shared>>)
      tpu.yield
    }) : () -> ()
    %mul3A_36 = arith.constant 640 : i32
    %mul3A_37 = arith.muli %arg1, %mul3A_36 : i32
    %add3A_38 = arith.constant 512 : i32
    %add3A_39 = arith.addi %mul3A_37, %add3A_38 : i32
    "tpu.region"() ({
      %run_scoped3A = tpu.sem_alloc : memref<!tpu.dma_semaphore, #tpu.memory_space<semaphore_mem>>
      %dma_start3A = arith.constant 0 : i32
      %dma_start3A_53 = tpu.memref_slice %arg10[%add3A_39, %dma_start3A] : memref<10240x128xf32, #tpu.memory_space<vmem_shared>> -> memref<64x128xf32, #tpu.memory_space<vmem_shared>>
      %dma_start3A_54 = arith.constant 0 : i32
      %dma_start3A_55 = tpu.memref_slice %arg10[%add3A_39, %dma_start3A_54] : memref<10240x128xf32, #tpu.memory_space<vmem_shared>> -> memref<64x128xf32, #tpu.memory_space<vmem_shared>>
      tpu.enqueue_dma source(%arg7 : memref<64x128xf32, #tpu.memory_space<vmem>>) target(%dma_start3A_55 : memref<64x128xf32, #tpu.memory_space<vmem_shared>>) target_semaphore(%run_scoped3A : memref<!tpu.dma_semaphore, #tpu.memory_space<semaphore_mem>>)
      %dma_wait3A = arith.constant 0 : i32
      %dma_wait3A_56 = tpu.memref_slice %arg10[%add3A_39, %dma_wait3A] : memref<10240x128xf32, #tpu.memory_space<vmem_shared>> -> memref<64x128xf32, #tpu.memory_space<vmem_shared>>
      %dma_wait3A_57 = arith.constant 0 : i32
      %dma_wait3A_58 = tpu.memref_slice %arg10[%add3A_39, %dma_wait3A_57] : memref<10240x128xf32, #tpu.memory_space<vmem_shared>> -> memref<64x128xf32, #tpu.memory_space<vmem_shared>>
      tpu.wait_dma2 semaphore(%run_scoped3A : memref<!tpu.dma_semaphore, #tpu.memory_space<semaphore_mem>>) src(%arg7 : memref<64x128xf32, #tpu.memory_space<vmem>>) dst(%dma_wait3A_58 : memref<64x128xf32, #tpu.memory_space<vmem_shared>>)
      tpu.yield
    }) : () -> ()
    %mul3A_40 = arith.constant 640 : i32
    %mul3A_41 = arith.muli %arg1, %mul3A_40 : i32
    %add3A_42 = arith.constant 576 : i32
    %add3A_43 = arith.addi %mul3A_41, %add3A_42 : i32
    "tpu.region"() ({
      %run_scoped3A = tpu.sem_alloc : memref<!tpu.dma_semaphore, #tpu.memory_space<semaphore_mem>>
      %dma_start3A = arith.constant 0 : i32
      %dma_start3A_53 = tpu.memref_slice %arg10[%add3A_43, %dma_start3A] : memref<10240x128xf32, #tpu.memory_space<vmem_shared>> -> memref<64x128xf32, #tpu.memory_space<vmem_shared>>
      %dma_start3A_54 = arith.constant 0 : i32
      %dma_start3A_55 = tpu.memref_slice %arg10[%add3A_43, %dma_start3A_54] : memref<10240x128xf32, #tpu.memory_space<vmem_shared>> -> memref<64x128xf32, #tpu.memory_space<vmem_shared>>
      tpu.enqueue_dma source(%arg7 : memref<64x128xf32, #tpu.memory_space<vmem>>) target(%dma_start3A_55 : memref<64x128xf32, #tpu.memory_space<vmem_shared>>) target_semaphore(%run_scoped3A : memref<!tpu.dma_semaphore, #tpu.memory_space<semaphore_mem>>)
      %dma_wait3A = arith.constant 0 : i32
      %dma_wait3A_56 = tpu.memref_slice %arg10[%add3A_43, %dma_wait3A] : memref<10240x128xf32, #tpu.memory_space<vmem_shared>> -> memref<64x128xf32, #tpu.memory_space<vmem_shared>>
      %dma_wait3A_57 = arith.constant 0 : i32
      %dma_wait3A_58 = tpu.memref_slice %arg10[%add3A_43, %dma_wait3A_57] : memref<10240x128xf32, #tpu.memory_space<vmem_shared>> -> memref<64x128xf32, #tpu.memory_space<vmem_shared>>
      tpu.wait_dma2 semaphore(%run_scoped3A : memref<!tpu.dma_semaphore, #tpu.memory_space<semaphore_mem>>) src(%arg7 : memref<64x128xf32, #tpu.memory_space<vmem>>) dst(%dma_wait3A_58 : memref<64x128xf32, #tpu.memory_space<vmem_shared>>)
      tpu.yield
    }) : () -> ()
    %barrier3A = arith.constant 0 : index
    tpu.barrier barrier_id(%barrier3A)
    %scan3A_44 = arith.constant 0 : i32
    %scan3A_45 = arith.constant 0 : i32
    %scan3A_46 = arith.constant 314 : i32
    %scan3A_47 = arith.addi %scan3A_45, %scan3A_46 : i32
    %scan3A_48 = arith.constant 1 : i32
    scf.for %scan3A_53 = %scan3A_45 to %scan3A_47 step %scan3A_48  : i32 {
      %mul3A_54 = arith.constant 314 : i32
      %mul3A_55 = arith.muli %arg1, %mul3A_54 : i32
      %add3A_56 = arith.addi %mul3A_55, %scan3A_53 : i32
      "tpu.region"() ({
        %run_scoped3A_103 = tpu.sem_alloc : memref<!tpu.dma_semaphore, #tpu.memory_space<semaphore_mem>>
        %dma_start3A_104 = arith.constant 0 : i32
        %dma_start3A_105 = arith.constant 0 : i32
        %dma_start3A_106 = tpu.memref_slice %arg4[%arg0, %add3A_56, %dma_start3A_104, %dma_start3A_105] : memref<2x5024x3x64xi32, #tpu.memory_space<hbm>> -> memref<1x1x3x64xi32, #tpu.memory_space<hbm>>
        %dma_start3A_107 = tpu.memref_squeeze %dma_start3A_106 : memref<1x1x3x64xi32, #tpu.memory_space<hbm>> -> memref<3x64xi32, #tpu.memory_space<hbm>>
        %dma_start3A_108 = arith.constant 0 : i32
        %dma_start3A_109 = arith.constant 0 : i32
        %dma_start3A_110 = tpu.memref_slice %arg4[%arg0, %add3A_56, %dma_start3A_108, %dma_start3A_109] : memref<2x5024x3x64xi32, #tpu.memory_space<hbm>> -> memref<1x1x3x64xi32, #tpu.memory_space<hbm>>
        %dma_start3A_111 = tpu.memref_squeeze %dma_start3A_110 : memref<1x1x3x64xi32, #tpu.memory_space<hbm>> -> memref<3x64xi32, #tpu.memory_space<hbm>>
        tpu.enqueue_dma source(%dma_start3A_111 : memref<3x64xi32, #tpu.memory_space<hbm>>) target(%arg6 : memref<3x64xi32, #tpu.memory_space<vmem>>) target_semaphore(%run_scoped3A_103 : memref<!tpu.dma_semaphore, #tpu.memory_space<semaphore_mem>>)
        %dma_wait3A_112 = arith.constant 0 : i32
        %dma_wait3A_113 = arith.constant 0 : i32
        %dma_wait3A_114 = tpu.memref_slice %arg4[%arg0, %add3A_56, %dma_wait3A_112, %dma_wait3A_113] : memref<2x5024x3x64xi32, #tpu.memory_space<hbm>> -> memref<1x1x3x64xi32, #tpu.memory_space<hbm>>
        %dma_wait3A_115 = tpu.memref_squeeze %dma_wait3A_114 : memref<1x1x3x64xi32, #tpu.memory_space<hbm>> -> memref<3x64xi32, #tpu.memory_space<hbm>>
        %dma_wait3A_116 = arith.constant 0 : i32
        %dma_wait3A_117 = arith.constant 0 : i32
        %dma_wait3A_118 = tpu.memref_slice %arg4[%arg0, %add3A_56, %dma_wait3A_116, %dma_wait3A_117] : memref<2x5024x3x64xi32, #tpu.memory_space<hbm>> -> memref<1x1x3x64xi32, #tpu.memory_space<hbm>>
        %dma_wait3A_119 = tpu.memref_squeeze %dma_wait3A_118 : memref<1x1x3x64xi32, #tpu.memory_space<hbm>> -> memref<3x64xi32, #tpu.memory_space<hbm>>
        tpu.wait_dma2 semaphore(%run_scoped3A_103 : memref<!tpu.dma_semaphore, #tpu.memory_space<semaphore_mem>>) src(%dma_wait3A_119 : memref<3x64xi32, #tpu.memory_space<hbm>>) dst(%arg6 : memref<3x64xi32, #tpu.memory_space<vmem>>)
        tpu.yield
      }) : () -> ()
      %dma_start3A = arith.constant 0 : i32
      %dma_start3A_57 = arith.constant 0 : i32
      %dma_start3A_58 = tpu.memref_slice %arg6[%dma_start3A, %dma_start3A_57] : memref<3x64xi32, #tpu.memory_space<vmem>> -> memref<1x64xi32, #tpu.memory_space<vmem>>
      %dma_start3A_59 = tpu.memref_squeeze %dma_start3A_58 : memref<1x64xi32, #tpu.memory_space<vmem>> -> memref<64xi32, #tpu.memory_space<vmem>>
      %dma_start3A_60 = arith.constant 0 : i32
      %dma_start3A_61 = arith.constant 0 : i32
      %dma_start3A_62 = tpu.memref_slice %arg2[%dma_start3A_60, %dma_start3A_61] : memref<20480x128xf32, #tpu.memory_space<hbm>> -> memref<20480x128xf32, #tpu.memory_space<hbm>>
      tpu.enqueue_indirect_dma source(%dma_start3A_62 : memref<20480x128xf32, #tpu.memory_space<hbm>>) target(%arg7 : memref<64x128xf32, #tpu.memory_space<vmem>>) offsets(%dma_start3A_59 : memref<64xi32, #tpu.memory_space<vmem>>) semaphore(%arg11 : memref<!tpu.dma_semaphore, #tpu.memory_space<semaphore_mem>>)
      %dma_start3A_63 = arith.constant 0 : i32
      %dma_start3A_64 = arith.constant 0 : i32
      %dma_start3A_65 = tpu.memref_slice %arg6[%dma_start3A_63, %dma_start3A_64] : memref<3x64xi32, #tpu.memory_space<vmem>> -> memref<1x64xi32, #tpu.memory_space<vmem>>
      %dma_start3A_66 = tpu.memref_squeeze %dma_start3A_65 : memref<1x64xi32, #tpu.memory_space<vmem>> -> memref<64xi32, #tpu.memory_space<vmem>>
      %dma_start3A_67 = arith.constant 0 : i32
      %dma_start3A_68 = arith.constant 0 : i32
      %dma_start3A_69 = tpu.memref_slice %arg3[%dma_start3A_67, %dma_start3A_68] : memref<20480x128xf32, #tpu.memory_space<hbm>> -> memref<20480x128xf32, #tpu.memory_space<hbm>>
      tpu.enqueue_indirect_dma source(%dma_start3A_69 : memref<20480x128xf32, #tpu.memory_space<hbm>>) target(%arg8 : memref<64x128xf32, #tpu.memory_space<vmem>>) offsets(%dma_start3A_66 : memref<64xi32, #tpu.memory_space<vmem>>) semaphore(%arg11 : memref<!tpu.dma_semaphore, #tpu.memory_space<semaphore_mem>>)
      %dma_start3A_70 = arith.constant 1 : i32
      %dma_start3A_71 = arith.constant 0 : i32
      %dma_start3A_72 = tpu.memref_slice %arg6[%dma_start3A_70, %dma_start3A_71] : memref<3x64xi32, #tpu.memory_space<vmem>> -> memref<1x64xi32, #tpu.memory_space<vmem>>
      %dma_start3A_73 = tpu.memref_squeeze %dma_start3A_72 : memref<1x64xi32, #tpu.memory_space<vmem>> -> memref<64xi32, #tpu.memory_space<vmem>>
      %dma_start3A_74 = arith.constant 0 : i32
      %dma_start3A_75 = arith.constant 0 : i32
      %dma_start3A_76 = tpu.memref_slice %arg3[%dma_start3A_74, %dma_start3A_75] : memref<20480x128xf32, #tpu.memory_space<hbm>> -> memref<20480x128xf32, #tpu.memory_space<hbm>>
      tpu.enqueue_indirect_dma source(%dma_start3A_76 : memref<20480x128xf32, #tpu.memory_space<hbm>>) target(%arg9 : memref<64x128xf32, #tpu.memory_space<vmem>>) offsets(%dma_start3A_73 : memref<64xi32, #tpu.memory_space<vmem>>) semaphore(%arg11 : memref<!tpu.dma_semaphore, #tpu.memory_space<semaphore_mem>>)
      %dma_wait3A = arith.constant 0 : i32
      %dma_wait3A_77 = arith.constant 0 : i32
      %dma_wait3A_78 = tpu.memref_slice %arg6[%dma_wait3A, %dma_wait3A_77] : memref<3x64xi32, #tpu.memory_space<vmem>> -> memref<1x64xi32, #tpu.memory_space<vmem>>
      %dma_wait3A_79 = tpu.memref_squeeze %dma_wait3A_78 : memref<1x64xi32, #tpu.memory_space<vmem>> -> memref<64xi32, #tpu.memory_space<vmem>>
      %dma_wait3A_80 = arith.constant 0 : i32
      %dma_wait3A_81 = arith.constant 0 : i32
      %dma_wait3A_82 = tpu.memref_slice %arg2[%dma_wait3A_80, %dma_wait3A_81] : memref<20480x128xf32, #tpu.memory_space<hbm>> -> memref<20480x128xf32, #tpu.memory_space<hbm>>
      tpu.wait_indirect_dma semaphore(%arg11 : memref<!tpu.dma_semaphore, #tpu.memory_space<semaphore_mem>>) src(%dma_wait3A_82 : memref<20480x128xf32, #tpu.memory_space<hbm>>) dst(%arg7 : memref<64x128xf32, #tpu.memory_space<vmem>>)
      %dma_wait3A_83 = arith.constant 0 : i32
      %dma_wait3A_84 = arith.constant 0 : i32
      %dma_wait3A_85 = tpu.memref_slice %arg6[%dma_wait3A_83, %dma_wait3A_84] : memref<3x64xi32, #tpu.memory_space<vmem>> -> memref<1x64xi32, #tpu.memory_space<vmem>>
      %dma_wait3A_86 = tpu.memref_squeeze %dma_wait3A_85 : memref<1x64xi32, #tpu.memory_space<vmem>> -> memref<64xi32, #tpu.memory_space<vmem>>
      %dma_wait3A_87 = arith.constant 0 : i32
      %dma_wait3A_88 = arith.constant 0 : i32
      %dma_wait3A_89 = tpu.memref_slice %arg3[%dma_wait3A_87, %dma_wait3A_88] : memref<20480x128xf32, #tpu.memory_space<hbm>> -> memref<20480x128xf32, #tpu.memory_space<hbm>>
      tpu.wait_indirect_dma semaphore(%arg11 : memref<!tpu.dma_semaphore, #tpu.memory_space<semaphore_mem>>) src(%dma_wait3A_89 : memref<20480x128xf32, #tpu.memory_space<hbm>>) dst(%arg8 : memref<64x128xf32, #tpu.memory_space<vmem>>)
      %dma_wait3A_90 = arith.constant 1 : i32
      %dma_wait3A_91 = arith.constant 0 : i32
      %dma_wait3A_92 = tpu.memref_slice %arg6[%dma_wait3A_90, %dma_wait3A_91] : memref<3x64xi32, #tpu.memory_space<vmem>> -> memref<1x64xi32, #tpu.memory_space<vmem>>
      %dma_wait3A_93 = tpu.memref_squeeze %dma_wait3A_92 : memref<1x64xi32, #tpu.memory_space<vmem>> -> memref<64xi32, #tpu.memory_space<vmem>>
      %dma_wait3A_94 = arith.constant 0 : i32
      %dma_wait3A_95 = arith.constant 0 : i32
      %dma_wait3A_96 = tpu.memref_slice %arg3[%dma_wait3A_94, %dma_wait3A_95] : memref<20480x128xf32, #tpu.memory_space<hbm>> -> memref<20480x128xf32, #tpu.memory_space<hbm>>
      tpu.wait_indirect_dma semaphore(%arg11 : memref<!tpu.dma_semaphore, #tpu.memory_space<semaphore_mem>>) src(%dma_wait3A_96 : memref<20480x128xf32, #tpu.memory_space<hbm>>) dst(%arg9 : memref<64x128xf32, #tpu.memory_space<vmem>>)
      %scan3A_97 = arith.constant 0 : i32
      %scan3A_98 = arith.constant 0 : i32
      %scan3A_99 = arith.constant 64 : i32
      %scan3A_100 = arith.addi %scan3A_98, %scan3A_99 : i32
      %scan3A_101 = arith.constant 1 : i32
      scf.for %scan3A_103 = %scan3A_98 to %scan3A_100 step %scan3A_101  : i32 {
        %get3A = arith.index_cast %scan3A_103 : i32 to index
        %get3A_104 = arith.constant 64 : index
        %get3A_105 = tpu.vector_load %arg9[%get3A, %get3A_104] {strides = array<i32>} : memref<64x128xf32, #tpu.memory_space<vmem>>, vector<1x16xf32>,
        %get3A_106 = vector.shape_cast %get3A_105 : vector<1x16xf32> to vector<16xf32>
        %get3A_107 = arith.index_cast %scan3A_103 : i32 to index
        %get3A_108 = arith.constant 0 : index
        %get3A_109 = tpu.vector_load %arg8[%get3A_107, %get3A_108] {strides = array<i32>} : memref<64x128xf32, #tpu.memory_space<vmem>>, vector<1x16xf32>,
        %get3A_110 = vector.shape_cast %get3A_109 : vector<1x16xf32> to vector<16xf32>
        %add3A_111 = arith.addf %get3A_106, %get3A_110 : vector<16xf32>
        %neg3A = arith.constant 0.000000e+00 : f32
        %neg3A_112 = vector.broadcast %neg3A : f32 to vector<16xf32>
        %neg3A_113 = arith.subf %neg3A_112, %add3A_111 : vector<16xf32>
        %exp3A = math.exp %neg3A_113 : vector<16xf32>
        %add3A_114 = arith.constant 1.000000e+00 : f32
        %add3A_115 = vector.broadcast %add3A_114 : f32 to vector<16xf32>
        %add3A_116 = arith.addf %add3A_115, %exp3A : vector<16xf32>
        %div3A = arith.constant 1.000000e+00 : f32
        %div3A_117 = vector.broadcast %div3A : f32 to vector<16xf32>
        %div3A_118 = arith.divf %div3A_117, %add3A_116 : vector<16xf32>
        %get3A_119 = arith.index_cast %scan3A_103 : i32 to index
        %get3A_120 = arith.constant 64 : index
        %get3A_121 = tpu.vector_load %arg7[%get3A_119, %get3A_120] {strides = array<i32>} : memref<64x128xf32, #tpu.memory_space<vmem>>, vector<1x16xf32>,
        %get3A_122 = vector.shape_cast %get3A_121 : vector<1x16xf32> to vector<16xf32>
        %mul3A_123 = arith.mulf %div3A_118, %get3A_122 : vector<16xf32>
        %swap3A = arith.index_cast %scan3A_103 : i32 to index
        %swap3A_124 = arith.constant 64 : index
        %swap3A_125 = tpu.vector_load %arg7[%swap3A, %swap3A_124] {strides = array<i32>} : memref<64x128xf32, #tpu.memory_space<vmem>>, vector<1x16xf32>,
        %swap3A_126 = vector.shape_cast %swap3A_125 : vector<1x16xf32> to vector<16xf32>
        %swap3A_127 = vector.shape_cast %mul3A_123 : vector<16xf32> to vector<1x16xf32>
        tpu.vector_store %arg7[%swap3A, %swap3A_124], %swap3A_127 {strides = array<i32>} : memref<64x128xf32, #tpu.memory_space<vmem>>, vector<1x16xf32>,
        %get3A_128 = arith.index_cast %scan3A_103 : i32 to index
        %get3A_129 = arith.constant 80 : index
        %get3A_130 = tpu.vector_load %arg9[%get3A_128, %get3A_129] {strides = array<i32>} : memref<64x128xf32, #tpu.memory_space<vmem>>, vector<1x16xf32>,
        %get3A_131 = vector.shape_cast %get3A_130 : vector<1x16xf32> to vector<16xf32>
        %get3A_132 = arith.index_cast %scan3A_103 : i32 to index
        %get3A_133 = arith.constant 16 : index
        %get3A_134 = tpu.vector_load %arg8[%get3A_132, %get3A_133] {strides = array<i32>} : memref<64x128xf32, #tpu.memory_space<vmem>>, vector<1x16xf32>,
        %get3A_135 = vector.shape_cast %get3A_134 : vector<1x16xf32> to vector<16xf32>
        %add3A_136 = arith.addf %get3A_131, %get3A_135 : vector<16xf32>
        %neg3A_137 = arith.constant 0.000000e+00 : f32
        %neg3A_138 = vector.broadcast %neg3A_137 : f32 to vector<16xf32>
        %neg3A_139 = arith.subf %neg3A_138, %add3A_136 : vector<16xf32>
        %exp3A_140 = math.exp %neg3A_139 : vector<16xf32>
        %add3A_141 = arith.constant 1.000000e+00 : f32
        %add3A_142 = vector.broadcast %add3A_141 : f32 to vector<16xf32>
        %add3A_143 = arith.addf %add3A_142, %exp3A_140 : vector<16xf32>
        %div3A_144 = arith.constant 1.000000e+00 : f32
        %div3A_145 = vector.broadcast %div3A_144 : f32 to vector<16xf32>
        %div3A_146 = arith.divf %div3A_145, %add3A_143 : vector<16xf32>
        %get3A_147 = arith.index_cast %scan3A_103 : i32 to index
        %get3A_148 = arith.constant 80 : index
        %get3A_149 = tpu.vector_load %arg7[%get3A_147, %get3A_148] {strides = array<i32>} : memref<64x128xf32, #tpu.memory_space<vmem>>, vector<1x16xf32>,
        %get3A_150 = vector.shape_cast %get3A_149 : vector<1x16xf32> to vector<16xf32>
        %mul3A_151 = arith.mulf %div3A_146, %get3A_150 : vector<16xf32>
        %swap3A_152 = arith.index_cast %scan3A_103 : i32 to index
        %swap3A_153 = arith.constant 80 : index
        %swap3A_154 = tpu.vector_load %arg7[%swap3A_152, %swap3A_153] {strides = array<i32>} : memref<64x128xf32, #tpu.memory_space<vmem>>, vector<1x16xf32>,
        %swap3A_155 = vector.shape_cast %swap3A_154 : vector<1x16xf32> to vector<16xf32>
        %swap3A_156 = vector.shape_cast %mul3A_151 : vector<16xf32> to vector<1x16xf32>
        tpu.vector_store %arg7[%swap3A_152, %swap3A_153], %swap3A_156 {strides = array<i32>} : memref<64x128xf32, #tpu.memory_space<vmem>>, vector<1x16xf32>,
        %get3A_157 = arith.index_cast %scan3A_103 : i32 to index
        %get3A_158 = arith.constant 96 : index
        %get3A_159 = tpu.vector_load %arg9[%get3A_157, %get3A_158] {strides = array<i32>} : memref<64x128xf32, #tpu.memory_space<vmem>>, vector<1x16xf32>,
        %get3A_160 = vector.shape_cast %get3A_159 : vector<1x16xf32> to vector<16xf32>
        %get3A_161 = arith.index_cast %scan3A_103 : i32 to index
        %get3A_162 = arith.constant 32 : index
        %get3A_163 = tpu.vector_load %arg8[%get3A_161, %get3A_162] {strides = array<i32>} : memref<64x128xf32, #tpu.memory_space<vmem>>, vector<1x16xf32>,
        %get3A_164 = vector.shape_cast %get3A_163 : vector<1x16xf32> to vector<16xf32>
        %add3A_165 = arith.addf %get3A_160, %get3A_164 : vector<16xf32>
        %neg3A_166 = arith.constant 0.000000e+00 : f32
        %neg3A_167 = vector.broadcast %neg3A_166 : f32 to vector<16xf32>
        %neg3A_168 = arith.subf %neg3A_167, %add3A_165 : vector<16xf32>
        %exp3A_169 = math.exp %neg3A_168 : vector<16xf32>
        %add3A_170 = arith.constant 1.000000e+00 : f32
        %add3A_171 = vector.broadcast %add3A_170 : f32 to vector<16xf32>
        %add3A_172 = arith.addf %add3A_171, %exp3A_169 : vector<16xf32>
        %div3A_173 = arith.constant 1.000000e+00 : f32
        %div3A_174 = vector.broadcast %div3A_173 : f32 to vector<16xf32>
        %div3A_175 = arith.divf %div3A_174, %add3A_172 : vector<16xf32>
        %get3A_176 = arith.index_cast %scan3A_103 : i32 to index
        %get3A_177 = arith.constant 96 : index
        %get3A_178 = tpu.vector_load %arg7[%get3A_176, %get3A_177] {strides = array<i32>} : memref<64x128xf32, #tpu.memory_space<vmem>>, vector<1x16xf32>,
        %get3A_179 = vector.shape_cast %get3A_178 : vector<1x16xf32> to vector<16xf32>
        %mul3A_180 = arith.mulf %div3A_175, %get3A_179 : vector<16xf32>
        %swap3A_181 = arith.index_cast %scan3A_103 : i32 to index
        %swap3A_182 = arith.constant 96 : index
        %swap3A_183 = tpu.vector_load %arg7[%swap3A_181, %swap3A_182] {strides = array<i32>} : memref<64x128xf32, #tpu.memory_space<vmem>>, vector<1x16xf32>,
        %swap3A_184 = vector.shape_cast %swap3A_183 : vector<1x16xf32> to vector<16xf32>
        %swap3A_185 = vector.shape_cast %mul3A_180 : vector<16xf32> to vector<1x16xf32>
        tpu.vector_store %arg7[%swap3A_181, %swap3A_182], %swap3A_185 {strides = array<i32>} : memref<64x128xf32, #tpu.memory_space<vmem>>, vector<1x16xf32>,
        %get3A_186 = arith.index_cast %scan3A_103 : i32 to index
        %get3A_187 = arith.constant 112 : index
        %get3A_188 = tpu.vector_load %arg9[%get3A_186, %get3A_187] {strides = array<i32>} : memref<64x128xf32, #tpu.memory_space<vmem>>, vector<1x16xf32>,
        %get3A_189 = vector.shape_cast %get3A_188 : vector<1x16xf32> to vector<16xf32>
        %get3A_190 = arith.index_cast %scan3A_103 : i32 to index
        %get3A_191 = arith.constant 48 : index
        %get3A_192 = tpu.vector_load %arg8[%get3A_190, %get3A_191] {strides = array<i32>} : memref<64x128xf32, #tpu.memory_space<vmem>>, vector<1x16xf32>,
        %get3A_193 = vector.shape_cast %get3A_192 : vector<1x16xf32> to vector<16xf32>
        %add3A_194 = arith.addf %get3A_189, %get3A_193 : vector<16xf32>
        %neg3A_195 = arith.constant 0.000000e+00 : f32
        %neg3A_196 = vector.broadcast %neg3A_195 : f32 to vector<16xf32>
        %neg3A_197 = arith.subf %neg3A_196, %add3A_194 : vector<16xf32>
        %exp3A_198 = math.exp %neg3A_197 : vector<16xf32>
        %add3A_199 = arith.constant 1.000000e+00 : f32
        %add3A_200 = vector.broadcast %add3A_199 : f32 to vector<16xf32>
        %add3A_201 = arith.addf %add3A_200, %exp3A_198 : vector<16xf32>
        %div3A_202 = arith.constant 1.000000e+00 : f32
        %div3A_203 = vector.broadcast %div3A_202 : f32 to vector<16xf32>
        %div3A_204 = arith.divf %div3A_203, %add3A_201 : vector<16xf32>
        %get3A_205 = arith.index_cast %scan3A_103 : i32 to index
        %get3A_206 = arith.constant 112 : index
        %get3A_207 = tpu.vector_load %arg7[%get3A_205, %get3A_206] {strides = array<i32>} : memref<64x128xf32, #tpu.memory_space<vmem>>, vector<1x16xf32>,
        %get3A_208 = vector.shape_cast %get3A_207 : vector<1x16xf32> to vector<16xf32>
        %mul3A_209 = arith.mulf %div3A_204, %get3A_208 : vector<16xf32>
        %swap3A_210 = arith.index_cast %scan3A_103 : i32 to index
        %swap3A_211 = arith.constant 112 : index
        %swap3A_212 = tpu.vector_load %arg7[%swap3A_210, %swap3A_211] {strides = array<i32>} : memref<64x128xf32, #tpu.memory_space<vmem>>, vector<1x16xf32>,
        %swap3A_213 = vector.shape_cast %swap3A_212 : vector<1x16xf32> to vector<16xf32>
        %swap3A_214 = vector.shape_cast %mul3A_209 : vector<16xf32> to vector<1x16xf32>
        tpu.vector_store %arg7[%swap3A_210, %swap3A_211], %swap3A_214 {strides = array<i32>} : memref<64x128xf32, #tpu.memory_space<vmem>>, vector<1x16xf32>,
      }
      %scan3A_102 = arith.constant 64 : i32
      %run_scoped3A = arith.constant 2 : i32
      "tpu.region"() ({
        %run_scoped3A_103 = tpu.sem_alloc : memref<!tpu.dma_semaphore, #tpu.memory_space<semaphore_mem>>
        %dma_start3A_104 = arith.constant 0 : i32
        %dma_start3A_105 = tpu.memref_slice %arg6[%run_scoped3A, %dma_start3A_104] : memref<3x64xi32, #tpu.memory_space<vmem>> -> memref<1x64xi32, #tpu.memory_space<vmem>>
        %dma_start3A_106 = tpu.memref_squeeze %dma_start3A_105 : memref<1x64xi32, #tpu.memory_space<vmem>> -> memref<64xi32, #tpu.memory_space<vmem>>
        %dma_start3A_107 = arith.constant 0 : i32
        %dma_start3A_108 = arith.constant 0 : i32
        %dma_start3A_109 = tpu.memref_slice %arg10[%dma_start3A_107, %dma_start3A_108] : memref<10240x128xf32, #tpu.memory_space<vmem_shared>> -> memref<10240x128xf32, #tpu.memory_space<vmem_shared>>
        tpu.enqueue_indirect_dma source(%arg7 : memref<64x128xf32, #tpu.memory_space<vmem>>) target(%dma_start3A_109 : memref<10240x128xf32, #tpu.memory_space<vmem_shared>>) offsets(%dma_start3A_106 : memref<64xi32, #tpu.memory_space<vmem>>) semaphore(%run_scoped3A_103 : memref<!tpu.dma_semaphore, #tpu.memory_space<semaphore_mem>>) {add = true}
        %dma_wait3A_110 = arith.constant 0 : i32
        %dma_wait3A_111 = tpu.memref_slice %arg6[%run_scoped3A, %dma_wait3A_110] : memref<3x64xi32, #tpu.memory_space<vmem>> -> memref<1x64xi32, #tpu.memory_space<vmem>>
        %dma_wait3A_112 = tpu.memref_squeeze %dma_wait3A_111 : memref<1x64xi32, #tpu.memory_space<vmem>> -> memref<64xi32, #tpu.memory_space<vmem>>
        %dma_wait3A_113 = arith.constant 0 : i32
        %dma_wait3A_114 = arith.constant 0 : i32
        %dma_wait3A_115 = tpu.memref_slice %arg10[%dma_wait3A_113, %dma_wait3A_114] : memref<10240x128xf32, #tpu.memory_space<vmem_shared>> -> memref<10240x128xf32, #tpu.memory_space<vmem_shared>>
        tpu.wait_indirect_dma semaphore(%run_scoped3A_103 : memref<!tpu.dma_semaphore, #tpu.memory_space<semaphore_mem>>) src(%arg7 : memref<64x128xf32, #tpu.memory_space<vmem>>) dst(%dma_wait3A_115 : memref<10240x128xf32, #tpu.memory_space<vmem_shared>>)
        tpu.yield
      }) : () -> ()
    }
    %scan3A_49 = arith.constant 314 : i32
    %barrier3A_50 = arith.constant 0 : index
    tpu.barrier barrier_id(%barrier3A_50)
    %mul3A_51 = arith.constant 640 : i32
    %mul3A_52 = arith.muli %arg1, %mul3A_51 : i32
    "tpu.region"() ({
      %run_scoped3A = tpu.sem_alloc : memref<!tpu.dma_semaphore, #tpu.memory_space<semaphore_mem>>
      %dma_start3A = arith.constant 0 : i32
      %dma_start3A_53 = tpu.memref_slice %arg5[%arg0, %mul3A_52, %dma_start3A] : memref<2x10240x128xf32, #tpu.memory_space<hbm>> -> memref<1x640x128xf32, #tpu.memory_space<hbm>>
      %dma_start3A_54 = tpu.memref_squeeze %dma_start3A_53 : memref<1x640x128xf32, #tpu.memory_space<hbm>> -> memref<640x128xf32, #tpu.memory_space<hbm>>
      %dma_start3A_55 = arith.constant 0 : i32
      %dma_start3A_56 = tpu.memref_slice %arg10[%mul3A_52, %dma_start3A_55] : memref<10240x128xf32, #tpu.memory_space<vmem_shared>> -> memref<640x128xf32, #tpu.memory_space<vmem_shared>>
      tpu.enqueue_dma source(%dma_start3A_56 : memref<640x128xf32, #tpu.memory_space<vmem_shared>>) target(%dma_start3A_54 : memref<640x128xf32, #tpu.memory_space<hbm>>) target_semaphore(%run_scoped3A : memref<!tpu.dma_semaphore, #tpu.memory_space<semaphore_mem>>)
      %dma_wait3A = arith.constant 0 : i32
      %dma_wait3A_57 = tpu.memref_slice %arg5[%arg0, %mul3A_52, %dma_wait3A] : memref<2x10240x128xf32, #tpu.memory_space<hbm>> -> memref<1x640x128xf32, #tpu.memory_space<hbm>>
      %dma_wait3A_58 = tpu.memref_squeeze %dma_wait3A_57 : memref<1x640x128xf32, #tpu.memory_space<hbm>> -> memref<640x128xf32, #tpu.memory_space<hbm>>
      %dma_wait3A_59 = arith.constant 0 : i32
      %dma_wait3A_60 = tpu.memref_slice %arg10[%mul3A_52, %dma_wait3A_59] : memref<10240x128xf32, #tpu.memory_space<vmem_shared>> -> memref<640x128xf32, #tpu.memory_space<vmem_shared>>
      tpu.wait_dma2 semaphore(%run_scoped3A : memref<!tpu.dma_semaphore, #tpu.memory_space<semaphore_mem>>) src(%dma_wait3A_60 : memref<640x128xf32, #tpu.memory_space<vmem_shared>>) dst(%dma_wait3A_58 : memref<640x128xf32, #tpu.memory_space<hbm>>)
      tpu.yield
    }) : () -> ()
    return
  }
}

module attributes {stable_mosaic.version = 14 : i64} {
  func.func @_k1_body(%arg0: i32, %arg1: memref<1024x128xf32, #tpu.memory_space<vmem>>, %arg2: memref<128x384xf32, #tpu.memory_space<vmem>>, %arg3: memref<128x128xf32, #tpu.memory_space<vmem>>, %arg4: memref<128x128xf32, #tpu.memory_space<vmem>>, %arg5: memref<1x384xf32, #tpu.memory_space<vmem>>, %arg6: memref<1x128xf32, #tpu.memory_space<vmem>>, %arg7: memref<1024x384xf32, #tpu.memory_space<vmem>>, %arg8: memref<2x1024x128xf32, #tpu.memory_space<vmem>>, %arg9: memref<2x1024x128xf32, #tpu.memory_space<vmem>>) attributes {dimension_semantics = [#tpu.dimension_semantics<arbitrary>], iteration_bounds = array<i64: 10>, scalar_prefetch = 0 : i64, scratch_operands = 0 : i64, tpu.core_type = #tpu.core_type<tc>, window_params = [{transform_indices = @transform_0, window_bounds = array<i64: 1024, 128>}, {pipeline_mode = #tpu.pipeline_mode<synchronous>, transform_indices = @transform_1, window_bounds = array<i64: 128, 384>}, {pipeline_mode = #tpu.pipeline_mode<synchronous>, transform_indices = @transform_2, window_bounds = array<i64: 128, 128>}, {pipeline_mode = #tpu.pipeline_mode<synchronous>, transform_indices = @transform_3, window_bounds = array<i64: 128, 128>}, {pipeline_mode = #tpu.pipeline_mode<synchronous>, transform_indices = @transform_4, window_bounds = array<i64: 1, 384>}, {pipeline_mode = #tpu.pipeline_mode<synchronous>, transform_indices = @transform_5, window_bounds = array<i64: 1, 128>}, {transform_indices = @transform_6, window_bounds = array<i64: 1024, 384>}, {transform_indices = @transform_7, window_bounds = array<i64: 2, 1024, 128>}, {transform_indices = @transform_8, window_bounds = array<i64: 2, 1024, 128>}]} {
    %get3A = arith.constant 0 : index
    %get3A_0 = arith.constant 0 : index
    %get3A_1 = vector.load %arg1[%get3A, %get3A_0] : memref<1024x128xf32, #tpu.memory_space<vmem>>, vector<1024x128xf32>
    %get3A_2 = arith.constant 0 : index
    %get3A_3 = arith.constant 0 : index
    %get3A_4 = vector.load %arg2[%get3A_2, %get3A_3] : memref<128x384xf32, #tpu.memory_space<vmem>>, vector<128x384xf32>
    %dot_general3A = arith.constant dense<0.000000e+00> : vector<1024x384xf32>
    %dot_general3A_5 = tpu.matmul %get3A_1, %get3A_4, %dot_general3A {dimension_numbers = #tpu.dot_dimension_numbers<[1], [0], [0], [1], [0, 0, 1, 1], [], []>, transpose_lhs_hint = false} : vector<1024x128xf32>, vector<128x384xf32>, vector<1024x384xf32> -> vector<1024x384xf32>
    %get3A_6 = arith.constant 0 : index
    %get3A_7 = arith.constant 0 : index
    %get3A_8 = vector.load %arg5[%get3A_6, %get3A_7] : memref<1x384xf32, #tpu.memory_space<vmem>>, vector<1x384xf32>
    %add3A = vector.broadcast %get3A_8 : vector<1x384xf32> to vector<1024x384xf32>
    %add3A_9 = arith.addf %dot_general3A_5, %add3A : vector<1024x384xf32>
    %get3A_10 = arith.constant 0 : index
    %get3A_11 = arith.constant 0 : index
    %get3A_12 = vector.load %arg3[%get3A_10, %get3A_11] : memref<128x128xf32, #tpu.memory_space<vmem>>, vector<128x128xf32>
    %dot_general3A_13 = arith.constant dense<0.000000e+00> : vector<1024x128xf32>
    %dot_general3A_14 = tpu.matmul %get3A_1, %get3A_12, %dot_general3A_13 {dimension_numbers = #tpu.dot_dimension_numbers<[1], [0], [0], [1], [0, 0, 1, 1], [], []>, transpose_lhs_hint = false} : vector<1024x128xf32>, vector<128x128xf32>, vector<1024x128xf32> -> vector<1024x128xf32>
    %get3A_15 = arith.constant 0 : index
    %get3A_16 = arith.constant 0 : index
    %get3A_17 = vector.load %arg6[%get3A_15, %get3A_16] : memref<1x128xf32, #tpu.memory_space<vmem>>, vector<1x128xf32>
    %add3A_18 = vector.broadcast %get3A_17 : vector<1x128xf32> to vector<1024x128xf32>
    %add3A_19 = arith.addf %dot_general3A_14, %add3A_18 : vector<1024x128xf32>
    %slice3A = vector.extract_strided_slice %add3A_9 {offsets = [0, 0], sizes = [1024, 128], strides = [1, 1]} : vector<1024x384xf32> to vector<1024x128xf32>
    %slice3A_20 = vector.extract_strided_slice %add3A_9 {offsets = [0, 128], sizes = [1024, 128], strides = [1, 1]} : vector<1024x384xf32> to vector<1024x128xf32>
    %slice3A_21 = vector.extract_strided_slice %add3A_9 {offsets = [0, 256], sizes = [1024, 128], strides = [1, 1]} : vector<1024x384xf32> to vector<1024x128xf32>
    %logistic3A = arith.negf %slice3A : vector<1024x128xf32>
    %logistic3A_22 = math.exp %logistic3A : vector<1024x128xf32>
    %logistic3A_23 = arith.constant 1.000000e+00 : f32
    %logistic3A_24 = vector.broadcast %logistic3A_23 : f32 to vector<1024x128xf32>
    %logistic3A_25 = arith.addf %logistic3A_24, %logistic3A_22 : vector<1024x128xf32>
    %logistic3A_26 = arith.divf %logistic3A_24, %logistic3A_25 : vector<1024x128xf32>
    %tanh3A = math.tanh %slice3A_21 : vector<1024x128xf32>
    %mul3A = arith.mulf %logistic3A_26, %tanh3A : vector<1024x128xf32>
    %logistic3A_27 = arith.negf %slice3A_20 : vector<1024x128xf32>
    %logistic3A_28 = math.exp %logistic3A_27 : vector<1024x128xf32>
    %logistic3A_29 = arith.constant 1.000000e+00 : f32
    %logistic3A_30 = vector.broadcast %logistic3A_29 : f32 to vector<1024x128xf32>
    %logistic3A_31 = arith.addf %logistic3A_30, %logistic3A_28 : vector<1024x128xf32>
    %logistic3A_32 = arith.divf %logistic3A_30, %logistic3A_31 : vector<1024x128xf32>
    %tanh3A_33 = math.tanh %mul3A : vector<1024x128xf32>
    %mul3A_34 = arith.mulf %logistic3A_32, %tanh3A_33 : vector<1024x128xf32>
    %get3A_35 = arith.constant 0 : index
    %get3A_36 = arith.constant 0 : index
    %get3A_37 = vector.load %arg4[%get3A_35, %get3A_36] : memref<128x128xf32, #tpu.memory_space<vmem>>, vector<128x128xf32>
    %dot_general3A_38 = arith.constant dense<0.000000e+00> : vector<1024x128xf32>
    %dot_general3A_39 = tpu.matmul %mul3A_34, %get3A_37, %dot_general3A_38 {dimension_numbers = #tpu.dot_dimension_numbers<[1], [0], [0], [1], [0, 0, 1, 1], [], []>, transpose_lhs_hint = false} : vector<1024x128xf32>, vector<128x128xf32>, vector<1024x128xf32> -> vector<1024x128xf32>
    %mul3A_40 = arith.constant 1024 : i32
    %mul3A_41 = arith.muli %arg0, %mul3A_40 : i32
    %iota3A = tpu.iota {dimensions = array<i32: 0>} : vector<1024x1xi32>
    %add3A_42 = vector.broadcast %mul3A_41 : i32 to vector<1024x1xi32>
    %add3A_43 = arith.addi %add3A_42, %iota3A : vector<1024x1xi32>
    %lt3A = arith.constant 10000 : i32
    %lt3A_44 = vector.broadcast %lt3A : i32 to vector<1024x1xi32>
    %lt3A_45 = arith.cmpi slt, %add3A_43, %lt3A_44 : vector<1024x1xi32>
    %jit3A = arith.constant 0.000000e+00 : f32
    %broadcast_in_dim3A = vector.shape_cast %lt3A_45 : vector<1024x1xi1> to vector<1024x1xi1>
    %broadcast_in_dim3A_46 = vector.broadcast %broadcast_in_dim3A : vector<1024x1xi1> to vector<1024x128xi1>
    %broadcast_in_dim3A_47 = vector.broadcast %jit3A : f32 to vector<1024x128xf32>
    %select_n3A = arith.select %broadcast_in_dim3A_46, %mul3A_34, %broadcast_in_dim3A_47 : vector<1024x128xi1>, vector<1024x128xf32>
    %jit3A_48 = arith.constant 0.000000e+00 : f32
    %broadcast_in_dim3A_49 = vector.shape_cast %lt3A_45 : vector<1024x1xi1> to vector<1024x1xi1>
    %broadcast_in_dim3A_50 = vector.broadcast %broadcast_in_dim3A_49 : vector<1024x1xi1> to vector<1024x128xi1>
    %broadcast_in_dim3A_51 = vector.broadcast %jit3A_48 : f32 to vector<1024x128xf32>
    %select_n3A_52 = arith.select %broadcast_in_dim3A_50, %mul3A, %broadcast_in_dim3A_51 : vector<1024x128xi1>, vector<1024x128xf32>
    %jit3A_53 = arith.constant 0.000000e+00 : f32
    %broadcast_in_dim3A_54 = vector.shape_cast %lt3A_45 : vector<1024x1xi1> to vector<1024x1xi1>
    %broadcast_in_dim3A_55 = vector.broadcast %broadcast_in_dim3A_54 : vector<1024x1xi1> to vector<1024x128xi1>
    %broadcast_in_dim3A_56 = vector.broadcast %jit3A_53 : f32 to vector<1024x128xf32>
    %select_n3A_57 = arith.select %broadcast_in_dim3A_55, %dot_general3A_39, %broadcast_in_dim3A_56 : vector<1024x128xi1>, vector<1024x128xf32>
    %swap3A = arith.constant 0 : index
    %swap3A_58 = arith.constant 0 : index
    %swap3A_59 = vector.load %arg7[%swap3A, %swap3A_58] : memref<1024x384xf32, #tpu.memory_space<vmem>>, vector<1024x384xf32>
    tpu.vector_store %arg7[%swap3A, %swap3A_58], %add3A_9 {strides = array<i32>} : memref<1024x384xf32, #tpu.memory_space<vmem>>, vector<1024x384xf32>,
    %slice3A_60 = vector.extract_strided_slice %select_n3A {offsets = [0, 0], sizes = [1024, 64], strides = [1, 1]} : vector<1024x128xf32> to vector<1024x64xf32>
    %slice3A_61 = vector.extract_strided_slice %select_n3A_52 {offsets = [0, 0], sizes = [1024, 64], strides = [1, 1]} : vector<1024x128xf32> to vector<1024x64xf32>
    %concatenate3A = tpu.concatenate %slice3A_60, %slice3A_61 in 1 : vector<1024x64xf32>, vector<1024x64xf32> -> vector<1024x128xf32>
    %swap3A_62 = arith.constant 0 : index
    %swap3A_63 = arith.constant 0 : index
    %swap3A_64 = arith.constant 0 : index
    %swap3A_65 = vector.load %arg8[%swap3A_62, %swap3A_63, %swap3A_64] : memref<2x1024x128xf32, #tpu.memory_space<vmem>>, vector<1x1024x128xf32>
    %swap3A_66 = vector.shape_cast %swap3A_65 : vector<1x1024x128xf32> to vector<1024x128xf32>
    %swap3A_67 = vector.shape_cast %concatenate3A : vector<1024x128xf32> to vector<1x1024x128xf32>
    tpu.vector_store %arg8[%swap3A_62, %swap3A_63, %swap3A_64], %swap3A_67 {strides = array<i32>} : memref<2x1024x128xf32, #tpu.memory_space<vmem>>, vector<1x1024x128xf32>,
    %slice3A_68 = vector.extract_strided_slice %select_n3A {offsets = [0, 64], sizes = [1024, 64], strides = [1, 1]} : vector<1024x128xf32> to vector<1024x64xf32>
    %slice3A_69 = vector.extract_strided_slice %select_n3A_52 {offsets = [0, 64], sizes = [1024, 64], strides = [1, 1]} : vector<1024x128xf32> to vector<1024x64xf32>
    %concatenate3A_70 = tpu.concatenate %slice3A_68, %slice3A_69 in 1 : vector<1024x64xf32>, vector<1024x64xf32> -> vector<1024x128xf32>
    %swap3A_71 = arith.constant 1 : index
    %swap3A_72 = arith.constant 0 : index
    %swap3A_73 = arith.constant 0 : index
    %swap3A_74 = vector.load %arg8[%swap3A_71, %swap3A_72, %swap3A_73] : memref<2x1024x128xf32, #tpu.memory_space<vmem>>, vector<1x1024x128xf32>
    %swap3A_75 = vector.shape_cast %swap3A_74 : vector<1x1024x128xf32> to vector<1024x128xf32>
    %swap3A_76 = vector.shape_cast %concatenate3A_70 : vector<1024x128xf32> to vector<1x1024x128xf32>
    tpu.vector_store %arg8[%swap3A_71, %swap3A_72, %swap3A_73], %swap3A_76 {strides = array<i32>} : memref<2x1024x128xf32, #tpu.memory_space<vmem>>, vector<1x1024x128xf32>,
    %slice3A_77 = vector.extract_strided_slice %select_n3A_57 {offsets = [0, 0], sizes = [1024, 64], strides = [1, 1]} : vector<1024x128xf32> to vector<1024x64xf32>
    %slice3A_78 = vector.extract_strided_slice %add3A_19 {offsets = [0, 0], sizes = [1024, 64], strides = [1, 1]} : vector<1024x128xf32> to vector<1024x64xf32>
    %concatenate3A_79 = tpu.concatenate %slice3A_77, %slice3A_78 in 1 : vector<1024x64xf32>, vector<1024x64xf32> -> vector<1024x128xf32>
    %swap3A_80 = arith.constant 0 : index
    %swap3A_81 = arith.constant 0 : index
    %swap3A_82 = arith.constant 0 : index
    %swap3A_83 = vector.load %arg9[%swap3A_80, %swap3A_81, %swap3A_82] : memref<2x1024x128xf32, #tpu.memory_space<vmem>>, vector<1x1024x128xf32>
    %swap3A_84 = vector.shape_cast %swap3A_83 : vector<1x1024x128xf32> to vector<1024x128xf32>
    %swap3A_85 = vector.shape_cast %concatenate3A_79 : vector<1024x128xf32> to vector<1x1024x128xf32>
    tpu.vector_store %arg9[%swap3A_80, %swap3A_81, %swap3A_82], %swap3A_85 {strides = array<i32>} : memref<2x1024x128xf32, #tpu.memory_space<vmem>>, vector<1x1024x128xf32>,
    %slice3A_86 = vector.extract_strided_slice %select_n3A_57 {offsets = [0, 64], sizes = [1024, 64], strides = [1, 1]} : vector<1024x128xf32> to vector<1024x64xf32>
    %slice3A_87 = vector.extract_strided_slice %add3A_19 {offsets = [0, 64], sizes = [1024, 64], strides = [1, 1]} : vector<1024x128xf32> to vector<1024x64xf32>
    %concatenate3A_88 = tpu.concatenate %slice3A_86, %slice3A_87 in 1 : vector<1024x64xf32>, vector<1024x64xf32> -> vector<1024x128xf32>
    %swap3A_89 = arith.constant 1 : index
    %swap3A_90 = arith.constant 0 : index
    %swap3A_91 = arith.constant 0 : index
    %swap3A_92 = vector.load %arg9[%swap3A_89, %swap3A_90, %swap3A_91] : memref<2x1024x128xf32, #tpu.memory_space<vmem>>, vector<1x1024x128xf32>
    %swap3A_93 = vector.shape_cast %swap3A_92 : vector<1x1024x128xf32> to vector<1024x128xf32>
    %swap3A_94 = vector.shape_cast %concatenate3A_88 : vector<1024x128xf32> to vector<1x1024x128xf32>
    tpu.vector_store %arg9[%swap3A_89, %swap3A_90, %swap3A_91], %swap3A_94 {strides = array<i32>} : memref<2x1024x128xf32, #tpu.memory_space<vmem>>, vector<1x1024x128xf32>,
    return
  }
  func.func @transform_0(%arg0: i32) -> (i32, i32) {
    %c0_i32 = arith.constant 0 : i32
    %c0_i32_0 = arith.constant 0 : i32
    return %arg0, %c0_i32 : i32, i32
  }
  func.func @transform_1(%arg0: i32) -> (i32, i32) {
    %c0_i32 = arith.constant 0 : i32
    %c0_i32_0 = arith.constant 0 : i32
    %c0_i32_1 = arith.constant 0 : i32
    return %c0_i32, %c0_i32_0 : i32, i32
  }
  func.func @transform_2(%arg0: i32) -> (i32, i32) {
    %c0_i32 = arith.constant 0 : i32
    %c0_i32_0 = arith.constant 0 : i32
    %c0_i32_1 = arith.constant 0 : i32
    return %c0_i32, %c0_i32_0 : i32, i32
  }
  func.func @transform_3(%arg0: i32) -> (i32, i32) {
    %c0_i32 = arith.constant 0 : i32
    %c0_i32_0 = arith.constant 0 : i32
    %c0_i32_1 = arith.constant 0 : i32
    return %c0_i32, %c0_i32_0 : i32, i32
  }
  func.func @transform_4(%arg0: i32) -> (i32, i32) {
    %c0_i32 = arith.constant 0 : i32
    %c0_i32_0 = arith.constant 0 : i32
    %c0_i32_1 = arith.constant 0 : i32
    return %c0_i32, %c0_i32_0 : i32, i32
  }
  func.func @transform_5(%arg0: i32) -> (i32, i32) {
    %c0_i32 = arith.constant 0 : i32
    %c0_i32_0 = arith.constant 0 : i32
    %c0_i32_1 = arith.constant 0 : i32
    return %c0_i32, %c0_i32_0 : i32, i32
  }
  func.func @transform_6(%arg0: i32) -> (i32, i32) {
    %c0_i32 = arith.constant 0 : i32
    %c0_i32_0 = arith.constant 0 : i32
    return %arg0, %c0_i32 : i32, i32
  }
  func.func @transform_7(%arg0: i32) -> (i32, i32, i32) {
    %c0_i32 = arith.constant 0 : i32
    %c0_i32_0 = arith.constant 0 : i32
    %c0_i32_1 = arith.constant 0 : i32
    return %c0_i32, %arg0, %c0_i32_0 : i32, i32, i32
  }
  func.func @transform_8(%arg0: i32) -> (i32, i32, i32) {
    %c0_i32 = arith.constant 0 : i32
    %c0_i32_0 = arith.constant 0 : i32
    %c0_i32_1 = arith.constant 0 : i32
    return %c0_i32, %arg0, %c0_i32_0 : i32, i32, i32
  }
}

module attributes {stable_mosaic.version = 14 : i64} {
  func.func @_k2_body(%arg0: i32, %arg1: memref<1024x384xf32, #tpu.memory_space<vmem>>, %arg2: memref<2x1024x128xf32, #tpu.memory_space<vmem>>, %arg3: memref<128x384xf32, #tpu.memory_space<vmem>>, %arg4: memref<128x32xf32, #tpu.memory_space<vmem>>, %arg5: memref<128x32xf32, #tpu.memory_space<vmem>>, %arg6: memref<1x32xf32, #tpu.memory_space<vmem>>, %arg7: memref<1x32xf32, #tpu.memory_space<vmem>>, %arg8: memref<1024x64xf32, #tpu.memory_space<vmem>>) attributes {dimension_semantics = [#tpu.dimension_semantics<arbitrary>], iteration_bounds = array<i64: 10>, scalar_prefetch = 0 : i64, scratch_operands = 0 : i64, tpu.core_type = #tpu.core_type<tc>, window_params = [{transform_indices = @transform_0, window_bounds = array<i64: 1024, 384>}, {transform_indices = @transform_1, window_bounds = array<i64: 2, 1024, 128>}, {pipeline_mode = #tpu.pipeline_mode<synchronous>, transform_indices = @transform_2, window_bounds = array<i64: 128, 384>}, {pipeline_mode = #tpu.pipeline_mode<synchronous>, transform_indices = @transform_3, window_bounds = array<i64: 128, 32>}, {pipeline_mode = #tpu.pipeline_mode<synchronous>, transform_indices = @transform_4, window_bounds = array<i64: 128, 32>}, {pipeline_mode = #tpu.pipeline_mode<synchronous>, transform_indices = @transform_5, window_bounds = array<i64: 1, 32>}, {pipeline_mode = #tpu.pipeline_mode<synchronous>, transform_indices = @transform_6, window_bounds = array<i64: 1, 32>}, {transform_indices = @transform_7, window_bounds = array<i64: 1024, 64>}]} {
    %get3A = arith.constant 0 : index
    %get3A_0 = arith.constant 0 : index
    %get3A_1 = arith.constant 0 : index
    %get3A_2 = vector.load %arg2[%get3A, %get3A_0, %get3A_1] : memref<2x1024x128xf32, #tpu.memory_space<vmem>>, vector<1x1024x64xf32>
    %get3A_3 = vector.shape_cast %get3A_2 : vector<1x1024x64xf32> to vector<1024x64xf32>
    %get3A_4 = arith.constant 1 : index
    %get3A_5 = arith.constant 0 : index
    %get3A_6 = arith.constant 0 : index
    %get3A_7 = vector.load %arg2[%get3A_4, %get3A_5, %get3A_6] : memref<2x1024x128xf32, #tpu.memory_space<vmem>>, vector<1x1024x64xf32>
    %get3A_8 = vector.shape_cast %get3A_7 : vector<1x1024x64xf32> to vector<1024x64xf32>
    %concatenate3A = tpu.concatenate %get3A_3, %get3A_8 in 1 : vector<1024x64xf32>, vector<1024x64xf32> -> vector<1024x128xf32>
    %get3A_9 = arith.constant 0 : index
    %get3A_10 = arith.constant 0 : index
    %get3A_11 = arith.constant 64 : index
    %get3A_12 = vector.load %arg2[%get3A_9, %get3A_10, %get3A_11] : memref<2x1024x128xf32, #tpu.memory_space<vmem>>, vector<1x1024x64xf32>
    %get3A_13 = vector.shape_cast %get3A_12 : vector<1x1024x64xf32> to vector<1024x64xf32>
    %get3A_14 = arith.constant 1 : index
    %get3A_15 = arith.constant 0 : index
    %get3A_16 = arith.constant 64 : index
    %get3A_17 = vector.load %arg2[%get3A_14, %get3A_15, %get3A_16] : memref<2x1024x128xf32, #tpu.memory_space<vmem>>, vector<1x1024x64xf32>
    %get3A_18 = vector.shape_cast %get3A_17 : vector<1x1024x64xf32> to vector<1024x64xf32>
    %concatenate3A_19 = tpu.concatenate %get3A_13, %get3A_18 in 1 : vector<1024x64xf32>, vector<1024x64xf32> -> vector<1024x128xf32>
    %get3A_20 = arith.constant 0 : index
    %get3A_21 = arith.constant 0 : index
    %get3A_22 = vector.load %arg1[%get3A_20, %get3A_21] : memref<1024x384xf32, #tpu.memory_space<vmem>>, vector<1024x384xf32>
    %get3A_23 = arith.constant 0 : index
    %get3A_24 = arith.constant 0 : index
    %get3A_25 = vector.load %arg3[%get3A_23, %get3A_24] : memref<128x384xf32, #tpu.memory_space<vmem>>, vector<128x384xf32>
    %dot_general3A = arith.constant dense<0.000000e+00> : vector<1024x384xf32>
    %dot_general3A_26 = tpu.matmul %concatenate3A, %get3A_25, %dot_general3A {dimension_numbers = #tpu.dot_dimension_numbers<[1], [0], [0], [1], [0, 0, 1, 1], [], []>, transpose_lhs_hint = false} : vector<1024x128xf32>, vector<128x384xf32>, vector<1024x384xf32> -> vector<1024x384xf32>
    %add3A = arith.addf %get3A_22, %dot_general3A_26 : vector<1024x384xf32>
    %slice3A = vector.extract_strided_slice %add3A {offsets = [0, 0], sizes = [1024, 128], strides = [1, 1]} : vector<1024x384xf32> to vector<1024x128xf32>
    %slice3A_27 = vector.extract_strided_slice %add3A {offsets = [0, 128], sizes = [1024, 128], strides = [1, 1]} : vector<1024x384xf32> to vector<1024x128xf32>
    %slice3A_28 = vector.extract_strided_slice %add3A {offsets = [0, 256], sizes = [1024, 128], strides = [1, 1]} : vector<1024x384xf32> to vector<1024x128xf32>
    %logistic3A = arith.negf %slice3A : vector<1024x128xf32>
    %logistic3A_29 = math.exp %logistic3A : vector<1024x128xf32>
    %logistic3A_30 = arith.constant 1.000000e+00 : f32
    %logistic3A_31 = vector.broadcast %logistic3A_30 : f32 to vector<1024x128xf32>
    %logistic3A_32 = arith.addf %logistic3A_31, %logistic3A_29 : vector<1024x128xf32>
    %logistic3A_33 = arith.divf %logistic3A_31, %logistic3A_32 : vector<1024x128xf32>
    %tanh3A = math.tanh %slice3A_28 : vector<1024x128xf32>
    %mul3A = arith.mulf %logistic3A_33, %tanh3A : vector<1024x128xf32>
    %add3A_34 = arith.addf %mul3A, %concatenate3A_19 : vector<1024x128xf32>
    %logistic3A_35 = arith.negf %slice3A_27 : vector<1024x128xf32>
    %logistic3A_36 = math.exp %logistic3A_35 : vector<1024x128xf32>
    %logistic3A_37 = arith.constant 1.000000e+00 : f32
    %logistic3A_38 = vector.broadcast %logistic3A_37 : f32 to vector<1024x128xf32>
    %logistic3A_39 = arith.addf %logistic3A_38, %logistic3A_36 : vector<1024x128xf32>
    %logistic3A_40 = arith.divf %logistic3A_38, %logistic3A_39 : vector<1024x128xf32>
    %tanh3A_41 = math.tanh %add3A_34 : vector<1024x128xf32>
    %mul3A_42 = arith.mulf %logistic3A_40, %tanh3A_41 : vector<1024x128xf32>
    %get3A_43 = arith.constant 0 : index
    %get3A_44 = arith.constant 0 : index
    %get3A_45 = vector.load %arg4[%get3A_43, %get3A_44] : memref<128x32xf32, #tpu.memory_space<vmem>>, vector<128x32xf32>
    %dot_general3A_46 = arith.constant dense<0.000000e+00> : vector<1024x32xf32>
    %dot_general3A_47 = tpu.matmul %mul3A_42, %get3A_45, %dot_general3A_46 {dimension_numbers = #tpu.dot_dimension_numbers<[1], [0], [0], [1], [0, 0, 1, 1], [], []>, transpose_lhs_hint = false} : vector<1024x128xf32>, vector<128x32xf32>, vector<1024x32xf32> -> vector<1024x32xf32>
    %get3A_48 = arith.constant 0 : index
    %get3A_49 = arith.constant 0 : index
    %get3A_50 = vector.load %arg6[%get3A_48, %get3A_49] : memref<1x32xf32, #tpu.memory_space<vmem>>, vector<1x32xf32>
    %add3A_51 = vector.broadcast %get3A_50 : vector<1x32xf32> to vector<1024x32xf32>
    %add3A_52 = arith.addf %dot_general3A_47, %add3A_51 : vector<1024x32xf32>
    %get3A_53 = arith.constant 0 : index
    %get3A_54 = arith.constant 0 : index
    %get3A_55 = vector.load %arg5[%get3A_53, %get3A_54] : memref<128x32xf32, #tpu.memory_space<vmem>>, vector<128x32xf32>
    %dot_general3A_56 = arith.constant dense<0.000000e+00> : vector<1024x32xf32>
    %dot_general3A_57 = tpu.matmul %mul3A_42, %get3A_55, %dot_general3A_56 {dimension_numbers = #tpu.dot_dimension_numbers<[1], [0], [0], [1], [0, 0, 1, 1], [], []>, transpose_lhs_hint = false} : vector<1024x128xf32>, vector<128x32xf32>, vector<1024x32xf32> -> vector<1024x32xf32>
    %get3A_58 = arith.constant 0 : index
    %get3A_59 = arith.constant 0 : index
    %get3A_60 = vector.load %arg7[%get3A_58, %get3A_59] : memref<1x32xf32, #tpu.memory_space<vmem>>, vector<1x32xf32>
    %add3A_61 = vector.broadcast %get3A_60 : vector<1x32xf32> to vector<1024x32xf32>
    %add3A_62 = arith.addf %dot_general3A_57, %add3A_61 : vector<1024x32xf32>
    %concatenate3A_63 = tpu.concatenate %add3A_52, %add3A_62 in 1 : vector<1024x32xf32>, vector<1024x32xf32> -> vector<1024x64xf32>
    %swap3A = arith.constant 0 : index
    %swap3A_64 = arith.constant 0 : index
    %swap3A_65 = vector.load %arg8[%swap3A, %swap3A_64] : memref<1024x64xf32, #tpu.memory_space<vmem>>, vector<1024x64xf32>
    tpu.vector_store %arg8[%swap3A, %swap3A_64], %concatenate3A_63 {strides = array<i32>} : memref<1024x64xf32, #tpu.memory_space<vmem>>, vector<1024x64xf32>,
    return
  }
  func.func @transform_0(%arg0: i32) -> (i32, i32) {
    %c0_i32 = arith.constant 0 : i32
    %c0_i32_0 = arith.constant 0 : i32
    return %arg0, %c0_i32 : i32, i32
  }
  func.func @transform_1(%arg0: i32) -> (i32, i32, i32) {
    %c0_i32 = arith.constant 0 : i32
    %c0_i32_0 = arith.constant 0 : i32
    %c0_i32_1 = arith.constant 0 : i32
    return %c0_i32, %arg0, %c0_i32_0 : i32, i32, i32
  }
  func.func @transform_2(%arg0: i32) -> (i32, i32) {
    %c0_i32 = arith.constant 0 : i32
    %c0_i32_0 = arith.constant 0 : i32
    %c0_i32_1 = arith.constant 0 : i32
    return %c0_i32, %c0_i32_0 : i32, i32
  }
  func.func @transform_3(%arg0: i32) -> (i32, i32) {
    %c0_i32 = arith.constant 0 : i32
    %c0_i32_0 = arith.constant 0 : i32
    %c0_i32_1 = arith.constant 0 : i32
    return %c0_i32, %c0_i32_0 : i32, i32
  }
  func.func @transform_4(%arg0: i32) -> (i32, i32) {
    %c0_i32 = arith.constant 0 : i32
    %c0_i32_0 = arith.constant 0 : i32
    %c0_i32_1 = arith.constant 0 : i32
    return %c0_i32, %c0_i32_0 : i32, i32
  }
  func.func @transform_5(%arg0: i32) -> (i32, i32) {
    %c0_i32 = arith.constant 0 : i32
    %c0_i32_0 = arith.constant 0 : i32
    %c0_i32_1 = arith.constant 0 : i32
    return %c0_i32, %c0_i32_0 : i32, i32
  }
  func.func @transform_6(%arg0: i32) -> (i32, i32) {
    %c0_i32 = arith.constant 0 : i32
    %c0_i32_0 = arith.constant 0 : i32
    %c0_i32_1 = arith.constant 0 : i32
    return %c0_i32, %c0_i32_0 : i32, i32
  }
  func.func @transform_7(%arg0: i32) -> (i32, i32) {
    %c0_i32 = arith.constant 0 : i32
    %c0_i32_0 = arith.constant 0 : i32
    return %arg0, %c0_i32 : i32, i32
  }
}

</mosaic_0001>

<sc_bundles>
// kernel: kernel.6.cloned.1.call-start
scs
__scs_entry_jumppad:
0x0: {  	(pc) =	sbr.rel $0x88, $3  }
0x1: {  	(tag) =	ssettag $0x0;
	lr =	simm.s32 $0x1  }
0x2: {  	[smem:$0x3F93] =	sst lr;
	_ =	strace $0xD0000000  }
0x3: {  	_ = 	snop  }
0x4: {  	_ = 	snop  }
0x5: {  	_ = 	snop  }
0x6: {  	_ = 	snop  }
0x7: {  	_ = 	snop  }
__scs_overlays_trampoline_lowered:
0x8: {  	[smem:$0x3FA2] =	sst s0  }
0x9: {  	[smem:$0x3FA3] =	sst s1  }
0xa: {  	[smem:$0x3FA4] =	sst s2  }
0xb: {  	[smem:$0x3FA5] =	sst s3  }
0xc: {  	[smem:$0x3FA6] =	sst s4  }
0xd: {  	[smem:$0x3FA7] =	sst s5  }
0xe: {  	[smem:$0x3FA8] =	sst s6  }
0xf: {  	[smem:$0x3FA9] =	sst s7  }
0x10: {  	[smem:$0x3FAA] =	sst s8  }
0x11: {  	[smem:$0x3FAB] =	sst s9;
	s0 =	simm.s32 @!p0 $0x0  }
0x12: {  	s1 =	sld [smem:$0x3F91];
	s0 =	simm.s32 @p0 $0x1  }
0x13: {  	[smem:$0x3FAC] =	sst s0;
	s0 =	simm.s32 @!p1 $0x0  }
0x14: {  	s2 =	sld [smem:$0x3F90];
	s0 =	simm.s32 @p1 $0x1  }
0x15: {  	[smem:$0x3FAD] =	sst s0;
	s0 =	simm.s32 @!p2 $0x0  }
0x16: {  	s3 =	sld [smem:$0x3FDB];
	s0 =	simm.s32 @p2 $0x1  }
0x17: {  	s4 =	simm.s32 $0x1BF5;
	[smem:$0x3FAF] =	sst s0  }
0x18: {  	s0 =	sld [smem:$0x3F92];
	_ =	swait.ge [sflag:s4], $0x0  }
0x19: {  	s7 =	sld [smem:$0x3F93]  }
0x1a: {  	s8 =	sadd.s32 $0xFFFFE003, lr  }
0x1b: {  	s9 =	sadd.s32 $0xFFFFFEF7, lr;
	s5 =	simm.s32 $0xFFFFFFFF;
	p2 =	slt.u32 s8, $0xFFFFF086  }
0x1c: {  	p1 =	slt.u32 s9, $0xF7A;
	s5 =	simm.s32 @!p2 $0x0  }
0x1d: {  	s5 =	simm.s32 @p1 $0x1;
	p0 =	seq.s32 s7, s2  }
0x1e: {  	s7 =	smul.u32 @!p0 $0xF7A, s2;
	p2 =	seq.s32 @!p0 s5, $0x0  }
0x1f: {  	s9 =	smul.u32 $0xF7A, s1;
	s8 =	simm.s32 @!p0 $0x1BF5;
	p2 =	por !p2, p0  }
0x20: {  	[sflag:s8] =	ssyncset.s32 @!p0 $0xFFFFF086;
	s6 =	sadd.s32 @!p0 s3, s7;
	s7 =	simm.s32 @!p0 $0x108  }
0x21: {  	s3 =	sadd.s32 s3, s9;
	s6 =	sadd.s32 @!p0 $0x88, s6;
	s7 =	simm.s32 @p2 $0x1082  }
0x22: {  	[simem:s7], [sflag:s8] =	dma.local @!p0 [hbm:s6], $0xF7A  }
0x23: {  	s9 =	sor.u32 $0xD0000000, s2;
	s6 =	simm.s32 $0x108;
	_ =	swait.ge @!p0 [sflag:s8], $0x0  }
0x24: {  	s3 =	sadd.s32 $0x88, s3;
	s6 =	simm.s32 @!p1 $0x1082;
	[sflag:s4] =	ssyncset.s32 $0xFFFFF086  }
0x25: {  	[simem:s6], [sflag:s4] =	dma.local [hbm:s3], $0xF7A  }
0x26: {  	[smem:$0x3F93] =	sst s1;
	(tag) =	ssettag s2;
	_ =	strace s9  }
0x27: {  	s1 =	sld [smem:$0x3FA3]  }
0x28: {  	s2 =	sld [smem:$0x3FA4]  }
0x29: {  	s4 =	sld [smem:$0x3FA6]  }
0x2a: {  	p0 =	seq.s32 s5, $0x0;
	s5 =	sld [smem:$0x3FA7]  }
0x2b: {  	s6 =	sld [smem:$0x3FA8]  }
0x2c: {  	s7 =	sld [smem:$0x3FA9]  }
0x2d: {  	s3 =	simm.s32 $0x108;
	s8 =	sld [smem:$0x3FAA]  }
0x2e: {  	s3 =	simm.s32 @!p0 $0x1082;
	s9 =	sld [smem:$0x3FAB]  }
0x2f: {  	lr =	sadd.s32 s0, s3;
	s0 =	sld [smem:$0x3FA2]  }
0x30: {  	s3 =	sld [smem:$0x3FA5]  }
0x31: {  	[smem:$0x3FAE] =	sst s10  }
0x32: {  	s10 =	sld [smem:$0x3FAC];
	_ =	sdelay $0x3  }
0x33: {  	p0 =	seq.s32 s10, $0x1;
	s10 =	sld [smem:$0x3FAE];
	_ =	sdelay $0x3  }
0x34: {  	[smem:$0x3FAE] =	sst s10  }
0x35: {  	s10 =	sld [smem:$0x3FAD];
	_ =	sdelay $0x3  }
0x36: {  	p1 =	seq.s32 s10, $0x1;
	s10 =	sld [smem:$0x3FAE];
	_ =	sdelay $0x3  }
0x37: {  	[smem:$0x3FAE] =	sst s10  }
0x38: {  	s10 =	sld [smem:$0x3FAF]  }
0x39: {  	_ = 	snop;
	(pc) =	sbr.ind lr, $3  }
0x3a: {  	_ = 	snop  }
0x3b: {  	_ = 	snop  }
0x3c: {  	p2 =	seq.s32 s10, $0x1;
	s10 =	sld [smem:$0x3FAE]  }
0x3d: {  	_ =	shalt  }
0x3e: {  	_ =	shalt  }
0x3f: {  	_ =	shalt  }
0x40: {  	_ =	shalt  }
0x41: {  	_ =	shalt  }
0x42: {  	_ =	shalt  }
0x43: {  	_ =	shalt  }
0x44: {  	_ =	shalt  }
0x45: {  	_ =	shalt  }
0x46: {  	_ =	shalt  }
0x47: {  	_ =	shalt  }
0x48: {  	_ =	shalt  }
0x49: {  	_ =	shalt  }
0x4a: {  	_ =	shalt  }
0x4b: {  	_ =	shalt  }
0x4c: {  	_ =	shalt  }
0x4d: {  	_ =	shalt  }
0x4e: {  	_ =	shalt  }
0x4f: {  	_ =	shalt  }
0x50: {  	_ =	shalt  }
0x51: {  	_ =	shalt  }
0x52: {  	_ =	shalt  }
0x53: {  	_ =	shalt  }
0x54: {  	_ =	shalt  }
0x55: {  	_ =	shalt  }
0x56: {  	_ =	shalt  }
0x57: {  	_ =	shalt  }
0x58: {  	_ =	shalt  }
0x59: {  	_ =	shalt  }
0x5a: {  	_ =	shalt  }
0x5b: {  	_ =	shalt  }
0x5c: {  	_ =	shalt  }
0x5d: {  	_ =	shalt  }
0x5e: {  	_ =	shalt  }
0x5f: {  	_ =	shalt  }
0x60: {  	_ =	shalt  }
0x61: {  	_ =	shalt  }
0x62: {  	_ =	shalt  }
0x63: {  	_ =	shalt  }
0x64: {  	_ =	shalt  }
0x65: {  	_ =	shalt  }
0x66: {  	_ =	shalt  }
0x67: {  	_ =	shalt  }
0x68: {  	_ =	shalt  }
0x69: {  	_ =	shalt  }
0x6a: {  	_ =	shalt  }
0x6b: {  	_ =	shalt  }
0x6c: {  	_ =	shalt  }
0x6d: {  	_ =	shalt  }
0x6e: {  	_ =	shalt  }
0x6f: {  	_ =	shalt  }
0x70: {  	_ =	shalt  }
0x71: {  	_ =	shalt  }
0x72: {  	_ =	shalt  }
0x73: {  	_ =	shalt  }
0x74: {  	_ =	shalt  }
0x75: {  	_ =	shalt  }
0x76: {  	_ =	shalt  }
0x77: {  	_ =	shalt  }
0x78: {  	_ =	shalt  }
0x79: {  	_ =	shalt  }
0x7a: {  	_ =	shalt  }
0x7b: {  	_ =	shalt  }
0x7c: {  	_ =	shalt  }
0x7d: {  	_ =	shalt  }
0x7e: {  	_ =	shalt  }
0x7f: {  	_ =	shalt  }
0x80: {  	_ =	shalt  }
0x81: {  	_ =	shalt  }
0x82: {  	_ =	shalt  }
0x83: {  	_ =	shalt  }
0x84: {  	_ =	shalt  }
0x85: {  	_ =	shalt  }
0x86: {  	_ =	shalt  }
0x87: {  	_ =	shalt  }
.Lfunc_end0:
.L_simem_size_0:
called_computation_lowered:
.L_overlay_start_0:
0x88: {  	s2 =	sld [smem:$0x3FD9]  }
0x89: {  	s3 =	sld [smem:$0x3FFE];
	_ =	sdelay $0x1  }
0x8a: {  	s1 =	srdreg.scid  }
0x8b: {  	s0 =	sand.u32 $0x1, s1  }
0x8c: {  	s16 =	sshll.u32 s0, $0xA;
	s2 =	sadd.s32 s3, s2  }
0x8d: {  	s2 =	sadd.s32 s2, s16  }
0x8e: {  	[smem:$0x3FBA] =	sst s2  }
0x8f: {  	_ = 	snop  }
0x90: {  	(tm) =	ssettm $0x1  }
0x91: {  	s17 =	sld [smem:$0x3FFB];
	_ =	sdelay $0x3  }
0x92: {  	_ =	strace s17  }
0x93: {  	s2 =	sld [smem:$0x3FFC];
	_ =	sdelay $0x3  }
0x94: {  	_ =	strace s2  }
0x95: {  	s2 =	sld [smem:$0x3FFD];
	_ =	sdelay $0x3  }
0x96: {  	_ =	strace s2  }
0x97: {  	_ =	strace $0x8FFFFFFF  }
0x98: {  	s18 =	sld [smem:$0x3FDB];
	_ =	sdelay $0x1  }
0x99: {  	s19 =	simm.s32 $_scs_section_size  }
0x9a: {  	s4 =	simm.s32 $_size__tile_overlayer_lowered;
	s5 =	simm.s32 $_tile_overlayer_lowered  }
0x9b: {  	s22 =	simm.s32 $0x1BFF;
	s21 =	sshll.u32 s5, $0x1;
	s2 =	sadd.s32 s19, s18  }
0x9c: {  	s6 =	simm.s32 $0x0;
	s20 =	sshll.u32 s4, $0x1;
	s4 =	sadd.s32 s21, s2  }
0x9d: {  	[timem:s6], [sflag:s22] =	dma.local [hbm:s4], s20  }
0x9e: {  	_ =	swait.ge [sflag:s22], s20  }
0x9f: {  	s3 =	ssub.s32 $0x0, s20;
	[sflag:s22] =	ssyncset.done $0x0  }
0xa0: {  	[sflag:s22] =	ssyncadd.s32 s3;
	_ =	sdelay $0x1  }
0xa1: {  	s23 =	simm.s32 $0x1B8B  }
0xa2: {  	_ =	swait.ge [sflag:s23], $0x1  }
0xa3: {  	[sflag:s23] =	ssyncset.done $0x0  }
0xa4: {  	s25 =	simm.s32 $0x1B8E;
	s24 =	sld [smem:$0x3FFE];
	[sflag:s23] =	ssyncadd.s32 $0xFFFFFFFF  }
0xa5: {  	s26 =	simm.s32 $execute0_lowered;
	[smem:$0x3FD2] =	sst s25  }
0xa6: {  	s4 =	sshll.u32 s26, $0x1;
	_ =	strace $0x80000046;
	[dreg:$0x1] =	wrdreg $0xFFFFFFFF  }
0xa7: {  	s28 =	simm.s32 $_size_execute0_lowered;
	s2 =	sadd.s32 s2, s4;
	[dreg:$0x0] =	wrdreg $0x0  }
0xa8: {  	s4 =	sshll.u32 s28, $0x1;
	[dreg:$0x2] =	wrdreg s2  }
0xa9: {  	[dreg:$0x3] =	wrdreg s4  }
0xaa: {  	[dreg:$0x4] =	wrdreg $0xC0  }
0xab: {  	_ =	task [dreg:s6], $0x5FFFF  }
0xac: {  	[dreg:$0x1] =	wrdreg $0xFFFFFFFF  }
0xad: {  	[dreg:$0x0] =	wrdreg $0x60  }
0xae: {  	[dreg:$0x2] =	wrdreg s24  }
0xaf: {  	[dreg:$0x3] =	wrdreg $0x62000  }
0xb0: {  	[dreg:$0x4] =	wrdreg $0x9  }
0xb1: {  	_ =	task.clear_ibuf [dreg:s6], $0x5FFFF;
	_ =	strace $0x90000046  }
0xb2: {  	s29 =	simm.s32 $0x9;
	_ =	strace $0x80000048  }
0xb3: {  	_ =	swait.ge [sflag:s29], $0x1  }
0xb4: {  	[sflag:s29] =	ssyncadd.s32 $0xFFFFFFFF  }
0xb5: {  	_ =	strace $0x90000048  }
0xb6: {  	_ =	sfence  }
0xb7: {  	s30 =	sld [smem:$0x0];
	_ =	sdelay $0x2  }
0xb8: {  	s31 =	sshll.u32 s1, $0xD;
	s1 =	sshrl.u32 s1, $0x2  }
0xb9: {  	s3 =	sand.u32 $0x4000, s31;
	s1 =	sadd.s32 s1, s30  }
0xba: {  	s0 =	sor.u32 s3, s0;
	s1 =	sshll.u32 s1, $0x11  }
0xbb: {  	s0 =	sor.u32 s1, s0  }
0xbc: {  	s0 =	sadd.s32 $0x8F2B, s0  }
0xbd: {  	[sflag:s0] =	ssyncadd.remote.s32 $0x1  }
0xbe: {  	_ =	sfence.sel $0xFFFF  }
0xbf: {  	[dreg:$0x0] =	wrdreg $0xFFFFFFFF;
	(pc) =	sbr.abs _section_cstart, $3  }
0xc0: {  	[dreg:$0x1] =	wrdreg $0xFFFFFFFF  }
0xc1: {  	_ =	task.clear_ibuf [dreg:s6], $0x2FFFF;
	_ =	strace $0x9FFFFFFF  }
0xc2: {  	(tm) =	ssettm $0x7FFFFFFF  }
0xc3: {  	_ =	shalt  }
tec
execute0_lowered:
.L_overlay_start_1:
0x0: {  	(tag) =	ssettag $0x1  }
0x1: {  	s0 =	rddreg [dreg:$0x0]  }
0x2: {  	s1 =	rddreg [dreg:$0x1]  }
0x3: {  	s3 =	simm.s32 $0x0;
	s2 =	srdreg.scid;
	s18 =	stileid.u32  }
0x4: {  	s21 =	simm.s32 $0x200;
	s22 =	simm.s32 $0x2;
	s23 =	simm.s32 $0x40  }
0x5: {  	s24 =	simm.s32 $0x2200;
	s28 =	simm.s32 $0x1;
	s29 =	simm.s32 $0x100  }
0x6: {  	s30 =	simm.s32 $0x0;
	[smem:$0x7FF] =	sst s3;
	s8 =	smul.u32 $0x14000, s18  }
0x7: {  	s2 =	sand.u32 $0x1, s2;
	s4 =	sadd.s32 $0x167A00, s0;
	s9 =	smul.u32 $0x50000, s18  }
0x8: {  	s5 =	sadd.s32 $0x9FA00, s0;
	s6 =	sadd.s32 $0x2A00, s0;
	s7 =	smul.u32 $0x140000, s2  }
0x9: {  	s18 =	smul.u32 $0x13A, s18;
	_ =	strace $0x80000047;
	s25 =	ssub.s32 $0x2, s2  }
0xa: {  	s16 =	smul.u32 $0x274000, s2;
	s10 =	sshrl.u32 s25, $0x1;
	s7 =	sadd.s32 s8, s7  }
0xb: {  	s9 =	sshrl.u32 s9, $0x2;
	s8 =	ssub.s32 s25, s10;
	s7 =	sshrl.u32 s7, $0x3  }
0xc: {  	s25 =	simm.s32 $0x80;
	s0 =	sadd.s32 s7, s0;
	s7 =	sadd.s32 s9, s1  }
0xd: {  	s20 =	smax.u32 s8, $0x1;
	s9 =	sadd.s32 $0x2000, s7;
	s26 =	sadd.s32 $0x4000, s7  }
0xe: {  	s31 =	sadd.s32 $0x6000, s7;
	s11 =	sadd.s32 $0x8000, s7;
	s12 =	sadd.s32 $0xA000, s7  }
0xf: {  	s13 =	sadd.s32 $0xC000, s7;
	s14 =	sadd.s32 $0xE000, s7;
	[dreg:$0x3] =	wrdreg s9  }
0x10: {  	s15 =	sadd.s32 $0x10000, s7;
	s17 =	sadd.s32 $0x12000, s7;
	[dreg:$0x4] =	wrdreg s26  }
0x11: {  	v0 =	vimm.f32 $0.0e+00;
	s19 =	sadd.s32 $0x1B7A00, s0;
	[dreg:$0x5] =	wrdreg s31;
	s26 =	simm.s32 $0x4200  }
.LBB2_1:
0x12: {  	s0 =	simm.s32 $0x0;
	s2 =	simm.s32 $0x200  }
.LBB2_2:
0x13: {  	p0 =	sne.s32 s2, $0x7E00;
	[tilespmem:s0+$0x270] =	vst v0  }
0x14: {  	[tilespmem:s0+$0x200] =	vst v0  }
0x15: {  	[tilespmem:s0+$0x210] =	vst v0  }
.Ltmp0:
0x16: {  	[tilespmem:s0+$0x220] =	vst v0;
	(pc) =	sbr.rel @p0 .LBB2_2-.Ltmp0, $4  }
0x17: {  	[tilespmem:s0+$0x230] =	vst v0  }
0x18: {  	[tilespmem:s0+$0x240] =	vst v0  }
0x19: {  	[tilespmem:s0+$0x250] =	vst v0  }
0x1a: {  	[tilespmem:s0+$0x260] =	vst v0;
	s0 =	sshra.s32 s2, $0x2;
	s2 =	sadd.s32 $0x200, s2  }
0x1b: {  	[tilespmem:s0+$0x270] =	vst v0  }
0x1c: {  	[tilespmem:s0+$0x200] =	vst v0  }
0x1d: {  	[tilespmem:s0+$0x210] =	vst v0  }
0x1e: {  	[tilespmem:s0+$0x220] =	vst v0  }
0x1f: {  	[tilespmem:s0+$0x230] =	vst v0  }
0x20: {  	[tilespmem:s0+$0x240] =	vst v0  }
0x21: {  	[tilespmem:s0+$0x250] =	vst v0  }
0x22: {  	[tilespmem:s0+$0x260] =	vst v0  }
0x23: {  	[spmem:s7] =	stream.linear.scatter [tilespmem:s21], [sflag:$0x2], $0x2000, $0x38;
	[tilespmem:$0x1A200] =	vst v63  }
0x24: {  	_ =	swait.ge [sflag:s22], $0x2000  }
0x25: {  	[sflag:s22] =	ssyncset.done $0x0  }
0x26: {  	s8 =	rddreg [dreg:$0x3];
	[sflag:s22] =	ssyncadd.s32 $0xFFFFE000  }
0x27: {  	[spmem:s8] =	stream.linear.scatter [tilespmem:s21], [sflag:$0x2], $0x2000, $0x38;
	[tilespmem:$0x1A200] =	vst v63  }
0x28: {  	_ =	swait.ge [sflag:s22], $0x2000  }
0x29: {  	[sflag:s22] =	ssyncset.done $0x0  }
0x2a: {  	s9 =	rddreg [dreg:$0x4];
	[sflag:s22] =	ssyncadd.s32 $0xFFFFE000  }
0x2b: {  	[spmem:s9] =	stream.linear.scatter [tilespmem:s21], [sflag:$0x2], $0x2000, $0x38;
	[tilespmem:$0x1A200] =	vst v63  }
0x2c: {  	_ =	swait.ge [sflag:s22], $0x2000  }
0x2d: {  	[sflag:s22] =	ssyncset.done $0x0  }
0x2e: {  	s10 =	rddreg [dreg:$0x5];
	[sflag:s22] =	ssyncadd.s32 $0xFFFFE000  }
0x2f: {  	[spmem:s10] =	stream.linear.scatter [tilespmem:s21], [sflag:$0x2], $0x2000, $0x38;
	[tilespmem:$0x1A200] =	vst v63  }
0x30: {  	_ =	swait.ge [sflag:s22], $0x2000  }
0x31: {  	[sflag:s22] =	ssyncset.done $0x0  }
0x32: {  	[sflag:s22] =	ssyncadd.s32 $0xFFFFE000  }
0x33: {  	[spmem:s11] =	stream.linear.scatter [tilespmem:s21], [sflag:$0x2], $0x2000, $0x38;
	[tilespmem:$0x1A200] =	vst v63  }
0x34: {  	_ =	swait.ge [sflag:s22], $0x2000  }
0x35: {  	[sflag:s22] =	ssyncset.done $0x0  }
0x36: {  	[sflag:s22] =	ssyncadd.s32 $0xFFFFE000  }
0x37: {  	[spmem:s12] =	stream.linear.scatter [tilespmem:s21], [sflag:$0x2], $0x2000, $0x38;
	[tilespmem:$0x1A200] =	vst v63  }
0x38: {  	_ =	swait.ge [sflag:s22], $0x2000  }
0x39: {  	[sflag:s22] =	ssyncset.done $0x0  }
0x3a: {  	[sflag:s22] =	ssyncadd.s32 $0xFFFFE000  }
0x3b: {  	[spmem:s13] =	stream.linear.scatter [tilespmem:s21], [sflag:$0x2], $0x2000, $0x38;
	[tilespmem:$0x1A200] =	vst v63  }
0x3c: {  	_ =	swait.ge [sflag:s22], $0x2000  }
0x3d: {  	[sflag:s22] =	ssyncset.done $0x0  }
0x3e: {  	[sflag:s22] =	ssyncadd.s32 $0xFFFFE000  }
0x3f: {  	[spmem:s14] =	stream.linear.scatter [tilespmem:s21], [sflag:$0x2], $0x2000, $0x38;
	[tilespmem:$0x1A200] =	vst v63  }
0x40: {  	_ =	swait.ge [sflag:s22], $0x2000  }
0x41: {  	[sflag:s22] =	ssyncset.done $0x0  }
0x42: {  	[sflag:s22] =	ssyncadd.s32 $0xFFFFE000  }
0x43: {  	[spmem:s15] =	stream.linear.scatter [tilespmem:s21], [sflag:$0x2], $0x2000, $0x38;
	[tilespmem:$0x1A200] =	vst v63  }
0x44: {  	_ =	swait.ge [sflag:s22], $0x2000  }
0x45: {  	[sflag:s22] =	ssyncset.done $0x0  }
0x46: {  	[sflag:s22] =	ssyncadd.s32 $0xFFFFE000  }
0x47: {  	[spmem:s17] =	stream.linear.scatter [tilespmem:s21], [sflag:$0x2], $0x2000, $0x38;
	[tilespmem:$0x1A200] =	vst v63  }
0x48: {  	_ =	swait.ge [sflag:s22], $0x2000  }
0x49: {  	[sflag:s22] =	ssyncset.done $0x0  }
0x4a: {  	[sflag:s22] =	ssyncadd.s32 $0xFFFFE000  }
0x4b: {  	s31 =	simm.s32 $0x0;
	[bflag:$0x0] =	sbarrier.arrive $0xFFFF  }
.LBB2_4:
0x4c: {  	s0 =	sadd.s32 s18, s31  }
0x4d: {  	s0 =	sshll.u32 s0, $0x9  }
0x4e: {  	s0 =	sadd.s32 s16, s0  }
0x4f: {  	s0 =	sshrl.u32 s0, $0x3  }
0x50: {  	s0 =	sadd.s32 s6, s0  }
0x51: {  	[tilespmem:s30], [sflag:$0x2] =	stream.linear.gather [hbm4b:s0+s30], $0x180, $0x38;
	[tilespmem:$0x1A200] =	vst v63  }
0x52: {  	_ =	swait.ge [sflag:s22], $0x180  }
0x53: {  	[sflag:s22] =	ssyncset.done $0x0  }
0x54: {  	[sflag:s22] =	ssyncadd.s32 $0xFFFFFE80  }
0x55: {  	[tilespmem:s21], [sflag:$0x1] =	stream.indirect.gather [hbm4b:s4+s23], $0x80, s30, s23, $0xb8;
	[tilespmem:$0x1A200] =	vst v63  }
0x56: {  	_ = 	snop  }
0x57: {  	[tilespmem:s24], [sflag:$0x1] =	stream.indirect.gather [hbm4b:s5+s23], $0x80, s30, s23, $0xb8;
	[tilespmem:$0x1A200] =	vst v63  }
0x58: {  	_ = 	snop  }
0x59: {  	[tilespmem:s26], [sflag:$0x1] =	stream.indirect.gather [hbm4b:s5+s23], $0x80, s25, s23, $0xb8;
	[tilespmem:$0x1A200] =	vst v63  }
0x5a: {  	_ =	swait.ge [sflag:s28], $0x2000  }
0x5b: {  	[sflag:s28] =	ssyncset.done $0x0  }
0x5c: {  	[sflag:s28] =	ssyncadd.s32 $0xFFFFE000  }
0x5d: {  	_ =	swait.ge [sflag:s28], $0x2000  }
0x5e: {  	[sflag:s28] =	ssyncset.done $0x0  }
0x5f: {  	[sflag:s28] =	ssyncadd.s32 $0xFFFFE000  }
0x60: {  	_ =	swait.ge [sflag:s28], $0x2000  }
0x61: {  	[sflag:s28] =	ssyncset.done $0x0  }
0x62: {  	s8 =	simm.s32 $0x0;
	[sflag:s28] =	ssyncadd.s32 $0xFFFFE000  }
0x63: {  	v1 =	vld [tilespmem:s8+$0x4240]  }
0x64: {  	v2 =	vld [tilespmem:s8+$0x2200]  }
0x65: {  	v3 =	vld [tilespmem:s8+$0x4250]  }
0x66: {  	v4 =	vld [tilespmem:s8+$0x2210]  }
0x67: {  	v5 =	vld [tilespmem:s8+$0x4260]  }
0x68: {  	v6 =	vld [tilespmem:s8+$0x2220];
	_ =	sdelay $0x1  }
0x69: {  	v7 =	vld [tilespmem:s8+$0x4270];
	v1 =	vadd.f32 v2, v1  }
0x6a: {  	v2 =	vld [tilespmem:s8+$0x2230];
	v3 =	vadd.f32 v4, v3  }
0x6b: {  	v1 =	vsub.f32 $0.0e+00, v1  }
0x6c: {  	s0 =	simm.s32 $0x80;
	v4 =	vadd.f32 v6, v5;
	v3 =	vsub.f32 $0.0e+00, v3  }
0x6d: {  	v5 =	vld [tilespmem:s0+$0x4240];
	v1 =	vmul.f32 $1.442695020e+00, v1  }
0x6e: {  	v6 =	vld [tilespmem:s0+$0x2200];
	v4 =	vsub.f32 $0.0e+00, v4;
	v3 =	vmul.f32 $1.442695020e+00, v3  }
0x6f: {  	v2 =	vadd.f32 v2, v7;
	v7 =	vld [tilespmem:s0+$0x4250];
	(erf) = vpow2.f32 v1  }
0x70: {  	v4 =	vmul.f32 $1.442695020e+00, v4;
	v1 =	vld [tilespmem:s0+$0x2210];
	(erf) = vpow2.f32 v3  }
0x71: {  	v2 =	vsub.f32 $0.0e+00, v2;
	v3 =	vld [tilespmem:s0+$0x4260]  }
0x72: {  	(erf) = vpow2.f32 v4;
	v4 =	vld [tilespmem:s0+$0x2220]  }
0x73: {  	v5 =	vadd.f32 v6, v5;
	v2 =	vmul.f32 $1.442695020e+00, v2  }
0x74: {  	v6 =	vld [tilespmem:s0+$0x4270]  }
0x75: {  	v5 =	vsub.f32 $0.0e+00, v5;
	(erf) = vpow2.f32 v2;
	v2 =	vld [tilespmem:s0+$0x2230]  }
0x76: {  	v1 =	vadd.f32 v1, v7  }
0x77: {  	v5 =	vmul.f32 $1.442695020e+00, v5;
	v3 =	vadd.f32 v4, v3  }
0x78: {  	v1 =	vsub.f32 $0.0e+00, v1;
	v4 =	vpop (erf)  }
0x79: {  	s2 =	simm.s32 $0x100;
	(erf) = vpow2.f32 v5;
	v3 =	vsub.f32 $0.0e+00, v3;
	v8 =	vpop (erf)  }
0x7a: {  	v7 =	vld [tilespmem:s2+$0x4240];
	v1 =	vmul.f32 $1.442695020e+00, v1;
	v2 =	vadd.f32 v2, v6;
	v5 =	vadd.f32 $1.000000000e+00, v8  }
0x7b: {  	v6 =	vld [tilespmem:s2+$0x2200]  }
0x7c: {  	v8 =	vld [tilespmem:s2+$0x4250];
	v9 =	vpop (erf);
	v3 =	vmul.f32 $1.442695020e+00, v3;
	(erf) = vpow2.f32 v1;
	v2 =	vsub.f32 $0.0e+00, v2  }
0x7d: {  	v1 =	vld [tilespmem:s2+$0x2210];
	v9 =	vadd.f32 $1.000000000e+00, v9;
	(erf) = vrcp.f32 v5  }
0x7e: {  	v10 =	vld [tilespmem:s2+$0x4260];
	v2 =	vmul.f32 $1.442695020e+00, v2;
	(erf) = vpow2.f32 v3;
	v5 =	vpop (erf)  }
0x7f: {  	v11 =	vld [tilespmem:s2+$0x2220];
	(erf) = vrcp.f32 v9;
	v3 =	vadd.f32 $1.000000000e+00, v5  }
0x80: {  	v7 =	vadd.f32 v6, v7;
	v6 =	vld [tilespmem:s2+$0x2230];
	(erf) = vpow2.f32 v2;
	v2 =	vadd.f32 $1.000000000e+00, v4  }
0x81: {  	v5 =	vld [tilespmem:s2+$0x4270];
	(erf) = vrcp.f32 v3  }
0x82: {  	v8 =	vadd.f32 v1, v8;
	v1 =	vld [tilespmem:s8+$0x250];
	v4 =	vsub.f32 $0.0e+00, v7  }
0x83: {  	v3 =	vld [tilespmem:s8+$0x260];
	(erf) = vrcp.f32 v2  }
0x84: {  	s9 =	simm.s32 $0x600;
	v9 =	vadd.f32 v11, v10;
	v8 =	vsub.f32 $0.0e+00, v8;
	v7 =	vmul.f32 $1.442695020e+00, v4;
	v4 =	vld [tilespmem:s8+$0x270];
	v2 =	vpop (erf)  }
.LBB2_5:
0x85: {  	s10 =	sshra.s32 s9, $0x2;
	p0 =	sne.s32 s9, $0x7E00;
	s9 =	sadd.s32 $0x200, s9;
	v10 =	vpop (erf);
	v11 =	vld [tilespmem:s8+$0x240]  }
0x86: {  	v12 =	vld [tilespmem:s10+$0x4240];
	v15 =	vmul.f32 $1.442695020e+00, v8;
	v9 =	vsub.f32 $0.0e+00, v9;
	v5 =	vadd.f32 v6, v5;
	v6 =	vpop (erf)  }
0x87: {  	v16 =	vadd.f32 $1.000000000e+00, v10;
	v13 =	vld [tilespmem:s10+$0x2200];
	(erf) = vpow2.f32 v7;
	v10 =	vpop (erf)  }
0x88: {  	v14 =	vld [tilespmem:s10+$0x4250];
	v9 =	vmul.f32 $1.442695020e+00, v9;
	v17 =	vsub.f32 $0.0e+00, v5;
	(erf) = vpow2.f32 v15;
	v8 =	vpop (erf)  }
0x89: {  	v10 =	vadd.f32 $1.000000000e+00, v10;
	v15 =	vld [tilespmem:s10+$0x2210];
	(erf) = vrcp.f32 v16;
	v7 =	vpop (erf);
	v3 =	vmul.f32 v8, v3  }
0x8a: {  	v16 =	vld [tilespmem:s10+$0x4260];
	v17 =	vmul.f32 $1.442695020e+00, v17;
	(erf) = vpow2.f32 v9;
	v5 =	vpop (erf)  }
0x8b: {  	v7 =	vadd.f32 $1.000000000e+00, v7;
	v9 =	vld [tilespmem:s10+$0x2220];
	(erf) = vrcp.f32 v10;
	[tilespmem:s8+$0x260] =	vst v3;
	v3 =	vmul.f32 v5, v4  }
.Ltmp1:
0x8c: {  	v1 =	vmul.f32 v6, v1;
	v4 =	vadd.f32 v13, v12;
	v5 =	vld [tilespmem:s10+$0x4270];
	(erf) = vpow2.f32 v17;
	v8 =	vpop (erf);
	(pc) =	sbr.rel @p0 .LBB2_5-.Ltmp1, $4  }
0x8d: {  	v10 =	vadd.f32 $1.000000000e+00, v2;
	v6 =	vld [tilespmem:s10+$0x2230];
	(erf) = vrcp.f32 v7;
	v7 =	vmul.f32 v8, v11;
	[tilespmem:s8+$0x270] =	vst v3  }
0x8e: {  	v4 =	vsub.f32 $0.0e+00, v4;
	v8 =	vadd.f32 v15, v14;
	v3 =	vld [tilespmem:s0+$0x260];
	[tilespmem:s8+$0x250] =	vst v1  }
0x8f: {  	v1 =	vld [tilespmem:s0+$0x250];
	(erf) = vrcp.f32 v10;
	[tilespmem:s8+$0x240] =	vst v7;
	s8 =	smov.u32 s0;
	s0 =	smov.u32 s2;
	s2 =	smov.u32 s10  }
0x90: {  	v7 =	vmul.f32 $1.442695020e+00, v4;
	v8 =	vsub.f32 $0.0e+00, v8;
	v9 =	vadd.f32 v9, v16;
	v2 =	vpop (erf);
	v4 =	vld [tilespmem:s8+$0x270]  }
0x91: {  	_ = 	snop  }
0x92: {  	v10 =	vpop (erf);
	v8 =	vmul.f32 $1.442695020e+00, v8;
	v9 =	vsub.f32 $0.0e+00, v9  }
0x93: {  	v5 =	vadd.f32 v6, v5;
	v45 =	vpop (erf);
	(erf) = vpow2.f32 v7;
	v46 =	vadd.f32 $1.000000000e+00, v10  }
0x94: {  	v47 =	vpop (erf);
	v9 =	vmul.f32 $1.442695020e+00, v9;
	(erf) = vpow2.f32 v8  }
0x95: {  	v5 =	vsub.f32 $0.0e+00, v5;
	v48 =	vpop (erf);
	(erf) = vrcp.f32 v46  }
0x96: {  	v10 =	vadd.f32 $1.000000000e+00, v47;
	v49 =	vpop (erf);
	(erf) = vpow2.f32 v9  }
0x97: {  	v50 =	vld [tilespmem:s8+$0x240];
	v3 =	vmul.f32 v48, v3;
	v5 =	vmul.f32 $1.442695020e+00, v5  }
0x98: {  	v51 =	vpop (erf);
	v7 =	vadd.f32 $1.000000000e+00, v49;
	(erf) = vrcp.f32 v10  }
0x99: {  	v2 =	vadd.f32 $1.000000000e+00, v2;
	(erf) = vpow2.f32 v5  }
0x9a: {  	v4 =	vmul.f32 v51, v4;
	(erf) = vrcp.f32 v7  }
0x9b: {  	v1 =	vmul.f32 v45, v1;
	[tilespmem:s8+$0x260] =	vst v3;
	v3 =	vpop (erf)  }
0x9c: {  	[tilespmem:s8+$0x270] =	vst v4;
	v3 =	vmul.f32 v3, v50;
	v52 =	vpop (erf)  }
0x9d: {  	v4 =	vld [tilespmem:s0+$0x260];
	[tilespmem:s8+$0x250] =	vst v1;
	(erf) = vrcp.f32 v2;
	v2 =	vpop (erf)  }
0x9e: {  	v1 =	vld [tilespmem:s0+$0x250];
	[tilespmem:s8+$0x240] =	vst v3;
	v53 =	vpop (erf)  }
0x9f: {  	v3 =	vld [tilespmem:s0+$0x270];
	v2 =	vadd.f32 $1.000000000e+00, v2;
	v54 =	vpop (erf)  }
0xa0: {  	v7 =	vadd.f32 $1.000000000e+00, v54  }
0xa1: {  	v55 =	vpop (erf);
	(erf) = vrcp.f32 v2  }
0xa2: {  	v56 =	vpop (erf);
	(erf) = vrcp.f32 v7  }
0xa3: {  	v57 =	vld [tilespmem:s0+$0x240];
	v4 =	vmul.f32 v55, v4;
	v58 =	vpop (erf);
	v2 =	vadd.f32 $1.000000000e+00, v56  }
0xa4: {  	v3 =	vmul.f32 v58, v3  }
0xa5: {  	v59 =	vadd.f32 $1.000000000e+00, v52;
	[tilespmem:s0+$0x260] =	vst v4  }
0xa6: {  	(erf) = vrcp.f32 v2;
	[tilespmem:s0+$0x270] =	vst v3  }
0xa7: {  	v1 =	vmul.f32 v53, v1;
	v2 =	vpop (erf);
	v3 =	vld [tilespmem:s2+$0x260];
	(erf) = vrcp.f32 v59  }
0xa8: {  	v2 =	vmul.f32 v2, v57  }
0xa9: {  	[tilespmem:s0+$0x250] =	vst v1  }
0xaa: {  	v1 =	vld [tilespmem:s2+$0x250];
	[tilespmem:s0+$0x240] =	vst v2;
	v61 =	vpop (erf)  }
0xab: {  	v2 =	vld [tilespmem:s2+$0x270];
	v62 =	vpop (erf)  }
0xac: {  	v60 =	vld [tilespmem:s2+$0x240];
	v3 =	vmul.f32 v62, v3;
	_ =	sdelay $0x2  }
0xad: {  	v1 =	vmul.f32 v61, v1;
	v63 =	vpop (erf)  }
0xae: {  	[tilespmem:s2+$0x260] =	vst v3;
	v2 =	vmul.f32 v63, v2;
	v3 =	vpop (erf)  }
0xaf: {  	s31 =	sadd.s32 $0x1, s31;
	[tilespmem:s2+$0x250] =	vst v1;
	v3 =	vmul.f32 v3, v60  }
0xb0: {  	p0 =	sne.s32 s31, $0x13A;
	[tilespmem:s2+$0x270] =	vst v2  }
.Ltmp2:
0xb1: {  	[tilespmem:s2+$0x240] =	vst v3;
	(pc) =	sbr.rel @p0 .LBB2_4-.Ltmp2, $4  }
0xb2: {  	[spmem:s1] =	stream.indirect.scatter.add.f32 [tilespmem:s21], [sflag:$0x2], $0x80, s29, s23, $0xb8;
	[tilespmem:$0x1A200] =	vst v63  }
0xb3: {  	_ =	swait.ge [sflag:s22], $0x2000  }
0xb4: {  	[sflag:s22] =	ssyncset.done $0x0  }
0xb5: {  	[sflag:s22] =	ssyncadd.s32 $0xFFFFE000  }
0xb6: {  	s0 =	stileid.u32;
	s3 =	sadd.s32 $0x1, s3  }
0xb7: {  	[bflag:$0x0] =	sbarrier.arrive $0xFFFF;
	s0 =	sshll.u32 s0, $0x6;
	p0 =	sne.s32 s3, s20  }
.Ltmp3:
0xb8: {  	s2 =	sshrl.u32 s7, $0x3;
	s0 =	sor.u32 $0x1C02, s0;
	(pc) =	sbr.rel @p0 .LBB2_1-.Ltmp3, $4  }
0xb9: {  	[hbm:s19], [sflag:s0] =	dma.local [spmem:s2], $0x2800  }
0xba: {  	_ =	swait.ge [sflag:s22], $0x2800  }
0xbb: {  	[sflag:s22] =	ssyncset.done $0x0  }
0xbc: {  	[sflag:s22] =	ssyncadd.s32 $0xFFFFD800  }
0xbd: {  	_ =	sfence.sel $0x180000  }
0xbe: {  	[bflag:$0x0] =	sbarrier.arrive $0xFFFF  }
0xbf: {  	_ =	strace $0x90000047  }
0xc0: {  	s0 =	stileid.u32;
	[bflag:$0x2] =	sbarrier.arrive $0xFFFF  }
0xc1: {  	p0 =	sne.s32 s0, $0x0;
	s0 =	rddreg [dreg:$0x2]  }
0xc2: {  	s0 =	sadd.s32 @!p0 $0x100000, s0  }
0xc3: {  	[sflag:s0] =	ssyncadd.tile.s32 @!p0 $0x1;
	_ =	shalt  }
.Lfunc_end2:
_tile_overlayer_lowered:
.L_overlay_start_2:
0xc4: {  	(tag) =	ssettag $0x2  }
0xc5: {  	s0 =	rddreg [dreg:$0x0];
	s2 =	stileid.u32  }
0xc6: {  	s1 =	rddreg [dreg:$0x1];
	p0 =	sne.s32 s2, $0x0  }
0xc7: {  	s3 =	rddreg [dreg:$0x2];
	[bflag:$0x3] =	sbarrier.arrive $0xFFFF;
	s2 =	simm.s32 @!p0 $0x1C02  }
0xc8: {  	[timem:s3], [sflag:s2] =	dma.local @!p0 [hbm:s0], s1  }
0xc9: {  	s0 =	simm.s32 @!p0 $0x2  }
0xca: {  	_ =	swait.ge @!p0 [sflag:s0], s1  }
0xcb: {  	s1 =	ssub.s32 @!p0 $0x0, s1;
	[sflag:s0] =	ssyncset.done @!p0 $0x0  }
0xcc: {  	[sflag:s0] =	ssyncadd.s32 @!p0 s1  }
0xcd: {  	[bflag:$0x3] =	sbarrier.arrive $0xFFFF  }
0xce: {  	_ =	shalt  }

// kernel: kernel.9.cloned.1.call-start
scs
__scs_entry_jumppad:
0x0: {  	(pc) =	sbr.rel $0x88, $3  }
0x1: {  	(tag) =	ssettag $0x0;
	lr =	simm.s32 $0x1  }
0x2: {  	[smem:$0x3F93] =	sst lr;
	_ =	strace $0xD0000000  }
0x3: {  	_ = 	snop  }
0x4: {  	_ = 	snop  }
0x5: {  	_ = 	snop  }
0x6: {  	_ = 	snop  }
0x7: {  	_ = 	snop  }
__scs_overlays_trampoline_lowered:
0x8: {  	[smem:$0x3FA2] =	sst s0  }
0x9: {  	[smem:$0x3FA3] =	sst s1  }
0xa: {  	[smem:$0x3FA4] =	sst s2  }
0xb: {  	[smem:$0x3FA5] =	sst s3  }
0xc: {  	[smem:$0x3FA6] =	sst s4  }
0xd: {  	[smem:$0x3FA7] =	sst s5  }
0xe: {  	[smem:$0x3FA8] =	sst s6  }
0xf: {  	[smem:$0x3FA9] =	sst s7  }
0x10: {  	[smem:$0x3FAA] =	sst s8  }
0x11: {  	[smem:$0x3FAB] =	sst s9;
	s0 =	simm.s32 @!p0 $0x0  }
0x12: {  	s1 =	sld [smem:$0x3F91];
	s0 =	simm.s32 @p0 $0x1  }
0x13: {  	[smem:$0x3FAC] =	sst s0;
	s0 =	simm.s32 @!p1 $0x0  }
0x14: {  	s2 =	sld [smem:$0x3F90];
	s0 =	simm.s32 @p1 $0x1  }
0x15: {  	[smem:$0x3FAD] =	sst s0;
	s0 =	simm.s32 @!p2 $0x0  }
0x16: {  	s3 =	sld [smem:$0x3FDB];
	s0 =	simm.s32 @p2 $0x1  }
0x17: {  	s4 =	simm.s32 $0x1BF5;
	[smem:$0x3FAF] =	sst s0  }
0x18: {  	s0 =	sld [smem:$0x3F92];
	_ =	swait.ge [sflag:s4], $0x0  }
0x19: {  	s7 =	sld [smem:$0x3F93]  }
0x1a: {  	s8 =	sadd.s32 $0xFFFFE003, lr  }
0x1b: {  	s9 =	sadd.s32 $0xFFFFFEF7, lr;
	s5 =	simm.s32 $0xFFFFFFFF;
	p2 =	slt.u32 s8, $0xFFFFF086  }
0x1c: {  	p1 =	slt.u32 s9, $0xF7A;
	s5 =	simm.s32 @!p2 $0x0  }
0x1d: {  	s5 =	simm.s32 @p1 $0x1;
	p0 =	seq.s32 s7, s2  }
0x1e: {  	s7 =	smul.u32 @!p0 $0xF7A, s2;
	p2 =	seq.s32 @!p0 s5, $0x0  }
0x1f: {  	s9 =	smul.u32 $0xF7A, s1;
	s8 =	simm.s32 @!p0 $0x1BF5;
	p2 =	por !p2, p0  }
0x20: {  	[sflag:s8] =	ssyncset.s32 @!p0 $0xFFFFF086;
	s6 =	sadd.s32 @!p0 s3, s7;
	s7 =	simm.s32 @!p0 $0x108  }
0x21: {  	s3 =	sadd.s32 s3, s9;
	s6 =	sadd.s32 @!p0 $0x88, s6;
	s7 =	simm.s32 @p2 $0x1082  }
0x22: {  	[simem:s7], [sflag:s8] =	dma.local @!p0 [hbm:s6], $0xF7A  }
0x23: {  	s9 =	sor.u32 $0xD0000000, s2;
	s6 =	simm.s32 $0x108;
	_ =	swait.ge @!p0 [sflag:s8], $0x0  }
0x24: {  	s3 =	sadd.s32 $0x88, s3;
	s6 =	simm.s32 @!p1 $0x1082;
	[sflag:s4] =	ssyncset.s32 $0xFFFFF086  }
0x25: {  	[simem:s6], [sflag:s4] =	dma.local [hbm:s3], $0xF7A  }
0x26: {  	[smem:$0x3F93] =	sst s1;
	(tag) =	ssettag s2;
	_ =	strace s9  }
0x27: {  	s1 =	sld [smem:$0x3FA3]  }
0x28: {  	s2 =	sld [smem:$0x3FA4]  }
0x29: {  	s4 =	sld [smem:$0x3FA6]  }
0x2a: {  	p0 =	seq.s32 s5, $0x0;
	s5 =	sld [smem:$0x3FA7]  }
0x2b: {  	s6 =	sld [smem:$0x3FA8]  }
0x2c: {  	s7 =	sld [smem:$0x3FA9]  }
0x2d: {  	s3 =	simm.s32 $0x108;
	s8 =	sld [smem:$0x3FAA]  }
0x2e: {  	s3 =	simm.s32 @!p0 $0x1082;
	s9 =	sld [smem:$0x3FAB]  }
0x2f: {  	lr =	sadd.s32 s0, s3;
	s0 =	sld [smem:$0x3FA2]  }
0x30: {  	s3 =	sld [smem:$0x3FA5]  }
0x31: {  	[smem:$0x3FAE] =	sst s10  }
0x32: {  	s10 =	sld [smem:$0x3FAC];
	_ =	sdelay $0x3  }
0x33: {  	p0 =	seq.s32 s10, $0x1;
	s10 =	sld [smem:$0x3FAE];
	_ =	sdelay $0x3  }
0x34: {  	[smem:$0x3FAE] =	sst s10  }
0x35: {  	s10 =	sld [smem:$0x3FAD];
	_ =	sdelay $0x3  }
0x36: {  	p1 =	seq.s32 s10, $0x1;
	s10 =	sld [smem:$0x3FAE];
	_ =	sdelay $0x3  }
0x37: {  	[smem:$0x3FAE] =	sst s10  }
0x38: {  	s10 =	sld [smem:$0x3FAF]  }
0x39: {  	_ = 	snop;
	(pc) =	sbr.ind lr, $3  }
0x3a: {  	_ = 	snop  }
0x3b: {  	_ = 	snop  }
0x3c: {  	p2 =	seq.s32 s10, $0x1;
	s10 =	sld [smem:$0x3FAE]  }
0x3d: {  	_ =	shalt  }
0x3e: {  	_ =	shalt  }
0x3f: {  	_ =	shalt  }
0x40: {  	_ =	shalt  }
0x41: {  	_ =	shalt  }
0x42: {  	_ =	shalt  }
0x43: {  	_ =	shalt  }
0x44: {  	_ =	shalt  }
0x45: {  	_ =	shalt  }
0x46: {  	_ =	shalt  }
0x47: {  	_ =	shalt  }
0x48: {  	_ =	shalt  }
0x49: {  	_ =	shalt  }
0x4a: {  	_ =	shalt  }
0x4b: {  	_ =	shalt  }
0x4c: {  	_ =	shalt  }
0x4d: {  	_ =	shalt  }
0x4e: {  	_ =	shalt  }
0x4f: {  	_ =	shalt  }
0x50: {  	_ =	shalt  }
0x51: {  	_ =	shalt  }
0x52: {  	_ =	shalt  }
0x53: {  	_ =	shalt  }
0x54: {  	_ =	shalt  }
0x55: {  	_ =	shalt  }
0x56: {  	_ =	shalt  }
0x57: {  	_ =	shalt  }
0x58: {  	_ =	shalt  }
0x59: {  	_ =	shalt  }
0x5a: {  	_ =	shalt  }
0x5b: {  	_ =	shalt  }
0x5c: {  	_ =	shalt  }
0x5d: {  	_ =	shalt  }
0x5e: {  	_ =	shalt  }
0x5f: {  	_ =	shalt  }
0x60: {  	_ =	shalt  }
0x61: {  	_ =	shalt  }
0x62: {  	_ =	shalt  }
0x63: {  	_ =	shalt  }
0x64: {  	_ =	shalt  }
0x65: {  	_ =	shalt  }
0x66: {  	_ =	shalt  }
0x67: {  	_ =	shalt  }
0x68: {  	_ =	shalt  }
0x69: {  	_ =	shalt  }
0x6a: {  	_ =	shalt  }
0x6b: {  	_ =	shalt  }
0x6c: {  	_ =	shalt  }
0x6d: {  	_ =	shalt  }
0x6e: {  	_ =	shalt  }
0x6f: {  	_ =	shalt  }
0x70: {  	_ =	shalt  }
0x71: {  	_ =	shalt  }
0x72: {  	_ =	shalt  }
0x73: {  	_ =	shalt  }
0x74: {  	_ =	shalt  }
0x75: {  	_ =	shalt  }
0x76: {  	_ =	shalt  }
0x77: {  	_ =	shalt  }
0x78: {  	_ =	shalt  }
0x79: {  	_ =	shalt  }
0x7a: {  	_ =	shalt  }
0x7b: {  	_ =	shalt  }
0x7c: {  	_ =	shalt  }
0x7d: {  	_ =	shalt  }
0x7e: {  	_ =	shalt  }
0x7f: {  	_ =	shalt  }
0x80: {  	_ =	shalt  }
0x81: {  	_ =	shalt  }
0x82: {  	_ =	shalt  }
0x83: {  	_ =	shalt  }
0x84: {  	_ =	shalt  }
0x85: {  	_ =	shalt  }
0x86: {  	_ =	shalt  }
0x87: {  	_ =	shalt  }
.Lfunc_end0:
.L_simem_size_0:
called_computation.1_lowered:
.L_overlay_start_0:
0x88: {  	s2 =	sld [smem:$0x3FD9]  }
0x89: {  	s3 =	sld [smem:$0x3FFE];
	_ =	sdelay $0x1  }
0x8a: {  	s1 =	srdreg.scid  }
0x8b: {  	s0 =	sand.u32 $0x1, s1  }
0x8c: {  	s14 =	sshll.u32 s0, $0xA;
	s2 =	sadd.s32 s3, s2  }
0x8d: {  	s2 =	sadd.s32 s2, s14  }
0x8e: {  	[smem:$0x3FBA] =	sst s2  }
0x8f: {  	_ = 	snop  }
0x90: {  	s2 =	sld [smem:$0x3FD0];
	_ =	sdelay $0x2  }
0x91: {  	s4 =	simm.s32 $0xA;
	s5 =	simm.s32 $0x10;
	s15 =	sld [smem:$0x3FBC]  }
0x92: {  	[smem:s5], [sflag:s4] =	dma.local [hbm:s2], $0x1  }
0x93: {  	_ =	swait.eq [sflag:s4], $0x1  }
0x94: {  	[sflag:s4] =	ssyncset.done $0x0  }
0x95: {  	[sflag:s4] =	ssyncadd.s32 $0xFFFFFFFF  }
0x96: {  	s16 =	sld [smem:$0x11];
	(tm) =	ssettm $0x1  }
0x97: {  	s17 =	sld [smem:$0x3FFB];
	_ =	sdelay $0x3  }
0x98: {  	_ =	strace s17  }
0x99: {  	s4 =	sld [smem:$0x3FFC];
	_ =	sdelay $0x3  }
0x9a: {  	_ =	strace s4  }
0x9b: {  	s4 =	sld [smem:$0x3FFD];
	_ =	sdelay $0x3  }
0x9c: {  	_ =	strace s4  }
0x9d: {  	_ =	strace $0x8FFFFFFF  }
0x9e: {  	s18 =	sld [smem:$0x3FDB];
	_ =	sdelay $0x1  }
0x9f: {  	s19 =	simm.s32 $_scs_section_size  }
0xa0: {  	s6 =	simm.s32 $_size__tile_overlayer_lowered;
	s7 =	simm.s32 $_tile_overlayer_lowered  }
0xa1: {  	s22 =	simm.s32 $0x1BFF;
	s21 =	sshll.u32 s7, $0x1;
	s4 =	sadd.s32 s19, s18  }
0xa2: {  	s8 =	simm.s32 $0x0;
	s20 =	sshll.u32 s6, $0x1;
	s6 =	sadd.s32 s21, s4  }
0xa3: {  	[timem:s8], [sflag:s22] =	dma.local [hbm:s6], s20  }
0xa4: {  	_ =	swait.ge [sflag:s22], s20  }
0xa5: {  	s5 =	ssub.s32 $0x0, s20;
	[sflag:s22] =	ssyncset.done $0x0  }
0xa6: {  	[sflag:s22] =	ssyncadd.s32 s5;
	_ =	sdelay $0x1  }
0xa7: {  	s23 =	simm.s32 $0x1B8B  }
0xa8: {  	_ =	swait.ge [sflag:s23], $0x1  }
0xa9: {  	[sflag:s23] =	ssyncset.done $0x0  }
0xaa: {  	s25 =	simm.s32 $0x1B8E;
	s24 =	sld [smem:$0x3FFE];
	[sflag:s23] =	ssyncadd.s32 $0xFFFFFFFF  }
0xab: {  	s26 =	simm.s32 $execute0_lowered;
	[smem:$0x3FD2] =	sst s25  }
0xac: {  	s6 =	sshll.u32 s26, $0x1;
	_ =	strace $0x80000049;
	[dreg:$0x1] =	wrdreg $0xFFFFFFFF  }
0xad: {  	s28 =	simm.s32 $_size_execute0_lowered;
	s4 =	sadd.s32 s4, s6;
	[dreg:$0x0] =	wrdreg $0x0  }
0xae: {  	s6 =	sshll.u32 s28, $0x1;
	[dreg:$0x2] =	wrdreg s4  }
0xaf: {  	[dreg:$0x3] =	wrdreg s6  }
0xb0: {  	[dreg:$0x4] =	wrdreg $0xC0  }
0xb1: {  	_ =	task [dreg:s8], $0x5FFFF  }
0xb2: {  	[dreg:$0x1] =	wrdreg $0xFFFFFFFF  }
0xb3: {  	[dreg:$0x0] =	wrdreg $0x60  }
0xb4: {  	[dreg:$0x2] =	wrdreg s16  }
0xb5: {  	[dreg:$0x3] =	wrdreg s24  }
0xb6: {  	[dreg:$0x4] =	wrdreg s15  }
0xb7: {  	[dreg:$0x5] =	wrdreg $0x9  }
0xb8: {  	_ =	task.clear_ibuf [dreg:s8], $0x6FFFF;
	_ =	strace $0x90000049  }
0xb9: {  	s29 =	simm.s32 $0x9;
	_ =	strace $0x8000004B  }
0xba: {  	_ =	swait.ge [sflag:s29], $0x1  }
0xbb: {  	[sflag:s29] =	ssyncadd.s32 $0xFFFFFFFF  }
0xbc: {  	_ =	strace $0x9000004B  }
0xbd: {  	_ =	sfence  }
0xbe: {  	s30 =	sld [smem:$0x0];
	_ =	sdelay $0x2  }
0xbf: {  	s31 =	sshll.u32 s1, $0xD;
	s1 =	sshrl.u32 s1, $0x2  }
0xc0: {  	s3 =	sand.u32 $0x4000, s31;
	s1 =	sadd.s32 s1, s30  }
0xc1: {  	s0 =	sor.u32 s3, s0;
	s1 =	sshll.u32 s1, $0x11  }
0xc2: {  	s0 =	sor.u32 s1, s0  }
0xc3: {  	s0 =	sadd.s32 $0x8F2B, s0  }
0xc4: {  	[sflag:s0] =	ssyncadd.remote.s32 $0x1  }
0xc5: {  	_ =	sfence.sel $0xFFFF  }
0xc6: {  	[dreg:$0x0] =	wrdreg $0xFFFFFFFF;
	(pc) =	sbr.abs _section_cstart, $3  }
0xc7: {  	[dreg:$0x1] =	wrdreg $0xFFFFFFFF  }
0xc8: {  	_ =	task.clear_ibuf [dreg:s8], $0x2FFFF;
	_ =	strace $0x9FFFFFFF  }
0xc9: {  	(tm) =	ssettm $0x7FFFFFFF  }
tec
execute0_lowered:
.L_overlay_start_1:
0x0: {  	(tag) =	ssettag $0x1  }
0x1: {  	s0 =	rddreg [dreg:$0x1]  }
0x2: {  	s2 =	rddreg [dreg:$0x2];
	s3 =	simm.s32 $0x0;
	s1 =	srdreg.scid  }
0x3: {  	s4 =	stileid.u32;
	s16 =	simm.s32 $0x2;
	s23 =	simm.s32 $0xC880  }
0x4: {  	s24 =	simm.s32 $0xD080;
	s28 =	simm.s32 $0xE880;
	s29 =	simm.s32 $0xF080  }
0x5: {  	s30 =	simm.s32 $0xF880;
	s31 =	simm.s32 $0x10080;
	[smem:$0x7FF] =	sst s3  }
0x6: {  	s1 =	sand.u32 $0x1, s1;
	s4 =	sshll.u32 s4, $0x1;
	s5 =	sadd.s32 $0x2A00, s0  }
0x7: {  	s6 =	sadd.s32 $0x2AA00, s0;
	s8 =	sadd.s32 $0x100, s2;
	s9 =	sadd.s32 $0x200, s2  }
0x8: {  	s10 =	sadd.s32 $0x300, s2;
	s11 =	sadd.s32 $0x400, s2;
	s12 =	sadd.s32 $0x500, s2  }
0x9: {  	s13 =	sadd.s32 $0x600, s2;
	s14 =	sadd.s32 $0x700, s2;
	s25 =	ssub.s32 $0x2, s1  }
0xa: {  	s3 =	simm.s32 $0x11080;
	_ =	strace $0x8000004A;
	s7 =	sshrl.u32 s25, $0x1  }
0xb: {  	v2 =	vlaneseq.u32;
	s1 =	sor.u32 s1, s4;
	s4 =	simm.s32 $0x0;
	s26 =	ssub.s32 s25, s7  }
0xc: {  	vm0 =	vmmov $0xffff;
	v1 =	vshrl.u32 v2, $0x3;
	s7 =	smul.u32 $0x140, s1;
	s25 =	simm.s32 $0xD880;
	s0 =	smax.u32 s26, $0x1  }
0xd: {  	v0 =	vand.u32 $0x7, v2;
	v2 =	vor.u32 $0x8, v2;
	v1 =	vmul.u32 $0x8, v1;
	s26 =	simm.s32 $0xE080;
	[dreg:$0x4] =	wrdreg s0;
	s0 =	simm.s32 $0x1  }
.LBB2_1:
0xe: {  	[dreg:$0x5] =	wrdreg s4;
	s15 =	simm.s32 $0x0  }
.LBB2_2:
0xf: {  	s1 =	sshll.u32 s15, $0x5  }
0x10: {  	s4 =	sadd.s32 s7, s1  }
0x11: {  	s17 =	rddreg [dreg:$0x0];
	s1 =	sshrl.u32 s4, $0x3  }
0x12: {  	s17 =	sadd.s32 s17, s1;
	s1 =	simm.s32 $0x0  }
0x13: {  	[tilespmem:s1], [sflag:$0x2] =	stream.linear.gather [hbm4b:s17+s1], $0x20, $0x38;
	[tilespmem:$0x12080] =	vst v63  }
0x14: {  	_ =	swait.ge [sflag:s16], $0x20  }
0x15: {  	[sflag:s16] =	ssyncset.done $0x0  }
0x16: {  	[sflag:s16] =	ssyncadd.s32 $0xFFFFFFE0  }
0x17: {  	v3 =	vld [tilespmem:$0x0];
	_ =	sdelay $0x4  }
0x18: {  	v4 =	vshll.u32 v3, $0x4  }
0x19: {  	v3 =	vand.u32 $0x7, v3;
	v4 =	vand.u32 $0xFFFFFF80, v4  }
0x1a: {  	v3 =	vor.u32 v3, v4  }
0x1b: {  	v4 =	vperm.xlane v3, v0;
	_ =	sdelay $0x1  }
0x1c: {  	v4 =	vadd.s32 v1, v4;
	_ =	sdelay $0x3  }
0x1d: {  	s22 =	simm.s32 $0x80  }
0x1e: {  	[tilespmem:s22], [sflag:$0x1] =	stream.indirect_vreg.gather [hbm4b:s2+s1], $0x80, v4, vm0, $0xb8;
	[tilespmem:$0x12080] =	vst v63  }
0x1f: {  	s18 =	simm.s32 $0x880  }
0x20: {  	[tilespmem:s18], [sflag:$0x1] =	stream.indirect_vreg.gather [hbm4b:s8+s1], $0x80, v4, vm0, $0xb8;
	[tilespmem:$0x12080] =	vst v63  }
0x21: {  	s19 =	simm.s32 $0x1080  }
0x22: {  	[tilespmem:s19], [sflag:$0x1] =	stream.indirect_vreg.gather [hbm4b:s9+s1], $0x80, v4, vm0, $0xb8;
	[tilespmem:$0x12080] =	vst v63  }
0x23: {  	s20 =	simm.s32 $0x1880  }
0x24: {  	[tilespmem:s20], [sflag:$0x1] =	stream.indirect_vreg.gather [hbm4b:s10+s1], $0x80, v4, vm0, $0xb8;
	[tilespmem:$0x12080] =	vst v63  }
0x25: {  	s21 =	simm.s32 $0x2080  }
0x26: {  	[tilespmem:s21], [sflag:$0x1] =	stream.indirect_vreg.gather [hbm4b:s11+s1], $0x80, v4, vm0, $0xb8;
	[tilespmem:$0x12080] =	vst v63  }
0x27: {  	v3 =	vperm.xlane v3, v2;
	s22 =	simm.s32 $0x2880  }
0x28: {  	[tilespmem:s22], [sflag:$0x1] =	stream.indirect_vreg.gather [hbm4b:s12+s1], $0x80, v4, vm0, $0xb8;
	[tilespmem:$0x12080] =	vst v63  }
0x29: {  	v3 =	vadd.s32 v1, v3;
	s18 =	simm.s32 $0x3080  }
0x2a: {  	[tilespmem:s18], [sflag:$0x1] =	stream.indirect_vreg.gather [hbm4b:s13+s1], $0x80, v4, vm0, $0xb8;
	[tilespmem:$0x12080] =	vst v63  }
0x2b: {  	s19 =	simm.s32 $0x3880  }
0x2c: {  	[tilespmem:s19], [sflag:$0x1] =	stream.indirect_vreg.gather [hbm4b:s14+s1], $0x80, v4, vm0, $0xb8;
	[tilespmem:$0x12080] =	vst v63  }
0x2d: {  	s20 =	simm.s32 $0x4080  }
0x2e: {  	[tilespmem:s20], [sflag:$0x1] =	stream.indirect_vreg.gather [hbm4b:s2+s1], $0x80, v3, vm0, $0xb8;
	[tilespmem:$0x12080] =	vst v63  }
0x2f: {  	s21 =	simm.s32 $0x4880  }
0x30: {  	[tilespmem:s21], [sflag:$0x1] =	stream.indirect_vreg.gather [hbm4b:s8+s1], $0x80, v3, vm0, $0xb8;
	[tilespmem:$0x12080] =	vst v63  }
0x31: {  	s22 =	simm.s32 $0x5080  }
0x32: {  	[tilespmem:s22], [sflag:$0x1] =	stream.indirect_vreg.gather [hbm4b:s9+s1], $0x80, v3, vm0, $0xb8;
	[tilespmem:$0x12080] =	vst v63  }
0x33: {  	s18 =	simm.s32 $0x5880  }
0x34: {  	[tilespmem:s18], [sflag:$0x1] =	stream.indirect_vreg.gather [hbm4b:s10+s1], $0x80, v3, vm0, $0xb8;
	[tilespmem:$0x12080] =	vst v63  }
0x35: {  	s19 =	simm.s32 $0x6080  }
0x36: {  	[tilespmem:s19], [sflag:$0x1] =	stream.indirect_vreg.gather [hbm4b:s11+s1], $0x80, v3, vm0, $0xb8;
	[tilespmem:$0x12080] =	vst v63  }
0x37: {  	s20 =	simm.s32 $0x6880  }
0x38: {  	[tilespmem:s20], [sflag:$0x1] =	stream.indirect_vreg.gather [hbm4b:s12+s1], $0x80, v3, vm0, $0xb8;
	[tilespmem:$0x12080] =	vst v63  }
0x39: {  	s21 =	simm.s32 $0x7080  }
0x3a: {  	[tilespmem:s21], [sflag:$0x1] =	stream.indirect_vreg.gather [hbm4b:s13+s1], $0x80, v3, vm0, $0xb8;
	[tilespmem:$0x12080] =	vst v63  }
0x3b: {  	s22 =	simm.s32 $0x7880  }
0x3c: {  	[tilespmem:s22], [sflag:$0x1] =	stream.indirect_vreg.gather [hbm4b:s14+s1], $0x80, v3, vm0, $0xb8;
	[tilespmem:$0x12080] =	vst v63  }
0x3d: {  	v3 =	vld [tilespmem:$0x10];
	_ =	sdelay $0x4  }
0x3e: {  	v63 =	vshll.u32 v3, $0x4  }
0x3f: {  	v3 =	vand.u32 $0x7, v3;
	v4 =	vand.u32 $0xFFFFFF80, v63  }
0x40: {  	v3 =	vor.u32 v3, v4  }
0x41: {  	v4 =	vperm.xlane v3, v0;
	_ =	sdelay $0x1  }
0x42: {  	v4 =	vadd.s32 v1, v4;
	_ =	sdelay $0x3  }
0x43: {  	s18 =	simm.s32 $0x8080  }
0x44: {  	[tilespmem:s18], [sflag:$0x1] =	stream.indirect_vreg.gather [hbm4b:s2+s1], $0x80, v4, vm0, $0xb8;
	[tilespmem:$0x12080] =	vst v63  }
0x45: {  	s19 =	simm.s32 $0x8880  }
0x46: {  	[tilespmem:s19], [sflag:$0x1] =	stream.indirect_vreg.gather [hbm4b:s8+s1], $0x80, v4, vm0, $0xb8;
	[tilespmem:$0x12080] =	vst v63  }
0x47: {  	s20 =	simm.s32 $0x9080  }
0x48: {  	[tilespmem:s20], [sflag:$0x1] =	stream.indirect_vreg.gather [hbm4b:s9+s1], $0x80, v4, vm0, $0xb8;
	[tilespmem:$0x12080] =	vst v63  }
0x49: {  	s21 =	simm.s32 $0x9880  }
0x4a: {  	[tilespmem:s21], [sflag:$0x1] =	stream.indirect_vreg.gather [hbm4b:s10+s1], $0x80, v4, vm0, $0xb8;
	[tilespmem:$0x12080] =	vst v63  }
0x4b: {  	s22 =	simm.s32 $0xA080  }
0x4c: {  	[tilespmem:s22], [sflag:$0x1] =	stream.indirect_vreg.gather [hbm4b:s11+s1], $0x80, v4, vm0, $0xb8;
	[tilespmem:$0x12080] =	vst v63  }
0x4d: {  	v3 =	vperm.xlane v3, v2;
	s18 =	simm.s32 $0xA880  }
0x4e: {  	[tilespmem:s18], [sflag:$0x1] =	stream.indirect_vreg.gather [hbm4b:s12+s1], $0x80, v4, vm0, $0xb8;
	[tilespmem:$0x12080] =	vst v63  }
0x4f: {  	v3 =	vadd.s32 v1, v3;
	s19 =	simm.s32 $0xB080  }
0x50: {  	[tilespmem:s19], [sflag:$0x1] =	stream.indirect_vreg.gather [hbm4b:s13+s1], $0x80, v4, vm0, $0xb8;
	[tilespmem:$0x12080] =	vst v63  }
0x51: {  	s20 =	simm.s32 $0xB880  }
0x52: {  	[tilespmem:s20], [sflag:$0x1] =	stream.indirect_vreg.gather [hbm4b:s14+s1], $0x80, v4, vm0, $0xb8;
	[tilespmem:$0x12080] =	vst v63  }
0x53: {  	s21 =	simm.s32 $0xC080  }
0x54: {  	[tilespmem:s21], [sflag:$0x1] =	stream.indirect_vreg.gather [hbm4b:s2+s1], $0x80, v3, vm0, $0xb8;
	[tilespmem:$0x12080] =	vst v63  }
0x55: {  	_ = 	snop  }
0x56: {  	[tilespmem:s23], [sflag:$0x1] =	stream.indirect_vreg.gather [hbm4b:s8+s1], $0x80, v3, vm0, $0xb8;
	[tilespmem:$0x12080] =	vst v63  }
0x57: {  	_ = 	snop  }
0x58: {  	[tilespmem:s24], [sflag:$0x1] =	stream.indirect_vreg.gather [hbm4b:s9+s1], $0x80, v3, vm0, $0xb8;
	[tilespmem:$0x12080] =	vst v63  }
0x59: {  	_ = 	snop  }
0x5a: {  	[tilespmem:s25], [sflag:$0x1] =	stream.indirect_vreg.gather [hbm4b:s10+s1], $0x80, v3, vm0, $0xb8;
	[tilespmem:$0x12080] =	vst v63  }
0x5b: {  	_ = 	snop  }
0x5c: {  	[tilespmem:s26], [sflag:$0x1] =	stream.indirect_vreg.gather [hbm4b:s11+s1], $0x80, v3, vm0, $0xb8;
	[tilespmem:$0x12080] =	vst v63  }
0x5d: {  	_ = 	snop  }
0x5e: {  	[tilespmem:s28], [sflag:$0x1] =	stream.indirect_vreg.gather [hbm4b:s12+s1], $0x80, v3, vm0, $0xb8;
	[tilespmem:$0x12080] =	vst v63  }
0x5f: {  	_ = 	snop  }
0x60: {  	[tilespmem:s29], [sflag:$0x1] =	stream.indirect_vreg.gather [hbm4b:s13+s1], $0x80, v3, vm0, $0xb8;
	[tilespmem:$0x12080] =	vst v63  }
0x61: {  	s4 =	sshll.u32 s4, $0x4  }
0x62: {  	[tilespmem:s30], [sflag:$0x1] =	stream.indirect_vreg.gather [hbm4b:s14+s1], $0x80, v3, vm0, $0xb8;
	[tilespmem:$0x12080] =	vst v63  }
0x63: {  	s22 =	sadd.s32 s5, s4  }
0x64: {  	[tilespmem:s31], [sflag:$0x2] =	stream.linear.gather [hbm4b:s22+s1], $0x1000, $0x38;
	[tilespmem:$0x12080] =	vst v63  }
0x65: {  	_ =	swait.ge [sflag:s16], $0x1000  }
0x66: {  	[sflag:s16] =	ssyncset.done $0x0  }
0x67: {  	[sflag:s16] =	ssyncadd.s32 $0xFFFFF000  }
0x68: {  	_ =	swait.ge [sflag:s0], $0x10000  }
0x69: {  	s17 =	simm.s32 $0x100A0;
	s18 =	simm.s32 $0x110A0;
	[sflag:s0] =	ssyncset.done $0x0  }
0x6a: {  	s19 =	simm.s32 $0x0;
	s20 =	simm.s32 $0x0;
	[sflag:s0] =	ssyncadd.s32 $0xFFFF0000  }
.LBB2_3:
0x6b: {  	v6 =	vld [tilespmem:s17+$0xFFFFFFE0];
	s21 =	sand.u32 $0xC000, s19;
	s22 =	sand.u32 $0x380, s20  }
0x6c: {  	v5 =	vld [tilespmem:s17+$0x0];
	s21 =	sor.u32 s22, s21  }
0x6d: {  	v3 =	vld [tilespmem:s21+$0x80]  }
0x6e: {  	v4 =	vld [tilespmem:s21+$0x90]  }
0x6f: {  	v7 =	vld [tilespmem:s21+$0xA0]  }
0x70: {  	v8 =	vld [tilespmem:s21+$0xB0]  }
0x71: {  	v9 =	vld [tilespmem:s21+$0xC0]  }
0x72: {  	v10 =	vld [tilespmem:s21+$0xD0]  }
0x73: {  	v11 =	vld [tilespmem:s21+$0xE0]  }
0x74: {  	v12 =	vld [tilespmem:s21+$0xF0]  }
0x75: {  	v13 =	vld [tilespmem:s21+$0x480]  }
0x76: {  	v14 =	vld [tilespmem:s21+$0x490]  }
0x77: {  	v15 =	vld [tilespmem:s21+$0x4A0]  }
0x78: {  	v16 =	vld [tilespmem:s21+$0x4B0]  }
0x79: {  	v17 =	vld [tilespmem:s21+$0x4C0]  }
0x7a: {  	v18 =	vld [tilespmem:s21+$0x4D0]  }
0x7b: {  	v19 =	vld [tilespmem:s21+$0x4E0]  }
0x7c: {  	v20 =	vld [tilespmem:s21+$0x4F0]  }
0x7d: {  	v21 =	vld [tilespmem:s21+$0x880]  }
0x7e: {  	v22 =	vld [tilespmem:s21+$0x890]  }
0x7f: {  	v23 =	vld [tilespmem:s21+$0x8A0]  }
0x80: {  	v24 =	vld [tilespmem:s21+$0x8B0]  }
0x81: {  	v25 =	vld [tilespmem:s21+$0x8C0]  }
0x82: {  	v26 =	vld [tilespmem:s21+$0x8D0]  }
0x83: {  	v27 =	vld [tilespmem:s21+$0x8E0];
	v32 =	vbroadcast v6, $0x0;
	v34 =	vbroadcast v5, $0x0  }
0x84: {  	v28 =	vld [tilespmem:s21+$0x8F0];
	v36 =	vbroadcast v6, $0x1;
	v38 =	vbroadcast v5, $0x1  }
0x85: {  	v29 =	vld [tilespmem:s21+$0xC80];
	v63 =	vbroadcast v6, $0x2;
	v45 =	vbroadcast v5, $0x2  }
0x86: {  	v30 =	vld [tilespmem:s21+$0xC90];
	v48 =	vbroadcast v6, $0x3;
	v50 =	vbroadcast v5, $0x3  }
0x87: {  	v31 =	vld [tilespmem:s21+$0xCA0];
	v53 =	vbroadcast v6, $0x4;
	v56 =	vbroadcast v5, $0x4  }
0x88: {  	v33 =	vld [tilespmem:s21+$0xCB0];
	v58 =	vbroadcast v6, $0x5;
	v61 =	vbroadcast v5, $0x5  }
0x89: {  	v35 =	vld [tilespmem:s21+$0xCC0];
	v3 =	vmul.f32 v3, v32;
	v4 =	vmul.f32 v4, v32  }
0x8a: {  	v37 =	vld [tilespmem:s21+$0xCE0];
	v7 =	vmul.f32 v7, v34;
	v8 =	vmul.f32 v8, v34  }
0x8b: {  	v39 =	vld [tilespmem:s21+$0x1080];
	v9 =	vmul.f32 v9, v36;
	v10 =	vmul.f32 v10, v36  }
0x8c: {  	v40 =	vld [tilespmem:s21+$0x1090];
	v42 =	vmul.f32 v11, v38;
	v43 =	vmul.f32 v12, v38  }
0x8d: {  	v32 =	vld [tilespmem:s21+$0xCD0];
	v44 =	vmul.f32 v13, v63;
	v46 =	vmul.f32 v14, v63  }
0x8e: {  	v34 =	vld [tilespmem:s21+$0xCF0];
	v47 =	vmul.f32 v15, v45;
	v49 =	vmul.f32 v16, v45  }
0x8f: {  	v12 =	vld [tilespmem:s21+$0x10A0];
	v51 =	vmul.f32 v17, v48;
	v14 =	vmul.f32 v18, v48  }
0x90: {  	v38 =	vld [tilespmem:s21+$0x10B0];
	v52 =	vmul.f32 v19, v50;
	v54 =	vmul.f32 v20, v50  }
0x91: {  	v11 =	vld [tilespmem:s21+$0x10C0];
	v55 =	vmul.f32 v21, v53;
	v57 =	vmul.f32 v22, v53  }
0x92: {  	v15 =	vld [tilespmem:s21+$0x10D0];
	v59 =	vmul.f32 v23, v56;
	v60 =	vmul.f32 v25, v58  }
0x93: {  	v16 =	vld [tilespmem:s21+$0x10E0];
	v62 =	vmul.f32 v26, v58;
	v63 =	vmul.f32 v27, v61  }
0x94: {  	v17 =	vld [tilespmem:s21+$0x10F0];
	v36 =	vbroadcast v6, $0x6;
	v41 =	vmul.f32 v28, v61  }
0x95: {  	v19 =	vld [tilespmem:s21+$0x1480];
	v45 =	vbroadcast v6, $0x7;
	v48 =	vbroadcast v5, $0x7  }
0x96: {  	v13 =	vld [tilespmem:s21+$0x1490];
	v50 =	vbroadcast v6, $0x8;
	v53 =	vbroadcast v5, $0x8;
	v3 =	vadd.f32 $0.0e+00, v3  }
0x97: {  	v20 =	vld [tilespmem:s21+$0x14A0];
	v58 =	vbroadcast v5, $0x9;
	v4 =	vadd.f32 $0.0e+00, v4;
	v7 =	vadd.f32 $0.0e+00, v7  }
0x98: {  	v21 =	vld [tilespmem:s21+$0x14B0];
	v8 =	vadd.f32 $0.0e+00, v8;
	v18 =	vmul.f32 v30, v36;
	v3 =	vadd.f32 v9, v3  }
0x99: {  	v22 =	vld [tilespmem:s21+$0x14C0];
	v4 =	vadd.f32 v10, v4;
	v7 =	vadd.f32 v42, v7;
	v42 =	vbroadcast v5, $0x6  }
0x9a: {  	v25 =	vld [tilespmem:s21+$0x14F0];
	v8 =	vadd.f32 v43, v8;
	v43 =	vmul.f32 v29, v36;
	v23 =	vmul.f32 v34, v48  }
0x9b: {  	v26 =	vld [tilespmem:s21+$0x1880];
	v61 =	vmul.f32 v16, v58;
	v36 =	vmul.f32 v17, v58  }
0x9c: {  	v27 =	vld [tilespmem:s21+$0x1890];
	v58 =	vbroadcast v6, $0xE;
	v3 =	vadd.f32 v44, v3;
	v4 =	vadd.f32 v46, v4  }
0x9d: {  	v28 =	vld [tilespmem:s21+$0x1C90];
	v7 =	vadd.f32 v47, v7;
	v44 =	vmul.f32 v31, v42;
	v46 =	vmul.f32 v33, v42  }
0x9e: {  	v30 =	vld [tilespmem:s21+$0x18C0];
	v8 =	vadd.f32 v49, v8;
	v47 =	vmul.f32 v35, v45;
	v49 =	vmul.f32 v32, v45  }
0x9f: {  	v29 =	vld [tilespmem:s21+$0x18A0];
	v42 =	vbroadcast v5, $0xB;
	v45 =	vbroadcast v6, $0xC  }
0xa0: {  	v34 =	vld [tilespmem:s21+$0x18F0];
	v3 =	vadd.f32 v51, v3;
	v4 =	vadd.f32 v14, v4;
	v14 =	vmul.f32 v24, v56  }
0xa1: {  	v16 =	vld [tilespmem:s21+$0x1CC0];
	v7 =	vadd.f32 v52, v7;
	v51 =	vmul.f32 v37, v48;
	v52 =	vmul.f32 v39, v50  }
0xa2: {  	v31 =	vld [tilespmem:s21+$0x18D0];
	v8 =	vadd.f32 v54, v8;
	v54 =	vmul.f32 v40, v50;
	v56 =	vbroadcast v6, $0x9  }
0xa3: {  	v32 =	vld [tilespmem:s21+$0x18E0];
	v40 =	vbroadcast v6, $0xB;
	v48 =	vbroadcast v5, $0xC  }
0xa4: {  	v35 =	vld [tilespmem:s21+$0x1CA0];
	v3 =	vadd.f32 v55, v3;
	v4 =	vadd.f32 v57, v4;
	v55 =	vmul.f32 v12, v53  }
0xa5: {  	v24 =	vld [tilespmem:s21+$0x14D0];
	v7 =	vadd.f32 v59, v7;
	v57 =	vmul.f32 v38, v53;
	v59 =	vmul.f32 v11, v56  }
0xa6: {  	v33 =	vld [tilespmem:s21+$0x1CF0];
	v8 =	vadd.f32 v14, v8;
	v38 =	vbroadcast v5, $0xA;
	v50 =	vmul.f32 v29, v48  }
0xa7: {  	v14 =	vld [tilespmem:s21+$0x14E0];
	v3 =	vadd.f32 v60, v3;
	v4 =	vadd.f32 v62, v4;
	v60 =	vmul.f32 v15, v56  }
0xa8: {  	v39 =	vld [tilespmem:s21+$0x1CE0];
	v7 =	vadd.f32 v63, v7;
	v62 =	vbroadcast v6, $0xA;
	v20 =	vmul.f32 v20, v38  }
0xa9: {  	v12 =	vld [tilespmem:s21+$0x1CB0];
	v8 =	vadd.f32 v41, v8;
	v17 =	vmul.f32 v21, v38;
	v41 =	vmul.f32 v22, v40  }
0xaa: {  	v11 =	vld [tilespmem:s21+$0x1CD0];
	v15 =	vmul.f32 v24, v40;
	v3 =	vadd.f32 v43, v3;
	v4 =	vadd.f32 v18, v4  }
0xab: {  	v29 =	vld [tilespmem:s21+$0x2480];
	v7 =	vadd.f32 v44, v7;
	v37 =	vmul.f32 v19, v62;
	v13 =	vmul.f32 v13, v62  }
0xac: {  	v22 =	vld [tilespmem:s21+$0x20A0];
	v8 =	vadd.f32 v46, v8;
	v62 =	vbroadcast v5, $0xE;
	v44 =	vmul.f32 v14, v42  }
0xad: {  	v56 =	vld [tilespmem:s21+$0x20E0];
	v14 =	vmul.f32 v27, v45;
	v3 =	vadd.f32 v47, v3;
	v4 =	vadd.f32 v49, v4  }
0xae: {  	v18 =	vld [tilespmem:s21+$0x18B0];
	v7 =	vadd.f32 v51, v7;
	v47 =	vmul.f32 v25, v42;
	v49 =	vmul.f32 v26, v45  }
0xaf: {  	v38 =	vld [tilespmem:s21+$0x24D0];
	v8 =	vadd.f32 v23, v8;
	v51 =	vbroadcast v6, $0xD;
	v6 =	vbroadcast v6, $0xF  }
0xb0: {  	v24 =	vld [tilespmem:s21+$0x20B0];
	v12 =	vmul.f32 v12, v62;
	v3 =	vadd.f32 v52, v3;
	v4 =	vadd.f32 v54, v4  }
0xb1: {  	v43 =	vld [tilespmem:s21+$0x2080];
	v7 =	vadd.f32 v55, v7;
	v54 =	vmul.f32 v30, v51;
	v55 =	vbroadcast v5, $0xD  }
0xb2: {  	v23 =	vld [tilespmem:s21+$0x1C80];
	v8 =	vadd.f32 v57, v8;
	v57 =	vmul.f32 v31, v51;
	v31 =	vmul.f32 v28, v58  }
0xb3: {  	v46 =	vld [tilespmem:s21+$0x2090];
	v5 =	vbroadcast v5, $0xF;
	v53 =	vmul.f32 v18, v48  }
0xb4: {  	v42 =	vld [tilespmem:s21+$0x24F0];
	v3 =	vadd.f32 v59, v3;
	v63 =	vadd.f32 v60, v4;
	v60 =	vmul.f32 v32, v55  }
0xb5: {  	v7 =	vadd.f32 v61, v7;
	v4 =	vld [tilespmem:s17+$0xFFFFFFF0];
	v18 =	vmul.f32 v34, v55;
	v34 =	vmul.f32 v35, v62  }
0xb6: {  	v45 =	vld [tilespmem:s21+$0x2880];
	v8 =	vadd.f32 v36, v8;
	v39 =	vmul.f32 v39, v5;
	v5 =	vmul.f32 v33, v5  }
0xb7: {  	v52 =	vld [tilespmem:s21+$0x20C0];
	v61 =	vmul.f32 v23, v58;
	v9 =	vadd.f32 v37, v3;
	v10 =	vadd.f32 v13, v63  }
0xb8: {  	v3 =	vld [tilespmem:s17+$0x10];
	v7 =	vadd.f32 v20, v7;
	v8 =	vadd.f32 v17, v8;
	v37 =	vmul.f32 v16, v6  }
0xb9: {  	v48 =	vld [tilespmem:s21+$0x2890];
	v6 =	vmul.f32 v11, v6;
	v9 =	vadd.f32 v41, v9;
	v10 =	vadd.f32 v15, v10  }
0xba: {  	v59 =	vld [tilespmem:s21+$0x20F0];
	v7 =	vadd.f32 v44, v7;
	v8 =	vadd.f32 v47, v8;
	v40 =	vbroadcast v4, $0x0  }
0xbb: {  	v32 =	vld [tilespmem:s21+$0x24A0];
	v47 =	vbroadcast v4, $0x1;
	v25 =	vbroadcast v4, $0xB;
	v9 =	vadd.f32 v49, v9  }
0xbc: {  	v35 =	vld [tilespmem:s21+$0x24B0];
	v10 =	vadd.f32 v14, v10;
	v7 =	vadd.f32 v50, v7;
	v43 =	vmul.f32 v43, v40  }
0xbd: {  	v36 =	vld [tilespmem:s21+$0x24C0];
	v8 =	vadd.f32 v53, v8;
	v44 =	vbroadcast v3, $0x0;
	v46 =	vmul.f32 v46, v40  }
0xbe: {  	v55 =	vld [tilespmem:s21+$0x28C0];
	v51 =	vmul.f32 v52, v47;
	v52 =	vbroadcast v3, $0x1;
	v10 =	vadd.f32 v57, v10  }
0xbf: {  	v58 =	vld [tilespmem:s21+$0x28D0];
	v7 =	vadd.f32 v60, v7;
	v57 =	vbroadcast v4, $0x2;
	v60 =	vbroadcast v3, $0x2  }
0xc0: {  	v14 =	vld [tilespmem:s21+$0x20D0];
	v9 =	vadd.f32 v54, v9;
	v49 =	vmul.f32 v22, v44;
	v13 =	vmul.f32 v24, v44  }
0xc1: {  	v63 =	vld [tilespmem:s21+$0x2490];
	v8 =	vadd.f32 v18, v8;
	v56 =	vmul.f32 v56, v52;
	v59 =	vmul.f32 v59, v52  }
0xc2: {  	v41 =	vld [tilespmem:s21+$0x24E0];
	v44 =	vbroadcast v3, $0x4;
	v52 =	vbroadcast v3, $0x5;
	v9 =	vadd.f32 v61, v9  }
0xc3: {  	v50 =	vld [tilespmem:s21+$0x28A0];
	v10 =	vadd.f32 v31, v10;
	v62 =	vmul.f32 v29, v57;
	v30 =	vmul.f32 v32, v60  }
0xc4: {  	v53 =	vld [tilespmem:s21+$0x28B0];
	v7 =	vadd.f32 v34, v7;
	v31 =	vbroadcast v4, $0x3;
	v33 =	vmul.f32 v35, v60  }
0xc5: {  	v40 =	vld [tilespmem:s21+$0x2CB0];
	v8 =	vadd.f32 v12, v8;
	v29 =	vbroadcast v4, $0x7;
	v54 =	vmul.f32 v14, v47  }
0xc6: {  	v61 =	vld [tilespmem:s21+$0x28E0];
	v14 =	vmul.f32 v63, v57;
	v57 =	vbroadcast v4, $0x6;
	v9 =	vadd.f32 v37, v9  }
0xc7: {  	v32 =	vld [tilespmem:s21+$0x2C80];
	v6 =	vadd.f32 v6, v10;
	v35 =	vmul.f32 v36, v31;
	v36 =	vbroadcast v3, $0x3  }
0xc8: {  	v34 =	vld [tilespmem:s21+$0x2C90];
	v7 =	vadd.f32 v39, v7;
	v5 =	vadd.f32 v5, v8;
	v39 =	vbroadcast v4, $0x4  }
0xc9: {  	v60 =	vld [tilespmem:s21+$0x30B0];
	v38 =	vmul.f32 v38, v31;
	v9 =	vadd.f32 v43, v9;
	v41 =	vmul.f32 v41, v36  }
0xca: {  	v63 =	vld [tilespmem:s21+$0x28F0];
	v6 =	vadd.f32 v46, v6;
	v10 =	vmul.f32 v42, v36;
	v43 =	vmul.f32 v45, v39  }
0xcb: {  	v47 =	vld [tilespmem:s21+$0x2CE0];
	v7 =	vadd.f32 v49, v7;
	v46 =	vmul.f32 v48, v39;
	v48 =	vmul.f32 v50, v44  }
0xcc: {  	v37 =	vld [tilespmem:s21+$0x2CA0];
	v5 =	vadd.f32 v13, v5;
	v49 =	vbroadcast v4, $0x5;
	v39 =	vbroadcast v4, $0x8  }
0xcd: {  	v42 =	vld [tilespmem:s21+$0x2CC0];
	v28 =	vmul.f32 v34, v57;
	v34 =	vbroadcast v3, $0x7;
	v8 =	vadd.f32 v51, v9  }
0xce: {  	v45 =	vld [tilespmem:s21+$0x2CD0];
	v6 =	vadd.f32 v54, v6;
	v51 =	vmul.f32 v53, v44;
	v54 =	vmul.f32 v55, v49  }
0xcf: {  	v50 =	vld [tilespmem:s21+$0x2CF0];
	v7 =	vadd.f32 v56, v7;
	v12 =	vmul.f32 v58, v49;
	v56 =	vmul.f32 v61, v52  }
0xd0: {  	v5 =	vadd.f32 v59, v5;
	v53 =	vld [tilespmem:s21+$0x3080];
	v59 =	vmul.f32 v63, v52;
	v61 =	vmul.f32 v32, v57  }
0xd1: {  	v55 =	vld [tilespmem:s21+$0x3090];
	v52 =	vbroadcast v3, $0x9;
	v8 =	vadd.f32 v62, v8;
	v6 =	vadd.f32 v14, v6  }
0xd2: {  	v58 =	vld [tilespmem:s21+$0x30A0];
	v5 =	vadd.f32 v33, v5;
	v62 =	vbroadcast v3, $0x6;
	v33 =	vmul.f32 v42, v29  }
0xd3: {  	v32 =	vld [tilespmem:s21+$0x30E0];
	v7 =	vadd.f32 v30, v7;
	v36 =	vmul.f32 v45, v29;
	v42 =	vbroadcast v3, $0x8  }
0xd4: {  	v63 =	vld [tilespmem:s21+$0x30C0];
	v6 =	vadd.f32 v38, v6;
	v31 =	vmul.f32 v37, v62;
	v17 =	vmul.f32 v40, v62  }
0xd5: {  	v30 =	vld [tilespmem:s21+$0x30D0];
	v7 =	vadd.f32 v41, v7;
	v38 =	vmul.f32 v47, v34;
	v41 =	vmul.f32 v50, v34  }
0xd6: {  	v45 =	vld [tilespmem:s21+$0x34B0];
	v8 =	vadd.f32 v35, v8;
	v47 =	vbroadcast v4, $0x9;
	v44 =	vmul.f32 v53, v39  }
0xd7: {  	v5 =	vadd.f32 v10, v5;
	v35 =	vld [tilespmem:s21+$0x30F0];
	v11 =	vmul.f32 v55, v39;
	v49 =	vmul.f32 v60, v42  }
0xd8: {  	v37 =	vld [tilespmem:s21+$0x3480];
	v55 =	vbroadcast v4, $0xA;
	v57 =	vmul.f32 v32, v52;
	v8 =	vadd.f32 v43, v8  }
0xd9: {  	v40 =	vld [tilespmem:s21+$0x3490];
	v60 =	vbroadcast v3, $0xA;
	v6 =	vadd.f32 v46, v6;
	v7 =	vadd.f32 v48, v7  }
0xda: {  	v5 =	vadd.f32 v51, v5;
	v46 =	vmul.f32 v58, v42;
	v51 =	vmul.f32 v63, v47  }
0xdb: {  	v43 =	vld [tilespmem:s21+$0x34A0];
	v8 =	vadd.f32 v54, v8;
	v6 =	vadd.f32 v12, v6;
	v54 =	vmul.f32 v30, v47  }
0xdc: {  	s22 =	sand.u32 $0x7, s1;
	v48 =	vld [tilespmem:s21+$0x34C0];
	v7 =	vadd.f32 v56, v7;
	v27 =	vmul.f32 v45, v60;
	v47 =	vbroadcast v3, $0xD  }
0xdd: {  	s22 =	sshll.u32 s22, $0x7;
	v53 =	vld [tilespmem:s21+$0x34E0];
	v5 =	vadd.f32 v59, v5;
	v12 =	vmul.f32 v35, v52;
	v59 =	vmul.f32 v37, v55  }
0xde: {  	s22 =	sadd.s32 s22, s19;
	v50 =	vld [tilespmem:s21+$0x34D0];
	v62 =	vmul.f32 v40, v55;
	v52 =	vbroadcast v4, $0xE;
	v8 =	vadd.f32 v61, v8  }
0xdf: {  	v56 =	vld [tilespmem:s21+$0x34F0];
	s21 =	sor.u32 $0x3800, s22;
	v55 =	vbroadcast v3, $0xE;
	v6 =	vadd.f32 v28, v6;
	v7 =	vadd.f32 v31, v7  }
0xe0: {  	v58 =	vld [tilespmem:s21+$0x80];
	s21 =	sor.u32 $0x3810, s22;
	v5 =	vadd.f32 v17, v5;
	v28 =	vbroadcast v3, $0xB;
	v24 =	vmul.f32 v43, v60  }
0xe1: {  	v61 =	vld [tilespmem:s21+$0x80];
	s21 =	sor.u32 $0x3820, s22;
	v30 =	vmul.f32 v48, v25;
	v8 =	vadd.f32 v33, v8;
	v6 =	vadd.f32 v36, v6  }
0xe2: {  	v63 =	vld [tilespmem:s21+$0x80];
	s21 =	sor.u32 $0x3830, s22;
	v7 =	vadd.f32 v38, v7;
	v32 =	vmul.f32 v53, v28;
	v33 =	vbroadcast v4, $0xC  }
0xe3: {  	v5 =	vadd.f32 v41, v5;
	v26 =	vld [tilespmem:s21+$0x80];
	s21 =	sor.u32 $0x3840, s22;
	v38 =	vbroadcast v3, $0xC;
	v41 =	vbroadcast v4, $0xD  }
0xe4: {  	v4 =	vbroadcast v4, $0xF;
	v3 =	vbroadcast v3, $0xF;
	v29 =	vld [tilespmem:s21+$0x80];
	s21 =	sor.u32 $0x3850, s22  }
0xe5: {  	v35 =	vmul.f32 v56, v28;
	v8 =	vadd.f32 v44, v8;
	v6 =	vadd.f32 v11, v6;
	v31 =	vld [tilespmem:s21+$0x80];
	s21 =	sor.u32 $0x3860, s22  }
0xe6: {  	v7 =	vadd.f32 v46, v7;
	v5 =	vadd.f32 v49, v5;
	v11 =	vmul.f32 v50, v25;
	v34 =	vld [tilespmem:s21+$0x80];
	s21 =	sor.u32 $0x3870, s22  }
0xe7: {  	v37 =	vmul.f32 v58, v33;
	v8 =	vadd.f32 v51, v8;
	v6 =	vadd.f32 v54, v6;
	v36 =	vld [tilespmem:s21+$0x80];
	s21 =	sor.u32 $0x3C00, s22  }
0xe8: {  	v40 =	vmul.f32 v61, v33;
	v7 =	vadd.f32 v57, v7;
	v5 =	vadd.f32 v12, v5;
	v39 =	vld [tilespmem:s21+$0x80];
	s21 =	sor.u32 $0x3C10, s22  }
0xe9: {  	v43 =	vmul.f32 v63, v38;
	v8 =	vadd.f32 v59, v8;
	v6 =	vadd.f32 v62, v6;
	v42 =	vld [tilespmem:s21+$0x80];
	s21 =	sor.u32 $0x3C20, s22  }
0xea: {  	v44 =	vmul.f32 v26, v38;
	v7 =	vadd.f32 v24, v7;
	v5 =	vadd.f32 v27, v5;
	v45 =	vld [tilespmem:s21+$0x80];
	s21 =	sor.u32 $0x3C30, s22  }
0xeb: {  	v46 =	vmul.f32 v29, v41;
	v8 =	vadd.f32 v30, v8;
	v6 =	vadd.f32 v11, v6;
	v48 =	vld [tilespmem:s21+$0x80];
	s21 =	sor.u32 $0x3C40, s22  }
0xec: {  	v49 =	vmul.f32 v31, v41;
	v7 =	vadd.f32 v32, v7;
	v5 =	vadd.f32 v35, v5;
	v50 =	vld [tilespmem:s21+$0x80];
	s21 =	sor.u32 $0x3C50, s22  }
0xed: {  	v51 =	vmul.f32 v34, v47;
	v8 =	vadd.f32 v37, v8;
	v6 =	vadd.f32 v40, v6;
	v53 =	vld [tilespmem:s21+$0x80];
	s21 =	sor.u32 $0x3C60, s22  }
0xee: {  	v54 =	vmul.f32 v36, v47;
	v7 =	vadd.f32 v43, v7;
	v5 =	vadd.f32 v44, v5;
	s22 =	sor.u32 $0x3C70, s22;
	v56 =	vld [tilespmem:s21+$0x80]  }
0xef: {  	v57 =	vmul.f32 v39, v52;
	v58 =	vld [tilespmem:s22+$0x80];
	v8 =	vadd.f32 v46, v8;
	v6 =	vadd.f32 v49, v6  }
0xf0: {  	v59 =	vmul.f32 v42, v52;
	v7 =	vadd.f32 v51, v7;
	v5 =	vadd.f32 v54, v5  }
0xf1: {  	v13 =	vmul.f32 v45, v55;
	v8 =	vadd.f32 v57, v8;
	v60 =	vmul.f32 v50, v4  }
0xf2: {  	v61 =	vmul.f32 v48, v55;
	v6 =	vadd.f32 v59, v6;
	v4 =	vmul.f32 v53, v4  }
0xf3: {  	p0 =	sne.s32 s20, $0xF80;
	v7 =	vadd.f32 v13, v7;
	v8 =	vadd.f32 v60, v8;
	v62 =	vmul.f32 v56, v3  }
.Ltmp0:
0xf4: {  	v5 =	vadd.f32 v61, v5;
	v3 =	vmul.f32 v58, v3;
	v4 =	vadd.f32 v4, v6;
	(pc) =	sbr.rel @p0 .LBB2_3-.Ltmp0, $4  }
0xf5: {  	v63 =	vadd.f32 v62, v7;
	[tilespmem:s18+$0xFFFFFFE0] =	vst v8  }
0xf6: {  	v3 =	vadd.f32 v3, v5;
	[tilespmem:s18+$0xFFFFFFF0] =	vst v4  }
0xf7: {  	s20 =	sadd.s32 $0x80, s20;
	s1 =	sadd.s32 $0x1, s1;
	[tilespmem:s18+$0x0] =	vst v63  }
0xf8: {  	s19 =	sadd.s32 $0x800, s19;
	s17 =	sadd.s32 $0x80, s17;
	[tilespmem:s18+$0x10] =	vst v3;
	s18 =	sadd.s32 $0x80, s18  }
0xf9: {  	s15 =	sadd.s32 $0x1, s15  }
0xfa: {  	p0 =	sne.s32 s15, $0xA  }
.Ltmp1:
0xfb: {  	s1 =	sadd.s32 s6, s4;
	s22 =	simm.s32 $0x0;
	(pc) =	sbr.rel @p0 .LBB2_2-.Ltmp1, $4  }
0xfc: {  	[hbm4b:s1+s22] =	stream.linear.scatter [tilespmem:s3], [sflag:$0x2], $0x1000, $0x38;
	[tilespmem:$0x12080] =	vst v63  }
0xfd: {  	_ =	swait.ge [sflag:s16], $0x1000  }
0xfe: {  	[sflag:s16] =	ssyncset.done $0x0  }
0xff: {  	[sflag:s16] =	ssyncadd.s32 $0xFFFFF000  }
0x100: {  	s4 =	rddreg [dreg:$0x5]  }
0x101: {  	s1 =	rddreg [dreg:$0x4];
	s4 =	sadd.s32 $0x1, s4  }
0x102: {  	p0 =	sne.s32 s4, s1  }
.Ltmp2:
0x103: {  	_ = 	snop;
	(pc) =	sbr.rel @p0 .LBB2_1-.Ltmp2, $1  }
0x104: {  	_ =	sdelay $0x3  }
0x105: {  	_ =	sfence.sel $0x180000  }
0x106: {  	[bflag:$0x0] =	sbarrier.arrive $0xFFFF  }
0x107: {  	_ =	strace $0x9000004A  }
0x108: {  	s0 =	stileid.u32;
	[bflag:$0x2] =	sbarrier.arrive $0xFFFF  }
0x109: {  	p0 =	sne.s32 s0, $0x0;
	s0 =	rddreg [dreg:$0x3]  }
0x10a: {  	s0 =	sadd.s32 @!p0 $0x100000, s0  }
0x10b: {  	[sflag:s0] =	ssyncadd.tile.s32 @!p0 $0x1;
	_ =	shalt  }
.Lfunc_end2:
_tile_overlayer_lowered:
.L_overlay_start_2:
0x10c: {  	(tag) =	ssettag $0x2  }
0x10d: {  	s0 =	rddreg [dreg:$0x0];
	s2 =	stileid.u32  }
0x10e: {  	s1 =	rddreg [dreg:$0x1];
	p0 =	sne.s32 s2, $0x0  }
0x10f: {  	s3 =	rddreg [dreg:$0x2];
	[bflag:$0x3] =	sbarrier.arrive $0xFFFF;
	s2 =	simm.s32 @!p0 $0x1C02  }
0x110: {  	[timem:s3], [sflag:s2] =	dma.local @!p0 [hbm:s0], s1  }
0x111: {  	s0 =	simm.s32 @!p0 $0x2  }
0x112: {  	_ =	swait.ge @!p0 [sflag:s0], s1  }
0x113: {  	s1 =	ssub.s32 @!p0 $0x0, s1;
	[sflag:s0] =	ssyncset.done @!p0 $0x0  }
0x114: {  	[sflag:s0] =	ssyncadd.s32 @!p0 s1  }
0x115: {  	[bflag:$0x3] =	sbarrier.arrive $0xFFFF  }
0x116: {  	_ =	shalt  }

</sc_bundles>
